<compile_context>
chip_gen: v7x
topology: tpu7x:2x2x1
jax: 0.10.2.dev20260603
libtpu: 0.0.44.dev20260713+nightly
codegen_flags: <defaults>
</compile_context>

<pallas_src>
import functools

import numpy as np
import jax
import jax.numpy as jnp
from jax import lax
from jax.experimental import pallas as pl
from jax.experimental.pallas import tpu as pltpu
from jax.experimental.pallas import tpu_sc as plsc

_RB = 512


def _tc_stats_body(x_ref, t_ref, lse_ref, rs_ref, xt_ref):
    x = x_ref[...]
    rb, v = x.shape
    m = jnp.max(x, axis=1)
    se = jnp.sum(jnp.exp(x - m[:, None]), axis=1)
    t = t_ref[0, 0, :]
    cols = lax.broadcasted_iota(jnp.int32, (rb, v), 1)
    xt = jnp.sum(jnp.where(cols == t[:, None], x, 0.0), axis=1)
    lse_ref[0, 0, :] = m + jnp.log(se)
    rs_ref[0, 0, :] = jnp.sum(x, axis=1)
    xt_ref[0, 0, :] = xt


def _tc_stats(x, t3):
    n, v = x.shape
    nblk = n // _RB
    vec = jax.ShapeDtypeStruct((nblk, 1, _RB), jnp.float32)
    return pl.pallas_call(
        _tc_stats_body,
        grid=(nblk,),
        in_specs=[
            pl.BlockSpec((_RB, v), lambda i: (i, 0)),
            pl.BlockSpec((1, 1, _RB), lambda i: (i, 0, 0)),
        ],
        out_specs=[
            pl.BlockSpec((1, 1, _RB), lambda i: (i, 0, 0)),
            pl.BlockSpec((1, 1, _RB), lambda i: (i, 0, 0)),
            pl.BlockSpec((1, 1, _RB), lambda i: (i, 0, 0)),
        ],
        out_shape=[vec, vec, vec],
    )(x, t3)


def _tc_combine_body(lse_ref, rs_ref, xt_ref, ns_ref, out_ref, *, c_smooth, v):
    lse = lse_ref[...]
    rs = rs_ref[...]
    xt = xt_ref[...]
    ns = ns_ref[...]
    w = ns * (c_smooth / (v - 1))
    src = 1.0 - v * w
    logp_t = xt - lse
    s_row = rs - v * lse
    ent = (v - 1.0) * (w * jnp.log(jnp.where(w > 0, w, 1.0))) \
        + src * jnp.log(jnp.where(src > 0, src, 1.0))
    cross = w * (s_row - logp_t) + src * logp_t
    out_ref[0, 0] = jnp.sum(ent - cross)


def _tc_combine(lse, rs, xt, ns3, c_smooth, v):
    return pl.pallas_call(
        functools.partial(_tc_combine_body, c_smooth=c_smooth, v=v),
        out_specs=pl.BlockSpec(memory_space=pltpu.SMEM),
        out_shape=jax.ShapeDtypeStruct((1, 1), jnp.float32),
    )(lse, rs, xt, ns3)


def _sc_fetch(table2d, row_idx, col_idx):
    info = plsc.get_sparse_core_info()
    nc, ns_sub = info.num_cores, info.num_subcores
    nw = nc * ns_sub
    n = row_idx.shape[0]
    bpw = n // nw
    mesh = plsc.VectorSubcoreMesh(core_axis_name="c", subcore_axis_name="s")

    nrow, ncol = table2d.shape
    view = (
        table2d.reshape(nrow // 8, 8, ncol // 128, 128)
        .swapaxes(1, 2)
        .reshape(nrow * ncol // 128, 128)
    )
    vrow = ((row_idx >> 3) * (ncol // 128) + (col_idx >> 7)) * 8 + (row_idx & 7)
    vlane = col_idx & 127

    @functools.partial(
        pl.kernel,
        mesh=mesh,
        out_type=jax.ShapeDtypeStruct((n,), jnp.float32),
        scratch_types=[
            pltpu.VMEM((bpw,), jnp.int32),
            pltpu.VMEM((bpw,), jnp.int32),
            pltpu.VMEM((bpw, 128), jnp.float32),
            pltpu.VMEM((bpw,), jnp.float32),
            pltpu.SemaphoreType.DMA,
        ],
    )
    def k(view_hbm, vr_hbm, ln_hbm, out_hbm, vr_v, ln_v, rows_v, vals_v, sem):
        wid = lax.axis_index("s") * nc + lax.axis_index("c")
        base = wid * bpw
        pltpu.sync_copy(vr_hbm.at[pl.ds(base, bpw)], vr_v)
        pltpu.sync_copy(ln_hbm.at[pl.ds(base, bpw)], ln_v)
        pltpu.async_copy(view_hbm.at[vr_v], rows_v, sem).wait()
        lane = lax.iota(jnp.int32, 16)
        for g in range(bpw // 16):
            o = g * 16
            lnv = ln_v[pl.ds(o, 16)]
            acc = jnp.zeros((16,), jnp.float32)
            for i in range(16):
                ln = lnv[i]
                w = rows_v[o + i, pl.ds((ln >> 4) * 16, 16)]
                v16 = lax.gather(
                    w,
                    jnp.full((16, 1), ln & 15, jnp.int32),
                    lax.GatherDimensionNumbers(
                        offset_dims=(), collapsed_slice_dims=(0,),
                        start_index_map=(0,)),
                    (1,),
                    mode=lax.GatherScatterMode.PROMISE_IN_BOUNDS,
                )
                acc = jnp.where(lane == i, v16, acc)
            vals_v[pl.ds(o, 16)] = acc
        pltpu.sync_copy(vals_v, out_hbm.at[pl.ds(base, bpw)])

    return k(view, vrow, vlane)


def kernel(inputs, targets, placeholder, labels, matric):
    nb, nt = targets.shape
    n = nb * nt
    v = inputs.shape[-1]
    x = inputs.reshape(n, v)
    t = targets.reshape(-1)

    seg_count = labels.shape[0]
    seg_len = labels.shape[1] + 1
    c_smooth = float(1.0 - np.power(1.0 - 0.1, 1.0 / np.float64(seg_len)))

    prev = jnp.concatenate(
        [jnp.full((nb, 1), n - 1, dtype=targets.dtype), targets[:, : nt - 1]],
        axis=1,
    ).reshape(-1)
    nblk = n // _RB
    t3 = t.reshape(nblk, 1, _RB)
    lse, rs, xt = _tc_stats(x, t3)
    need_smoothed = _sc_fetch(matric, prev, t)
    ns3 = need_smoothed.reshape(nblk, 1, _RB)
    total = _tc_combine(lse, rs, xt, ns3, c_smooth, v)[0, 0]
    return total / jnp.float32(seg_count * seg_len)

# --- scband reference (transcript-rebuilt; emitter-appended) ---
"""Pipeline reference for scband-casls-chinese-attn-loss-2113123910203 (READ-ONLY COPY).

The authoritative reference and input builder live on the scoring server;
editing this copy changes nothing except your own understanding.
"""

import jax, jax.numpy as jnp
import numpy as np
from jax.scipy.special import xlogy

B, T, V = 16, 256, 4096
ALPHA = 0.1


def setup_inputs(seed: int = 0) -> dict:
    key = jax.random.key(seed)
    k1, k2, k3, k4 = jax.random.split(key, 4)
    inputs = jax.random.normal(k1, (B, T, V), dtype=jnp.float32)
    # targets: values in [2, V); each sequence ends with EOS token 1 so the
    # segmentation loop (split at targets == 1) sees exactly B segments of length T.
    targets = jax.random.randint(k2, (B, T), 2, V, dtype=jnp.int32)
    targets = targets.at[:, T - 1].set(1)
    placeholder = jnp.zeros((1,), dtype=jnp.float32)  # unused '_' arg of forward
    labels = jax.random.randint(k3, (B, T - 1), 2, V, dtype=jnp.int32)  # only len() used
    # matric: confusion/similarity matrix; rows must cover index N-1 = B*T-1 and
    # all token ids, so shape [B*T, V] = [4096, 4096].
    matric = jax.random.uniform(k4, (B * T, V), dtype=jnp.float32)
    return {"inputs": inputs, "targets": targets, "placeholder": placeholder, "labels": labels, "matric": matric}


def _need_smoothed(t_np, m_np):
    N = t_np.shape[0]
    i = 0
    parts = []
    for j in np.nonzero(t_np == 1)[0]:
        forth = np.full(j + 1 - i, N - 1, dtype=np.int64)
        forth[1:] = t_np[i:j]
        parts.append(m_np[forth, t_np[i:j + 1]])
        i = j + 1
    return np.concatenate(parts, 0)


def reference(inputs, targets, placeholder, labels, matric):
    x = inputs.reshape(-1, inputs.shape[-1])
    t = targets.reshape(-1)
    nclass = x.shape[-1]
    # ignore_index = -1 < 0, so no filtering step.
    nB, nT = targets.shape
    N = nB * nT
    t2d = targets
    prev = jnp.concatenate(
        [jnp.full((nB, 1), N - 1, dtype=t2d.dtype), t2d[:, : nT - 1]], axis=1
    )
    need_smoothed = matric[prev, t2d].reshape(-1).astype(jnp.float32)
    seg_count = labels.shape[0]
    seg_len = labels.shape[1] + 1
    smoothing_b = 1.0 - np.power(1.0 - ALPHA, 1.0 / np.int64(seg_len))
    smoothing = jnp.full((N,), np.float32(smoothing_b), dtype=jnp.float32) * need_smoothed
    weight = jnp.ones_like(x) * (smoothing / (nclass - 1)).reshape(-1, 1)
    src = 1.0 - weight.sum(axis=1)
    weight = weight.at[jnp.arange(weight.shape[0]), t].set(src)
    logp = jax.nn.log_softmax(x, axis=1)
    # KLDivLoss(reduction='none'): target * (log(target) - input), with 0*log(0) = 0
    kl = xlogy(weight, weight) - weight * logp
    return kl.sum() / jnp.asarray(float(seg_count * seg_len), dtype=kl.dtype)

if __name__ == "__main__":
    import jax
    _d = setup_inputs()
    print(jax.jit(kernel)(*tuple(_d.values())))

</pallas_src>

<mosaic_0001>
#map = affine_map<(d0, d1) -> (0, 0)>
#map1 = affine_map<(d0, d1) -> (0)>
module attributes {stable_mosaic.version = 14 : i64} {
  func.func @k(%arg0: i32, %arg1: i32, %arg2: memref<131072x128xf32, #tpu.memory_space<hbm>>, %arg3: memref<4096xi32, #tpu.memory_space<hbm>>, %arg4: memref<4096xi32, #tpu.memory_space<hbm>>, %arg5: memref<4096xf32, #tpu.memory_space<hbm>>, %arg6: memref<128xi32, #tpu.memory_space<vmem>>, %arg7: memref<128xi32, #tpu.memory_space<vmem>>, %arg8: memref<128x128xf32, #tpu.memory_space<vmem>>, %arg9: memref<128xf32, #tpu.memory_space<vmem>>, %arg10: memref<!tpu.dma_semaphore, #tpu.memory_space<semaphore_mem>>) attributes {dimension_semantics = [#tpu.dimension_semantics<core_parallel>, #tpu.dimension_semantics<subcore_parallel>], iteration_bounds = array<i64: 2, 16>, scalar_prefetch = 0 : i64, scratch_operands = 5 : i64, tpu.core_type = #tpu.core_type<sc_vector_subcore>, window_params = [{transform_indices = #map}, {transform_indices = #map1}, {transform_indices = #map1}, {transform_indices = #map1}]} {
    %mul3A = arith.constant 2 : i32
    %mul3A_0 = arith.muli %arg1, %mul3A : i32
    %add3A = arith.addi %mul3A_0, %arg0 : i32
    %mul3A_1 = arith.constant 128 : i32
    %mul3A_2 = arith.muli %add3A, %mul3A_1 : i32
    "tpu.region"() ({
      %run_scoped3A = tpu.sem_alloc : memref<!tpu.dma_semaphore, #tpu.memory_space<semaphore_mem>>
      %dma_start3A_2629 = tpu.memref_slice %arg3[%mul3A_2] : memref<4096xi32, #tpu.memory_space<hbm>> -> memref<128xi32, #tpu.memory_space<hbm>>
      %dma_start3A_2630 = tpu.memref_slice %arg3[%mul3A_2] : memref<4096xi32, #tpu.memory_space<hbm>> -> memref<128xi32, #tpu.memory_space<hbm>>
      tpu.enqueue_dma source(%dma_start3A_2630 : memref<128xi32, #tpu.memory_space<hbm>>) target(%arg6 : memref<128xi32, #tpu.memory_space<vmem>>) target_semaphore(%run_scoped3A : memref<!tpu.dma_semaphore, #tpu.memory_space<semaphore_mem>>)
      %dma_wait3A_2631 = tpu.memref_slice %arg3[%mul3A_2] : memref<4096xi32, #tpu.memory_space<hbm>> -> memref<128xi32, #tpu.memory_space<hbm>>
      %dma_wait3A_2632 = tpu.memref_slice %arg3[%mul3A_2] : memref<4096xi32, #tpu.memory_space<hbm>> -> memref<128xi32, #tpu.memory_space<hbm>>
      tpu.wait_dma2 semaphore(%run_scoped3A : memref<!tpu.dma_semaphore, #tpu.memory_space<semaphore_mem>>) src(%dma_wait3A_2632 : memref<128xi32, #tpu.memory_space<hbm>>) dst(%arg6 : memref<128xi32, #tpu.memory_space<vmem>>)
      tpu.yield
    }) : () -> ()
    "tpu.region"() ({
      %run_scoped3A = tpu.sem_alloc : memref<!tpu.dma_semaphore, #tpu.memory_space<semaphore_mem>>
      %dma_start3A_2629 = tpu.memref_slice %arg4[%mul3A_2] : memref<4096xi32, #tpu.memory_space<hbm>> -> memref<128xi32, #tpu.memory_space<hbm>>
      %dma_start3A_2630 = tpu.memref_slice %arg4[%mul3A_2] : memref<4096xi32, #tpu.memory_space<hbm>> -> memref<128xi32, #tpu.memory_space<hbm>>
      tpu.enqueue_dma source(%dma_start3A_2630 : memref<128xi32, #tpu.memory_space<hbm>>) target(%arg7 : memref<128xi32, #tpu.memory_space<vmem>>) target_semaphore(%run_scoped3A : memref<!tpu.dma_semaphore, #tpu.memory_space<semaphore_mem>>)
      %dma_wait3A_2631 = tpu.memref_slice %arg4[%mul3A_2] : memref<4096xi32, #tpu.memory_space<hbm>> -> memref<128xi32, #tpu.memory_space<hbm>>
      %dma_wait3A_2632 = tpu.memref_slice %arg4[%mul3A_2] : memref<4096xi32, #tpu.memory_space<hbm>> -> memref<128xi32, #tpu.memory_space<hbm>>
      tpu.wait_dma2 semaphore(%run_scoped3A : memref<!tpu.dma_semaphore, #tpu.memory_space<semaphore_mem>>) src(%dma_wait3A_2632 : memref<128xi32, #tpu.memory_space<hbm>>) dst(%arg7 : memref<128xi32, #tpu.memory_space<vmem>>)
      tpu.yield
    }) : () -> ()
    %dma_start3A = arith.constant 0 : i32
    %dma_start3A_3 = arith.constant 0 : i32
    %dma_start3A_4 = tpu.memref_slice %arg2[%dma_start3A, %dma_start3A_3] : memref<131072x128xf32, #tpu.memory_space<hbm>> -> memref<131072x128xf32, #tpu.memory_space<hbm>>
    tpu.enqueue_indirect_dma source(%dma_start3A_4 : memref<131072x128xf32, #tpu.memory_space<hbm>>) target(%arg8 : memref<128x128xf32, #tpu.memory_space<vmem>>) offsets(%arg6 : memref<128xi32, #tpu.memory_space<vmem>>) semaphore(%arg10 : memref<!tpu.dma_semaphore, #tpu.memory_space<semaphore_mem>>)
    %dma_wait3A = arith.constant 0 : i32
    %dma_wait3A_5 = arith.constant 0 : i32
    %dma_wait3A_6 = tpu.memref_slice %arg2[%dma_wait3A, %dma_wait3A_5] : memref<131072x128xf32, #tpu.memory_space<hbm>> -> memref<131072x128xf32, #tpu.memory_space<hbm>>
    tpu.wait_indirect_dma semaphore(%arg10 : memref<!tpu.dma_semaphore, #tpu.memory_space<semaphore_mem>>) src(%dma_wait3A_6 : memref<131072x128xf32, #tpu.memory_space<hbm>>) dst(%arg8 : memref<128x128xf32, #tpu.memory_space<vmem>>)
    %iota3A = tpu.iota {dimensions = array<i32: 0>} : vector<16xi32>
    %get3A = arith.constant 0 : index
    %get3A_7 = tpu.vector_load %arg7[%get3A] {strides = array<i32>} : memref<128xi32, #tpu.memory_space<vmem>>, vector<16xi32>,
    %get3A_8 = vector.shape_cast %get3A_7 : vector<16xi32> to vector<16xi32>
    %broadcast_in_dim3A = arith.constant 0.000000e+00 : f32
    %broadcast_in_dim3A_9 = vector.broadcast %broadcast_in_dim3A : f32 to vector<16xf32>
    %slice3A = vector.extract_strided_slice %get3A_8 {offsets = [0], sizes = [1], strides = [1]} : vector<16xi32> to vector<1xi32>
    %squeeze3A = vector.extract %slice3A[0] : i32 from vector<1xi32>
    %shift_right_arithmetic3A = arith.constant 4 : i32
    %shift_right_arithmetic3A_10 = arith.shrsi %squeeze3A, %shift_right_arithmetic3A : i32
    %mul3A_11 = arith.constant 16 : i32
    %mul3A_12 = arith.muli %shift_right_arithmetic3A_10, %mul3A_11 : i32
    %get3A_13 = arith.constant 0 : i32
    %get3A_14 = arith.index_cast %get3A_13 : i32 to index
    %get3A_15 = arith.index_cast %mul3A_12 : i32 to index
    %get3A_16 = tpu.vector_load %arg8[%get3A_14, %get3A_15] {strides = array<i32>} : memref<128x128xf32, #tpu.memory_space<vmem>>, vector<1x16xf32>,
    %get3A_17 = vector.shape_cast %get3A_16 : vector<1x16xf32> to vector<16xf32>
    %and3A = arith.constant 15 : i32
    %and3A_18 = arith.andi %squeeze3A, %and3A : i32
    %broadcast_in_dim3A_19 = vector.broadcast %and3A_18 : i32 to vector<16x1xi32>
    %gather3A = vector.shape_cast %broadcast_in_dim3A_19 : vector<16x1xi32> to vector<16xi32>
    %gather3A_20 = tpu.dynamic_gather %get3A_17[%gather3A] in [0] : vector<16xf32>, vector<16xi32> -> vector<16xf32>
    %eq3A = arith.constant 0 : i32
    %eq3A_21 = vector.broadcast %eq3A : i32 to vector<16xi32>
    %eq3A_22 = arith.cmpi eq, %iota3A, %eq3A_21 : vector<16xi32>
    %select_n3A = arith.select %eq3A_22, %gather3A_20, %broadcast_in_dim3A_9 : vector<16xi1>, vector<16xf32>
    %slice3A_23 = vector.extract_strided_slice %get3A_8 {offsets = [1], sizes = [1], strides = [1]} : vector<16xi32> to vector<1xi32>
    %squeeze3A_24 = vector.extract %slice3A_23[0] : i32 from vector<1xi32>
    %shift_right_arithmetic3A_25 = arith.constant 4 : i32
    %shift_right_arithmetic3A_26 = arith.shrsi %squeeze3A_24, %shift_right_arithmetic3A_25 : i32
    %mul3A_27 = arith.constant 16 : i32
    %mul3A_28 = arith.muli %shift_right_arithmetic3A_26, %mul3A_27 : i32
    %get3A_29 = arith.constant 1 : i32
    %get3A_30 = arith.index_cast %get3A_29 : i32 to index
    %get3A_31 = arith.index_cast %mul3A_28 : i32 to index
    %get3A_32 = tpu.vector_load %arg8[%get3A_30, %get3A_31] {strides = array<i32>} : memref<128x128xf32, #tpu.memory_space<vmem>>, vector<1x16xf32>,
    %get3A_33 = vector.shape_cast %get3A_32 : vector<1x16xf32> to vector<16xf32>
    %and3A_34 = arith.constant 15 : i32
    %and3A_35 = arith.andi %squeeze3A_24, %and3A_34 : i32
    %broadcast_in_dim3A_36 = vector.broadcast %and3A_35 : i32 to vector<16x1xi32>
    %gather3A_37 = vector.shape_cast %broadcast_in_dim3A_36 : vector<16x1xi32> to vector<16xi32>
    %gather3A_38 = tpu.dynamic_gather %get3A_33[%gather3A_37] in [0] : vector<16xf32>, vector<16xi32> -> vector<16xf32>
    %eq3A_39 = arith.constant 1 : i32
    %eq3A_40 = vector.broadcast %eq3A_39 : i32 to vector<16xi32>
    %eq3A_41 = arith.cmpi eq, %iota3A, %eq3A_40 : vector<16xi32>
    %select_n3A_42 = arith.select %eq3A_41, %gather3A_38, %select_n3A : vector<16xi1>, vector<16xf32>
    %slice3A_43 = vector.extract_strided_slice %get3A_8 {offsets = [2], sizes = [1], strides = [1]} : vector<16xi32> to vector<1xi32>
    %squeeze3A_44 = vector.extract %slice3A_43[0] : i32 from vector<1xi32>
    %shift_right_arithmetic3A_45 = arith.constant 4 : i32
    %shift_right_arithmetic3A_46 = arith.shrsi %squeeze3A_44, %shift_right_arithmetic3A_45 : i32
    %mul3A_47 = arith.constant 16 : i32
    %mul3A_48 = arith.muli %shift_right_arithmetic3A_46, %mul3A_47 : i32
    %get3A_49 = arith.constant 2 : i32
    %get3A_50 = arith.index_cast %get3A_49 : i32 to index
    %get3A_51 = arith.index_cast %mul3A_48 : i32 to index
    %get3A_52 = tpu.vector_load %arg8[%get3A_50, %get3A_51] {strides = array<i32>} : memref<128x128xf32, #tpu.memory_space<vmem>>, vector<1x16xf32>,
    %get3A_53 = vector.shape_cast %get3A_52 : vector<1x16xf32> to vector<16xf32>
    %and3A_54 = arith.constant 15 : i32
    %and3A_55 = arith.andi %squeeze3A_44, %and3A_54 : i32
    %broadcast_in_dim3A_56 = vector.broadcast %and3A_55 : i32 to vector<16x1xi32>
    %gather3A_57 = vector.shape_cast %broadcast_in_dim3A_56 : vector<16x1xi32> to vector<16xi32>
    %gather3A_58 = tpu.dynamic_gather %get3A_53[%gather3A_57] in [0] : vector<16xf32>, vector<16xi32> -> vector<16xf32>
    %eq3A_59 = arith.constant 2 : i32
    %eq3A_60 = vector.broadcast %eq3A_59 : i32 to vector<16xi32>
    %eq3A_61 = arith.cmpi eq, %iota3A, %eq3A_60 : vector<16xi32>
    %select_n3A_62 = arith.select %eq3A_61, %gather3A_58, %select_n3A_42 : vector<16xi1>, vector<16xf32>
    %slice3A_63 = vector.extract_strided_slice %get3A_8 {offsets = [3], sizes = [1], strides = [1]} : vector<16xi32> to vector<1xi32>
    %squeeze3A_64 = vector.extract %slice3A_63[0] : i32 from vector<1xi32>
    %shift_right_arithmetic3A_65 = arith.constant 4 : i32
    %shift_right_arithmetic3A_66 = arith.shrsi %squeeze3A_64, %shift_right_arithmetic3A_65 : i32
    %mul3A_67 = arith.constant 16 : i32
    %mul3A_68 = arith.muli %shift_right_arithmetic3A_66, %mul3A_67 : i32
    %get3A_69 = arith.constant 3 : i32
    %get3A_70 = arith.index_cast %get3A_69 : i32 to index
    %get3A_71 = arith.index_cast %mul3A_68 : i32 to index
    %get3A_72 = tpu.vector_load %arg8[%get3A_70, %get3A_71] {strides = array<i32>} : memref<128x128xf32, #tpu.memory_space<vmem>>, vector<1x16xf32>,
    %get3A_73 = vector.shape_cast %get3A_72 : vector<1x16xf32> to vector<16xf32>
    %and3A_74 = arith.constant 15 : i32
    %and3A_75 = arith.andi %squeeze3A_64, %and3A_74 : i32
    %broadcast_in_dim3A_76 = vector.broadcast %and3A_75 : i32 to vector<16x1xi32>
    %gather3A_77 = vector.shape_cast %broadcast_in_dim3A_76 : vector<16x1xi32> to vector<16xi32>
    %gather3A_78 = tpu.dynamic_gather %get3A_73[%gather3A_77] in [0] : vector<16xf32>, vector<16xi32> -> vector<16xf32>
    %eq3A_79 = arith.constant 3 : i32
    %eq3A_80 = vector.broadcast %eq3A_79 : i32 to vector<16xi32>
    %eq3A_81 = arith.cmpi eq, %iota3A, %eq3A_80 : vector<16xi32>
    %select_n3A_82 = arith.select %eq3A_81, %gather3A_78, %select_n3A_62 : vector<16xi1>, vector<16xf32>
    %slice3A_83 = vector.extract_strided_slice %get3A_8 {offsets = [4], sizes = [1], strides = [1]} : vector<16xi32> to vector<1xi32>
    %squeeze3A_84 = vector.extract %slice3A_83[0] : i32 from vector<1xi32>
    %shift_right_arithmetic3A_85 = arith.constant 4 : i32
    %shift_right_arithmetic3A_86 = arith.shrsi %squeeze3A_84, %shift_right_arithmetic3A_85 : i32
    %mul3A_87 = arith.constant 16 : i32
    %mul3A_88 = arith.muli %shift_right_arithmetic3A_86, %mul3A_87 : i32
    %get3A_89 = arith.constant 4 : i32
    %get3A_90 = arith.index_cast %get3A_89 : i32 to index
    %get3A_91 = arith.index_cast %mul3A_88 : i32 to index
    %get3A_92 = tpu.vector_load %arg8[%get3A_90, %get3A_91] {strides = array<i32>} : memref<128x128xf32, #tpu.memory_space<vmem>>, vector<1x16xf32>,
    %get3A_93 = vector.shape_cast %get3A_92 : vector<1x16xf32> to vector<16xf32>
    %and3A_94 = arith.constant 15 : i32
    %and3A_95 = arith.andi %squeeze3A_84, %and3A_94 : i32
    %broadcast_in_dim3A_96 = vector.broadcast %and3A_95 : i32 to vector<16x1xi32>
    %gather3A_97 = vector.shape_cast %broadcast_in_dim3A_96 : vector<16x1xi32> to vector<16xi32>
    %gather3A_98 = tpu.dynamic_gather %get3A_93[%gather3A_97] in [0] : vector<16xf32>, vector<16xi32> -> vector<16xf32>
    %eq3A_99 = arith.constant 4 : i32
    %eq3A_100 = vector.broadcast %eq3A_99 : i32 to vector<16xi32>
    %eq3A_101 = arith.cmpi eq, %iota3A, %eq3A_100 : vector<16xi32>
    %select_n3A_102 = arith.select %eq3A_101, %gather3A_98, %select_n3A_82 : vector<16xi1>, vector<16xf32>
    %slice3A_103 = vector.extract_strided_slice %get3A_8 {offsets = [5], sizes = [1], strides = [1]} : vector<16xi32> to vector<1xi32>
    %squeeze3A_104 = vector.extract %slice3A_103[0] : i32 from vector<1xi32>
    %shift_right_arithmetic3A_105 = arith.constant 4 : i32
    %shift_right_arithmetic3A_106 = arith.shrsi %squeeze3A_104, %shift_right_arithmetic3A_105 : i32
    %mul3A_107 = arith.constant 16 : i32
    %mul3A_108 = arith.muli %shift_right_arithmetic3A_106, %mul3A_107 : i32
    %get3A_109 = arith.constant 5 : i32
    %get3A_110 = arith.index_cast %get3A_109 : i32 to index
    %get3A_111 = arith.index_cast %mul3A_108 : i32 to index
    %get3A_112 = tpu.vector_load %arg8[%get3A_110, %get3A_111] {strides = array<i32>} : memref<128x128xf32, #tpu.memory_space<vmem>>, vector<1x16xf32>,
    %get3A_113 = vector.shape_cast %get3A_112 : vector<1x16xf32> to vector<16xf32>
    %and3A_114 = arith.constant 15 : i32
    %and3A_115 = arith.andi %squeeze3A_104, %and3A_114 : i32
    %broadcast_in_dim3A_116 = vector.broadcast %and3A_115 : i32 to vector<16x1xi32>
    %gather3A_117 = vector.shape_cast %broadcast_in_dim3A_116 : vector<16x1xi32> to vector<16xi32>
    %gather3A_118 = tpu.dynamic_gather %get3A_113[%gather3A_117] in [0] : vector<16xf32>, vector<16xi32> -> vector<16xf32>
    %eq3A_119 = arith.constant 5 : i32
    %eq3A_120 = vector.broadcast %eq3A_119 : i32 to vector<16xi32>
    %eq3A_121 = arith.cmpi eq, %iota3A, %eq3A_120 : vector<16xi32>
    %select_n3A_122 = arith.select %eq3A_121, %gather3A_118, %select_n3A_102 : vector<16xi1>, vector<16xf32>
    %slice3A_123 = vector.extract_strided_slice %get3A_8 {offsets = [6], sizes = [1], strides = [1]} : vector<16xi32> to vector<1xi32>
    %squeeze3A_124 = vector.extract %slice3A_123[0] : i32 from vector<1xi32>
    %shift_right_arithmetic3A_125 = arith.constant 4 : i32
    %shift_right_arithmetic3A_126 = arith.shrsi %squeeze3A_124, %shift_right_arithmetic3A_125 : i32
    %mul3A_127 = arith.constant 16 : i32
    %mul3A_128 = arith.muli %shift_right_arithmetic3A_126, %mul3A_127 : i32
    %get3A_129 = arith.constant 6 : i32
    %get3A_130 = arith.index_cast %get3A_129 : i32 to index
    %get3A_131 = arith.index_cast %mul3A_128 : i32 to index
    %get3A_132 = tpu.vector_load %arg8[%get3A_130, %get3A_131] {strides = array<i32>} : memref<128x128xf32, #tpu.memory_space<vmem>>, vector<1x16xf32>,
    %get3A_133 = vector.shape_cast %get3A_132 : vector<1x16xf32> to vector<16xf32>
    %and3A_134 = arith.constant 15 : i32
    %and3A_135 = arith.andi %squeeze3A_124, %and3A_134 : i32
    %broadcast_in_dim3A_136 = vector.broadcast %and3A_135 : i32 to vector<16x1xi32>
    %gather3A_137 = vector.shape_cast %broadcast_in_dim3A_136 : vector<16x1xi32> to vector<16xi32>
    %gather3A_138 = tpu.dynamic_gather %get3A_133[%gather3A_137] in [0] : vector<16xf32>, vector<16xi32> -> vector<16xf32>
    %eq3A_139 = arith.constant 6 : i32
    %eq3A_140 = vector.broadcast %eq3A_139 : i32 to vector<16xi32>
    %eq3A_141 = arith.cmpi eq, %iota3A, %eq3A_140 : vector<16xi32>
    %select_n3A_142 = arith.select %eq3A_141, %gather3A_138, %select_n3A_122 : vector<16xi1>, vector<16xf32>
    %slice3A_143 = vector.extract_strided_slice %get3A_8 {offsets = [7], sizes = [1], strides = [1]} : vector<16xi32> to vector<1xi32>
    %squeeze3A_144 = vector.extract %slice3A_143[0] : i32 from vector<1xi32>
    %shift_right_arithmetic3A_145 = arith.constant 4 : i32
    %shift_right_arithmetic3A_146 = arith.shrsi %squeeze3A_144, %shift_right_arithmetic3A_145 : i32
    %mul3A_147 = arith.constant 16 : i32
    %mul3A_148 = arith.muli %shift_right_arithmetic3A_146, %mul3A_147 : i32
    %get3A_149 = arith.constant 7 : i32
    %get3A_150 = arith.index_cast %get3A_149 : i32 to index
    %get3A_151 = arith.index_cast %mul3A_148 : i32 to index
    %get3A_152 = tpu.vector_load %arg8[%get3A_150, %get3A_151] {strides = array<i32>} : memref<128x128xf32, #tpu.memory_space<vmem>>, vector<1x16xf32>,
    %get3A_153 = vector.shape_cast %get3A_152 : vector<1x16xf32> to vector<16xf32>
    %and3A_154 = arith.constant 15 : i32
    %and3A_155 = arith.andi %squeeze3A_144, %and3A_154 : i32
    %broadcast_in_dim3A_156 = vector.broadcast %and3A_155 : i32 to vector<16x1xi32>
    %gather3A_157 = vector.shape_cast %broadcast_in_dim3A_156 : vector<16x1xi32> to vector<16xi32>
    %gather3A_158 = tpu.dynamic_gather %get3A_153[%gather3A_157] in [0] : vector<16xf32>, vector<16xi32> -> vector<16xf32>
    %eq3A_159 = arith.constant 7 : i32
    %eq3A_160 = vector.broadcast %eq3A_159 : i32 to vector<16xi32>
    %eq3A_161 = arith.cmpi eq, %iota3A, %eq3A_160 : vector<16xi32>
    %select_n3A_162 = arith.select %eq3A_161, %gather3A_158, %select_n3A_142 : vector<16xi1>, vector<16xf32>
    %slice3A_163 = vector.extract_strided_slice %get3A_8 {offsets = [8], sizes = [1], strides = [1]} : vector<16xi32> to vector<1xi32>
    %squeeze3A_164 = vector.extract %slice3A_163[0] : i32 from vector<1xi32>
    %shift_right_arithmetic3A_165 = arith.constant 4 : i32
    %shift_right_arithmetic3A_166 = arith.shrsi %squeeze3A_164, %shift_right_arithmetic3A_165 : i32
    %mul3A_167 = arith.constant 16 : i32
    %mul3A_168 = arith.muli %shift_right_arithmetic3A_166, %mul3A_167 : i32
    %get3A_169 = arith.constant 8 : i32
    %get3A_170 = arith.index_cast %get3A_169 : i32 to index
    %get3A_171 = arith.index_cast %mul3A_168 : i32 to index
    %get3A_172 = tpu.vector_load %arg8[%get3A_170, %get3A_171] {strides = array<i32>} : memref<128x128xf32, #tpu.memory_space<vmem>>, vector<1x16xf32>,
    %get3A_173 = vector.shape_cast %get3A_172 : vector<1x16xf32> to vector<16xf32>
    %and3A_174 = arith.constant 15 : i32
    %and3A_175 = arith.andi %squeeze3A_164, %and3A_174 : i32
    %broadcast_in_dim3A_176 = vector.broadcast %and3A_175 : i32 to vector<16x1xi32>
    %gather3A_177 = vector.shape_cast %broadcast_in_dim3A_176 : vector<16x1xi32> to vector<16xi32>
    %gather3A_178 = tpu.dynamic_gather %get3A_173[%gather3A_177] in [0] : vector<16xf32>, vector<16xi32> -> vector<16xf32>
    %eq3A_179 = arith.constant 8 : i32
    %eq3A_180 = vector.broadcast %eq3A_179 : i32 to vector<16xi32>
    %eq3A_181 = arith.cmpi eq, %iota3A, %eq3A_180 : vector<16xi32>
    %select_n3A_182 = arith.select %eq3A_181, %gather3A_178, %select_n3A_162 : vector<16xi1>, vector<16xf32>
    %slice3A_183 = vector.extract_strided_slice %get3A_8 {offsets = [9], sizes = [1], strides = [1]} : vector<16xi32> to vector<1xi32>
    %squeeze3A_184 = vector.extract %slice3A_183[0] : i32 from vector<1xi32>
    %shift_right_arithmetic3A_185 = arith.constant 4 : i32
    %shift_right_arithmetic3A_186 = arith.shrsi %squeeze3A_184, %shift_right_arithmetic3A_185 : i32
    %mul3A_187 = arith.constant 16 : i32
    %mul3A_188 = arith.muli %shift_right_arithmetic3A_186, %mul3A_187 : i32
    %get3A_189 = arith.constant 9 : i32
    %get3A_190 = arith.index_cast %get3A_189 : i32 to index
    %get3A_191 = arith.index_cast %mul3A_188 : i32 to index
    %get3A_192 = tpu.vector_load %arg8[%get3A_190, %get3A_191] {strides = array<i32>} : memref<128x128xf32, #tpu.memory_space<vmem>>, vector<1x16xf32>,
    %get3A_193 = vector.shape_cast %get3A_192 : vector<1x16xf32> to vector<16xf32>
    %and3A_194 = arith.constant 15 : i32
    %and3A_195 = arith.andi %squeeze3A_184, %and3A_194 : i32
    %broadcast_in_dim3A_196 = vector.broadcast %and3A_195 : i32 to vector<16x1xi32>
    %gather3A_197 = vector.shape_cast %broadcast_in_dim3A_196 : vector<16x1xi32> to vector<16xi32>
    %gather3A_198 = tpu.dynamic_gather %get3A_193[%gather3A_197] in [0] : vector<16xf32>, vector<16xi32> -> vector<16xf32>
    %eq3A_199 = arith.constant 9 : i32
    %eq3A_200 = vector.broadcast %eq3A_199 : i32 to vector<16xi32>
    %eq3A_201 = arith.cmpi eq, %iota3A, %eq3A_200 : vector<16xi32>
    %select_n3A_202 = arith.select %eq3A_201, %gather3A_198, %select_n3A_182 : vector<16xi1>, vector<16xf32>
    %slice3A_203 = vector.extract_strided_slice %get3A_8 {offsets = [10], sizes = [1], strides = [1]} : vector<16xi32> to vector<1xi32>
    %squeeze3A_204 = vector.extract %slice3A_203[0] : i32 from vector<1xi32>
    %shift_right_arithmetic3A_205 = arith.constant 4 : i32
    %shift_right_arithmetic3A_206 = arith.shrsi %squeeze3A_204, %shift_right_arithmetic3A_205 : i32
    %mul3A_207 = arith.constant 16 : i32
    %mul3A_208 = arith.muli %shift_right_arithmetic3A_206, %mul3A_207 : i32
    %get3A_209 = arith.constant 10 : i32
    %get3A_210 = arith.index_cast %get3A_209 : i32 to index
    %get3A_211 = arith.index_cast %mul3A_208 : i32 to index
    %get3A_212 = tpu.vector_load %arg8[%get3A_210, %get3A_211] {strides = array<i32>} : memref<128x128xf32, #tpu.memory_space<vmem>>, vector<1x16xf32>,
    %get3A_213 = vector.shape_cast %get3A_212 : vector<1x16xf32> to vector<16xf32>
    %and3A_214 = arith.constant 15 : i32
    %and3A_215 = arith.andi %squeeze3A_204, %and3A_214 : i32
    %broadcast_in_dim3A_216 = vector.broadcast %and3A_215 : i32 to vector<16x1xi32>
    %gather3A_217 = vector.shape_cast %broadcast_in_dim3A_216 : vector<16x1xi32> to vector<16xi32>
    %gather3A_218 = tpu.dynamic_gather %get3A_213[%gather3A_217] in [0] : vector<16xf32>, vector<16xi32> -> vector<16xf32>
    %eq3A_219 = arith.constant 10 : i32
    %eq3A_220 = vector.broadcast %eq3A_219 : i32 to vector<16xi32>
    %eq3A_221 = arith.cmpi eq, %iota3A, %eq3A_220 : vector<16xi32>
    %select_n3A_222 = arith.select %eq3A_221, %gather3A_218, %select_n3A_202 : vector<16xi1>, vector<16xf32>
    %slice3A_223 = vector.extract_strided_slice %get3A_8 {offsets = [11], sizes = [1], strides = [1]} : vector<16xi32> to vector<1xi32>
    %squeeze3A_224 = vector.extract %slice3A_223[0] : i32 from vector<1xi32>
    %shift_right_arithmetic3A_225 = arith.constant 4 : i32
    %shift_right_arithmetic3A_226 = arith.shrsi %squeeze3A_224, %shift_right_arithmetic3A_225 : i32
    %mul3A_227 = arith.constant 16 : i32
    %mul3A_228 = arith.muli %shift_right_arithmetic3A_226, %mul3A_227 : i32
    %get3A_229 = arith.constant 11 : i32
    %get3A_230 = arith.index_cast %get3A_229 : i32 to index
    %get3A_231 = arith.index_cast %mul3A_228 : i32 to index
    %get3A_232 = tpu.vector_load %arg8[%get3A_230, %get3A_231] {strides = array<i32>} : memref<128x128xf32, #tpu.memory_space<vmem>>, vector<1x16xf32>,
    %get3A_233 = vector.shape_cast %get3A_232 : vector<1x16xf32> to vector<16xf32>
    %and3A_234 = arith.constant 15 : i32
    %and3A_235 = arith.andi %squeeze3A_224, %and3A_234 : i32
    %broadcast_in_dim3A_236 = vector.broadcast %and3A_235 : i32 to vector<16x1xi32>
    %gather3A_237 = vector.shape_cast %broadcast_in_dim3A_236 : vector<16x1xi32> to vector<16xi32>
    %gather3A_238 = tpu.dynamic_gather %get3A_233[%gather3A_237] in [0] : vector<16xf32>, vector<16xi32> -> vector<16xf32>
    %eq3A_239 = arith.constant 11 : i32
    %eq3A_240 = vector.broadcast %eq3A_239 : i32 to vector<16xi32>
    %eq3A_241 = arith.cmpi eq, %iota3A, %eq3A_240 : vector<16xi32>
    %select_n3A_242 = arith.select %eq3A_241, %gather3A_238, %select_n3A_222 : vector<16xi1>, vector<16xf32>
    %slice3A_243 = vector.extract_strided_slice %get3A_8 {offsets = [12], sizes = [1], strides = [1]} : vector<16xi32> to vector<1xi32>
    %squeeze3A_244 = vector.extract %slice3A_243[0] : i32 from vector<1xi32>
    %shift_right_arithmetic3A_245 = arith.constant 4 : i32
    %shift_right_arithmetic3A_246 = arith.shrsi %squeeze3A_244, %shift_right_arithmetic3A_245 : i32
    %mul3A_247 = arith.constant 16 : i32
    %mul3A_248 = arith.muli %shift_right_arithmetic3A_246, %mul3A_247 : i32
    %get3A_249 = arith.constant 12 : i32
    %get3A_250 = arith.index_cast %get3A_249 : i32 to index
    %get3A_251 = arith.index_cast %mul3A_248 : i32 to index
    %get3A_252 = tpu.vector_load %arg8[%get3A_250, %get3A_251] {strides = array<i32>} : memref<128x128xf32, #tpu.memory_space<vmem>>, vector<1x16xf32>,
    %get3A_253 = vector.shape_cast %get3A_252 : vector<1x16xf32> to vector<16xf32>
    %and3A_254 = arith.constant 15 : i32
    %and3A_255 = arith.andi %squeeze3A_244, %and3A_254 : i32
    %broadcast_in_dim3A_256 = vector.broadcast %and3A_255 : i32 to vector<16x1xi32>
    %gather3A_257 = vector.shape_cast %broadcast_in_dim3A_256 : vector<16x1xi32> to vector<16xi32>
    %gather3A_258 = tpu.dynamic_gather %get3A_253[%gather3A_257] in [0] : vector<16xf32>, vector<16xi32> -> vector<16xf32>
    %eq3A_259 = arith.constant 12 : i32
    %eq3A_260 = vector.broadcast %eq3A_259 : i32 to vector<16xi32>
    %eq3A_261 = arith.cmpi eq, %iota3A, %eq3A_260 : vector<16xi32>
    %select_n3A_262 = arith.select %eq3A_261, %gather3A_258, %select_n3A_242 : vector<16xi1>, vector<16xf32>
    %slice3A_263 = vector.extract_strided_slice %get3A_8 {offsets = [13], sizes = [1], strides = [1]} : vector<16xi32> to vector<1xi32>
    %squeeze3A_264 = vector.extract %slice3A_263[0] : i32 from vector<1xi32>
    %shift_right_arithmetic3A_265 = arith.constant 4 : i32
    %shift_right_arithmetic3A_266 = arith.shrsi %squeeze3A_264, %shift_right_arithmetic3A_265 : i32
    %mul3A_267 = arith.constant 16 : i32
    %mul3A_268 = arith.muli %shift_right_arithmetic3A_266, %mul3A_267 : i32
    %get3A_269 = arith.constant 13 : i32
    %get3A_270 = arith.index_cast %get3A_269 : i32 to index
    %get3A_271 = arith.index_cast %mul3A_268 : i32 to index
    %get3A_272 = tpu.vector_load %arg8[%get3A_270, %get3A_271] {strides = array<i32>} : memref<128x128xf32, #tpu.memory_space<vmem>>, vector<1x16xf32>,
    %get3A_273 = vector.shape_cast %get3A_272 : vector<1x16xf32> to vector<16xf32>
    %and3A_274 = arith.constant 15 : i32
    %and3A_275 = arith.andi %squeeze3A_264, %and3A_274 : i32
    %broadcast_in_dim3A_276 = vector.broadcast %and3A_275 : i32 to vector<16x1xi32>
    %gather3A_277 = vector.shape_cast %broadcast_in_dim3A_276 : vector<16x1xi32> to vector<16xi32>
    %gather3A_278 = tpu.dynamic_gather %get3A_273[%gather3A_277] in [0] : vector<16xf32>, vector<16xi32> -> vector<16xf32>
    %eq3A_279 = arith.constant 13 : i32
    %eq3A_280 = vector.broadcast %eq3A_279 : i32 to vector<16xi32>
    %eq3A_281 = arith.cmpi eq, %iota3A, %eq3A_280 : vector<16xi32>
    %select_n3A_282 = arith.select %eq3A_281, %gather3A_278, %select_n3A_262 : vector<16xi1>, vector<16xf32>
    %slice3A_283 = vector.extract_strided_slice %get3A_8 {offsets = [14], sizes = [1], strides = [1]} : vector<16xi32> to vector<1xi32>
    %squeeze3A_284 = vector.extract %slice3A_283[0] : i32 from vector<1xi32>
    %shift_right_arithmetic3A_285 = arith.constant 4 : i32
    %shift_right_arithmetic3A_286 = arith.shrsi %squeeze3A_284, %shift_right_arithmetic3A_285 : i32
    %mul3A_287 = arith.constant 16 : i32
    %mul3A_288 = arith.muli %shift_right_arithmetic3A_286, %mul3A_287 : i32
    %get3A_289 = arith.constant 14 : i32
    %get3A_290 = arith.index_cast %get3A_289 : i32 to index
    %get3A_291 = arith.index_cast %mul3A_288 : i32 to index
    %get3A_292 = tpu.vector_load %arg8[%get3A_290, %get3A_291] {strides = array<i32>} : memref<128x128xf32, #tpu.memory_space<vmem>>, vector<1x16xf32>,
    %get3A_293 = vector.shape_cast %get3A_292 : vector<1x16xf32> to vector<16xf32>
    %and3A_294 = arith.constant 15 : i32
    %and3A_295 = arith.andi %squeeze3A_284, %and3A_294 : i32
    %broadcast_in_dim3A_296 = vector.broadcast %and3A_295 : i32 to vector<16x1xi32>
    %gather3A_297 = vector.shape_cast %broadcast_in_dim3A_296 : vector<16x1xi32> to vector<16xi32>
    %gather3A_298 = tpu.dynamic_gather %get3A_293[%gather3A_297] in [0] : vector<16xf32>, vector<16xi32> -> vector<16xf32>
    %eq3A_299 = arith.constant 14 : i32
    %eq3A_300 = vector.broadcast %eq3A_299 : i32 to vector<16xi32>
    %eq3A_301 = arith.cmpi eq, %iota3A, %eq3A_300 : vector<16xi32>
    %select_n3A_302 = arith.select %eq3A_301, %gather3A_298, %select_n3A_282 : vector<16xi1>, vector<16xf32>
    %slice3A_303 = vector.extract_strided_slice %get3A_8 {offsets = [15], sizes = [1], strides = [1]} : vector<16xi32> to vector<1xi32>
    %squeeze3A_304 = vector.extract %slice3A_303[0] : i32 from vector<1xi32>
    %shift_right_arithmetic3A_305 = arith.constant 4 : i32
    %shift_right_arithmetic3A_306 = arith.shrsi %squeeze3A_304, %shift_right_arithmetic3A_305 : i32
    %mul3A_307 = arith.constant 16 : i32
    %mul3A_308 = arith.muli %shift_right_arithmetic3A_306, %mul3A_307 : i32
    %get3A_309 = arith.constant 15 : i32
    %get3A_310 = arith.index_cast %get3A_309 : i32 to index
    %get3A_311 = arith.index_cast %mul3A_308 : i32 to index
    %get3A_312 = tpu.vector_load %arg8[%get3A_310, %get3A_311] {strides = array<i32>} : memref<128x128xf32, #tpu.memory_space<vmem>>, vector<1x16xf32>,
    %get3A_313 = vector.shape_cast %get3A_312 : vector<1x16xf32> to vector<16xf32>
    %and3A_314 = arith.constant 15 : i32
    %and3A_315 = arith.andi %squeeze3A_304, %and3A_314 : i32
    %broadcast_in_dim3A_316 = vector.broadcast %and3A_315 : i32 to vector<16x1xi32>
    %gather3A_317 = vector.shape_cast %broadcast_in_dim3A_316 : vector<16x1xi32> to vector<16xi32>
    %gather3A_318 = tpu.dynamic_gather %get3A_313[%gather3A_317] in [0] : vector<16xf32>, vector<16xi32> -> vector<16xf32>
    %eq3A_319 = arith.constant 15 : i32
    %eq3A_320 = vector.broadcast %eq3A_319 : i32 to vector<16xi32>
    %eq3A_321 = arith.cmpi eq, %iota3A, %eq3A_320 : vector<16xi32>
    %select_n3A_322 = arith.select %eq3A_321, %gather3A_318, %select_n3A_302 : vector<16xi1>, vector<16xf32>
    %swap3A = arith.constant 0 : index
    %swap3A_323 = tpu.vector_load %arg9[%swap3A] {strides = array<i32>} : memref<128xf32, #tpu.memory_space<vmem>>, vector<16xf32>,
    %swap3A_324 = vector.shape_cast %swap3A_323 : vector<16xf32> to vector<16xf32>
    %swap3A_325 = vector.shape_cast %select_n3A_322 : vector<16xf32> to vector<16xf32>
    tpu.vector_store %arg9[%swap3A], %swap3A_325 {strides = array<i32>} : memref<128xf32, #tpu.memory_space<vmem>>, vector<16xf32>,
    %get3A_326 = arith.constant 16 : index
    %get3A_327 = tpu.vector_load %arg7[%get3A_326] {strides = array<i32>} : memref<128xi32, #tpu.memory_space<vmem>>, vector<16xi32>,
    %get3A_328 = vector.shape_cast %get3A_327 : vector<16xi32> to vector<16xi32>
    %broadcast_in_dim3A_329 = arith.constant 0.000000e+00 : f32
    %broadcast_in_dim3A_330 = vector.broadcast %broadcast_in_dim3A_329 : f32 to vector<16xf32>
    %slice3A_331 = vector.extract_strided_slice %get3A_328 {offsets = [0], sizes = [1], strides = [1]} : vector<16xi32> to vector<1xi32>
    %squeeze3A_332 = vector.extract %slice3A_331[0] : i32 from vector<1xi32>
    %shift_right_arithmetic3A_333 = arith.constant 4 : i32
    %shift_right_arithmetic3A_334 = arith.shrsi %squeeze3A_332, %shift_right_arithmetic3A_333 : i32
    %mul3A_335 = arith.constant 16 : i32
    %mul3A_336 = arith.muli %shift_right_arithmetic3A_334, %mul3A_335 : i32
    %get3A_337 = arith.constant 16 : i32
    %get3A_338 = arith.index_cast %get3A_337 : i32 to index
    %get3A_339 = arith.index_cast %mul3A_336 : i32 to index
    %get3A_340 = tpu.vector_load %arg8[%get3A_338, %get3A_339] {strides = array<i32>} : memref<128x128xf32, #tpu.memory_space<vmem>>, vector<1x16xf32>,
    %get3A_341 = vector.shape_cast %get3A_340 : vector<1x16xf32> to vector<16xf32>
    %and3A_342 = arith.constant 15 : i32
    %and3A_343 = arith.andi %squeeze3A_332, %and3A_342 : i32
    %broadcast_in_dim3A_344 = vector.broadcast %and3A_343 : i32 to vector<16x1xi32>
    %gather3A_345 = vector.shape_cast %broadcast_in_dim3A_344 : vector<16x1xi32> to vector<16xi32>
    %gather3A_346 = tpu.dynamic_gather %get3A_341[%gather3A_345] in [0] : vector<16xf32>, vector<16xi32> -> vector<16xf32>
    %eq3A_347 = arith.constant 0 : i32
    %eq3A_348 = vector.broadcast %eq3A_347 : i32 to vector<16xi32>
    %eq3A_349 = arith.cmpi eq, %iota3A, %eq3A_348 : vector<16xi32>
    %select_n3A_350 = arith.select %eq3A_349, %gather3A_346, %broadcast_in_dim3A_330 : vector<16xi1>, vector<16xf32>
    %slice3A_351 = vector.extract_strided_slice %get3A_328 {offsets = [1], sizes = [1], strides = [1]} : vector<16xi32> to vector<1xi32>
    %squeeze3A_352 = vector.extract %slice3A_351[0] : i32 from vector<1xi32>
    %shift_right_arithmetic3A_353 = arith.constant 4 : i32
    %shift_right_arithmetic3A_354 = arith.shrsi %squeeze3A_352, %shift_right_arithmetic3A_353 : i32
    %mul3A_355 = arith.constant 16 : i32
    %mul3A_356 = arith.muli %shift_right_arithmetic3A_354, %mul3A_355 : i32
    %get3A_357 = arith.constant 17 : i32
    %get3A_358 = arith.index_cast %get3A_357 : i32 to index
    %get3A_359 = arith.index_cast %mul3A_356 : i32 to index
    %get3A_360 = tpu.vector_load %arg8[%get3A_358, %get3A_359] {strides = array<i32>} : memref<128x128xf32, #tpu.memory_space<vmem>>, vector<1x16xf32>,
    %get3A_361 = vector.shape_cast %get3A_360 : vector<1x16xf32> to vector<16xf32>
    %and3A_362 = arith.constant 15 : i32
    %and3A_363 = arith.andi %squeeze3A_352, %and3A_362 : i32
    %broadcast_in_dim3A_364 = vector.broadcast %and3A_363 : i32 to vector<16x1xi32>
    %gather3A_365 = vector.shape_cast %broadcast_in_dim3A_364 : vector<16x1xi32> to vector<16xi32>
    %gather3A_366 = tpu.dynamic_gather %get3A_361[%gather3A_365] in [0] : vector<16xf32>, vector<16xi32> -> vector<16xf32>
    %eq3A_367 = arith.constant 1 : i32
    %eq3A_368 = vector.broadcast %eq3A_367 : i32 to vector<16xi32>
    %eq3A_369 = arith.cmpi eq, %iota3A, %eq3A_368 : vector<16xi32>
    %select_n3A_370 = arith.select %eq3A_369, %gather3A_366, %select_n3A_350 : vector<16xi1>, vector<16xf32>
    %slice3A_371 = vector.extract_strided_slice %get3A_328 {offsets = [2], sizes = [1], strides = [1]} : vector<16xi32> to vector<1xi32>
    %squeeze3A_372 = vector.extract %slice3A_371[0] : i32 from vector<1xi32>
    %shift_right_arithmetic3A_373 = arith.constant 4 : i32
    %shift_right_arithmetic3A_374 = arith.shrsi %squeeze3A_372, %shift_right_arithmetic3A_373 : i32
    %mul3A_375 = arith.constant 16 : i32
    %mul3A_376 = arith.muli %shift_right_arithmetic3A_374, %mul3A_375 : i32
    %get3A_377 = arith.constant 18 : i32
    %get3A_378 = arith.index_cast %get3A_377 : i32 to index
    %get3A_379 = arith.index_cast %mul3A_376 : i32 to index
    %get3A_380 = tpu.vector_load %arg8[%get3A_378, %get3A_379] {strides = array<i32>} : memref<128x128xf32, #tpu.memory_space<vmem>>, vector<1x16xf32>,
    %get3A_381 = vector.shape_cast %get3A_380 : vector<1x16xf32> to vector<16xf32>
    %and3A_382 = arith.constant 15 : i32
    %and3A_383 = arith.andi %squeeze3A_372, %and3A_382 : i32
    %broadcast_in_dim3A_384 = vector.broadcast %and3A_383 : i32 to vector<16x1xi32>
    %gather3A_385 = vector.shape_cast %broadcast_in_dim3A_384 : vector<16x1xi32> to vector<16xi32>
    %gather3A_386 = tpu.dynamic_gather %get3A_381[%gather3A_385] in [0] : vector<16xf32>, vector<16xi32> -> vector<16xf32>
    %eq3A_387 = arith.constant 2 : i32
    %eq3A_388 = vector.broadcast %eq3A_387 : i32 to vector<16xi32>
    %eq3A_389 = arith.cmpi eq, %iota3A, %eq3A_388 : vector<16xi32>
    %select_n3A_390 = arith.select %eq3A_389, %gather3A_386, %select_n3A_370 : vector<16xi1>, vector<16xf32>
    %slice3A_391 = vector.extract_strided_slice %get3A_328 {offsets = [3], sizes = [1], strides = [1]} : vector<16xi32> to vector<1xi32>
    %squeeze3A_392 = vector.extract %slice3A_391[0] : i32 from vector<1xi32>
    %shift_right_arithmetic3A_393 = arith.constant 4 : i32
    %shift_right_arithmetic3A_394 = arith.shrsi %squeeze3A_392, %shift_right_arithmetic3A_393 : i32
    %mul3A_395 = arith.constant 16 : i32
    %mul3A_396 = arith.muli %shift_right_arithmetic3A_394, %mul3A_395 : i32
    %get3A_397 = arith.constant 19 : i32
    %get3A_398 = arith.index_cast %get3A_397 : i32 to index
    %get3A_399 = arith.index_cast %mul3A_396 : i32 to index
    %get3A_400 = tpu.vector_load %arg8[%get3A_398, %get3A_399] {strides = array<i32>} : memref<128x128xf32, #tpu.memory_space<vmem>>, vector<1x16xf32>,
    %get3A_401 = vector.shape_cast %get3A_400 : vector<1x16xf32> to vector<16xf32>
    %and3A_402 = arith.constant 15 : i32
    %and3A_403 = arith.andi %squeeze3A_392, %and3A_402 : i32
    %broadcast_in_dim3A_404 = vector.broadcast %and3A_403 : i32 to vector<16x1xi32>
    %gather3A_405 = vector.shape_cast %broadcast_in_dim3A_404 : vector<16x1xi32> to vector<16xi32>
    %gather3A_406 = tpu.dynamic_gather %get3A_401[%gather3A_405] in [0] : vector<16xf32>, vector<16xi32> -> vector<16xf32>
    %eq3A_407 = arith.constant 3 : i32
    %eq3A_408 = vector.broadcast %eq3A_407 : i32 to vector<16xi32>
    %eq3A_409 = arith.cmpi eq, %iota3A, %eq3A_408 : vector<16xi32>
    %select_n3A_410 = arith.select %eq3A_409, %gather3A_406, %select_n3A_390 : vector<16xi1>, vector<16xf32>
    %slice3A_411 = vector.extract_strided_slice %get3A_328 {offsets = [4], sizes = [1], strides = [1]} : vector<16xi32> to vector<1xi32>
    %squeeze3A_412 = vector.extract %slice3A_411[0] : i32 from vector<1xi32>
    %shift_right_arithmetic3A_413 = arith.constant 4 : i32
    %shift_right_arithmetic3A_414 = arith.shrsi %squeeze3A_412, %shift_right_arithmetic3A_413 : i32
    %mul3A_415 = arith.constant 16 : i32
    %mul3A_416 = arith.muli %shift_right_arithmetic3A_414, %mul3A_415 : i32
    %get3A_417 = arith.constant 20 : i32
    %get3A_418 = arith.index_cast %get3A_417 : i32 to index
    %get3A_419 = arith.index_cast %mul3A_416 : i32 to index
    %get3A_420 = tpu.vector_load %arg8[%get3A_418, %get3A_419] {strides = array<i32>} : memref<128x128xf32, #tpu.memory_space<vmem>>, vector<1x16xf32>,
    %get3A_421 = vector.shape_cast %get3A_420 : vector<1x16xf32> to vector<16xf32>
    %and3A_422 = arith.constant 15 : i32
    %and3A_423 = arith.andi %squeeze3A_412, %and3A_422 : i32
    %broadcast_in_dim3A_424 = vector.broadcast %and3A_423 : i32 to vector<16x1xi32>
    %gather3A_425 = vector.shape_cast %broadcast_in_dim3A_424 : vector<16x1xi32> to vector<16xi32>
    %gather3A_426 = tpu.dynamic_gather %get3A_421[%gather3A_425] in [0] : vector<16xf32>, vector<16xi32> -> vector<16xf32>
    %eq3A_427 = arith.constant 4 : i32
    %eq3A_428 = vector.broadcast %eq3A_427 : i32 to vector<16xi32>
    %eq3A_429 = arith.cmpi eq, %iota3A, %eq3A_428 : vector<16xi32>
    %select_n3A_430 = arith.select %eq3A_429, %gather3A_426, %select_n3A_410 : vector<16xi1>, vector<16xf32>
    %slice3A_431 = vector.extract_strided_slice %get3A_328 {offsets = [5], sizes = [1], strides = [1]} : vector<16xi32> to vector<1xi32>
    %squeeze3A_432 = vector.extract %slice3A_431[0] : i32 from vector<1xi32>
    %shift_right_arithmetic3A_433 = arith.constant 4 : i32
    %shift_right_arithmetic3A_434 = arith.shrsi %squeeze3A_432, %shift_right_arithmetic3A_433 : i32
    %mul3A_435 = arith.constant 16 : i32
    %mul3A_436 = arith.muli %shift_right_arithmetic3A_434, %mul3A_435 : i32
    %get3A_437 = arith.constant 21 : i32
    %get3A_438 = arith.index_cast %get3A_437 : i32 to index
    %get3A_439 = arith.index_cast %mul3A_436 : i32 to index
    %get3A_440 = tpu.vector_load %arg8[%get3A_438, %get3A_439] {strides = array<i32>} : memref<128x128xf32, #tpu.memory_space<vmem>>, vector<1x16xf32>,
    %get3A_441 = vector.shape_cast %get3A_440 : vector<1x16xf32> to vector<16xf32>
    %and3A_442 = arith.constant 15 : i32
    %and3A_443 = arith.andi %squeeze3A_432, %and3A_442 : i32
    %broadcast_in_dim3A_444 = vector.broadcast %and3A_443 : i32 to vector<16x1xi32>
    %gather3A_445 = vector.shape_cast %broadcast_in_dim3A_444 : vector<16x1xi32> to vector<16xi32>
    %gather3A_446 = tpu.dynamic_gather %get3A_441[%gather3A_445] in [0] : vector<16xf32>, vector<16xi32> -> vector<16xf32>
    %eq3A_447 = arith.constant 5 : i32
    %eq3A_448 = vector.broadcast %eq3A_447 : i32 to vector<16xi32>
    %eq3A_449 = arith.cmpi eq, %iota3A, %eq3A_448 : vector<16xi32>
    %select_n3A_450 = arith.select %eq3A_449, %gather3A_446, %select_n3A_430 : vector<16xi1>, vector<16xf32>
    %slice3A_451 = vector.extract_strided_slice %get3A_328 {offsets = [6], sizes = [1], strides = [1]} : vector<16xi32> to vector<1xi32>
    %squeeze3A_452 = vector.extract %slice3A_451[0] : i32 from vector<1xi32>
    %shift_right_arithmetic3A_453 = arith.constant 4 : i32
    %shift_right_arithmetic3A_454 = arith.shrsi %squeeze3A_452, %shift_right_arithmetic3A_453 : i32
    %mul3A_455 = arith.constant 16 : i32
    %mul3A_456 = arith.muli %shift_right_arithmetic3A_454, %mul3A_455 : i32
    %get3A_457 = arith.constant 22 : i32
    %get3A_458 = arith.index_cast %get3A_457 : i32 to index
    %get3A_459 = arith.index_cast %mul3A_456 : i32 to index
    %get3A_460 = tpu.vector_load %arg8[%get3A_458, %get3A_459] {strides = array<i32>} : memref<128x128xf32, #tpu.memory_space<vmem>>, vector<1x16xf32>,
    %get3A_461 = vector.shape_cast %get3A_460 : vector<1x16xf32> to vector<16xf32>
    %and3A_462 = arith.constant 15 : i32
    %and3A_463 = arith.andi %squeeze3A_452, %and3A_462 : i32
    %broadcast_in_dim3A_464 = vector.broadcast %and3A_463 : i32 to vector<16x1xi32>
    %gather3A_465 = vector.shape_cast %broadcast_in_dim3A_464 : vector<16x1xi32> to vector<16xi32>
    %gather3A_466 = tpu.dynamic_gather %get3A_461[%gather3A_465] in [0] : vector<16xf32>, vector<16xi32> -> vector<16xf32>
    %eq3A_467 = arith.constant 6 : i32
    %eq3A_468 = vector.broadcast %eq3A_467 : i32 to vector<16xi32>
    %eq3A_469 = arith.cmpi eq, %iota3A, %eq3A_468 : vector<16xi32>
    %select_n3A_470 = arith.select %eq3A_469, %gather3A_466, %select_n3A_450 : vector<16xi1>, vector<16xf32>
    %slice3A_471 = vector.extract_strided_slice %get3A_328 {offsets = [7], sizes = [1], strides = [1]} : vector<16xi32> to vector<1xi32>
    %squeeze3A_472 = vector.extract %slice3A_471[0] : i32 from vector<1xi32>
    %shift_right_arithmetic3A_473 = arith.constant 4 : i32
    %shift_right_arithmetic3A_474 = arith.shrsi %squeeze3A_472, %shift_right_arithmetic3A_473 : i32
    %mul3A_475 = arith.constant 16 : i32
    %mul3A_476 = arith.muli %shift_right_arithmetic3A_474, %mul3A_475 : i32
    %get3A_477 = arith.constant 23 : i32
    %get3A_478 = arith.index_cast %get3A_477 : i32 to index
    %get3A_479 = arith.index_cast %mul3A_476 : i32 to index
    %get3A_480 = tpu.vector_load %arg8[%get3A_478, %get3A_479] {strides = array<i32>} : memref<128x128xf32, #tpu.memory_space<vmem>>, vector<1x16xf32>,
    %get3A_481 = vector.shape_cast %get3A_480 : vector<1x16xf32> to vector<16xf32>
    %and3A_482 = arith.constant 15 : i32
    %and3A_483 = arith.andi %squeeze3A_472, %and3A_482 : i32
    %broadcast_in_dim3A_484 = vector.broadcast %and3A_483 : i32 to vector<16x1xi32>
    %gather3A_485 = vector.shape_cast %broadcast_in_dim3A_484 : vector<16x1xi32> to vector<16xi32>
    %gather3A_486 = tpu.dynamic_gather %get3A_481[%gather3A_485] in [0] : vector<16xf32>, vector<16xi32> -> vector<16xf32>
    %eq3A_487 = arith.constant 7 : i32
    %eq3A_488 = vector.broadcast %eq3A_487 : i32 to vector<16xi32>
    %eq3A_489 = arith.cmpi eq, %iota3A, %eq3A_488 : vector<16xi32>
    %select_n3A_490 = arith.select %eq3A_489, %gather3A_486, %select_n3A_470 : vector<16xi1>, vector<16xf32>
    %slice3A_491 = vector.extract_strided_slice %get3A_328 {offsets = [8], sizes = [1], strides = [1]} : vector<16xi32> to vector<1xi32>
    %squeeze3A_492 = vector.extract %slice3A_491[0] : i32 from vector<1xi32>
    %shift_right_arithmetic3A_493 = arith.constant 4 : i32
    %shift_right_arithmetic3A_494 = arith.shrsi %squeeze3A_492, %shift_right_arithmetic3A_493 : i32
    %mul3A_495 = arith.constant 16 : i32
    %mul3A_496 = arith.muli %shift_right_arithmetic3A_494, %mul3A_495 : i32
    %get3A_497 = arith.constant 24 : i32
    %get3A_498 = arith.index_cast %get3A_497 : i32 to index
    %get3A_499 = arith.index_cast %mul3A_496 : i32 to index
    %get3A_500 = tpu.vector_load %arg8[%get3A_498, %get3A_499] {strides = array<i32>} : memref<128x128xf32, #tpu.memory_space<vmem>>, vector<1x16xf32>,
    %get3A_501 = vector.shape_cast %get3A_500 : vector<1x16xf32> to vector<16xf32>
    %and3A_502 = arith.constant 15 : i32
    %and3A_503 = arith.andi %squeeze3A_492, %and3A_502 : i32
    %broadcast_in_dim3A_504 = vector.broadcast %and3A_503 : i32 to vector<16x1xi32>
    %gather3A_505 = vector.shape_cast %broadcast_in_dim3A_504 : vector<16x1xi32> to vector<16xi32>
    %gather3A_506 = tpu.dynamic_gather %get3A_501[%gather3A_505] in [0] : vector<16xf32>, vector<16xi32> -> vector<16xf32>
    %eq3A_507 = arith.constant 8 : i32
    %eq3A_508 = vector.broadcast %eq3A_507 : i32 to vector<16xi32>
    %eq3A_509 = arith.cmpi eq, %iota3A, %eq3A_508 : vector<16xi32>
    %select_n3A_510 = arith.select %eq3A_509, %gather3A_506, %select_n3A_490 : vector<16xi1>, vector<16xf32>
    %slice3A_511 = vector.extract_strided_slice %get3A_328 {offsets = [9], sizes = [1], strides = [1]} : vector<16xi32> to vector<1xi32>
    %squeeze3A_512 = vector.extract %slice3A_511[0] : i32 from vector<1xi32>
    %shift_right_arithmetic3A_513 = arith.constant 4 : i32
    %shift_right_arithmetic3A_514 = arith.shrsi %squeeze3A_512, %shift_right_arithmetic3A_513 : i32
    %mul3A_515 = arith.constant 16 : i32
    %mul3A_516 = arith.muli %shift_right_arithmetic3A_514, %mul3A_515 : i32
    %get3A_517 = arith.constant 25 : i32
    %get3A_518 = arith.index_cast %get3A_517 : i32 to index
    %get3A_519 = arith.index_cast %mul3A_516 : i32 to index
    %get3A_520 = tpu.vector_load %arg8[%get3A_518, %get3A_519] {strides = array<i32>} : memref<128x128xf32, #tpu.memory_space<vmem>>, vector<1x16xf32>,
    %get3A_521 = vector.shape_cast %get3A_520 : vector<1x16xf32> to vector<16xf32>
    %and3A_522 = arith.constant 15 : i32
    %and3A_523 = arith.andi %squeeze3A_512, %and3A_522 : i32
    %broadcast_in_dim3A_524 = vector.broadcast %and3A_523 : i32 to vector<16x1xi32>
    %gather3A_525 = vector.shape_cast %broadcast_in_dim3A_524 : vector<16x1xi32> to vector<16xi32>
    %gather3A_526 = tpu.dynamic_gather %get3A_521[%gather3A_525] in [0] : vector<16xf32>, vector<16xi32> -> vector<16xf32>
    %eq3A_527 = arith.constant 9 : i32
    %eq3A_528 = vector.broadcast %eq3A_527 : i32 to vector<16xi32>
    %eq3A_529 = arith.cmpi eq, %iota3A, %eq3A_528 : vector<16xi32>
    %select_n3A_530 = arith.select %eq3A_529, %gather3A_526, %select_n3A_510 : vector<16xi1>, vector<16xf32>
    %slice3A_531 = vector.extract_strided_slice %get3A_328 {offsets = [10], sizes = [1], strides = [1]} : vector<16xi32> to vector<1xi32>
    %squeeze3A_532 = vector.extract %slice3A_531[0] : i32 from vector<1xi32>
    %shift_right_arithmetic3A_533 = arith.constant 4 : i32
    %shift_right_arithmetic3A_534 = arith.shrsi %squeeze3A_532, %shift_right_arithmetic3A_533 : i32
    %mul3A_535 = arith.constant 16 : i32
    %mul3A_536 = arith.muli %shift_right_arithmetic3A_534, %mul3A_535 : i32
    %get3A_537 = arith.constant 26 : i32
    %get3A_538 = arith.index_cast %get3A_537 : i32 to index
    %get3A_539 = arith.index_cast %mul3A_536 : i32 to index
    %get3A_540 = tpu.vector_load %arg8[%get3A_538, %get3A_539] {strides = array<i32>} : memref<128x128xf32, #tpu.memory_space<vmem>>, vector<1x16xf32>,
    %get3A_541 = vector.shape_cast %get3A_540 : vector<1x16xf32> to vector<16xf32>
    %and3A_542 = arith.constant 15 : i32
    %and3A_543 = arith.andi %squeeze3A_532, %and3A_542 : i32
    %broadcast_in_dim3A_544 = vector.broadcast %and3A_543 : i32 to vector<16x1xi32>
    %gather3A_545 = vector.shape_cast %broadcast_in_dim3A_544 : vector<16x1xi32> to vector<16xi32>
    %gather3A_546 = tpu.dynamic_gather %get3A_541[%gather3A_545] in [0] : vector<16xf32>, vector<16xi32> -> vector<16xf32>
    %eq3A_547 = arith.constant 10 : i32
    %eq3A_548 = vector.broadcast %eq3A_547 : i32 to vector<16xi32>
    %eq3A_549 = arith.cmpi eq, %iota3A, %eq3A_548 : vector<16xi32>
    %select_n3A_550 = arith.select %eq3A_549, %gather3A_546, %select_n3A_530 : vector<16xi1>, vector<16xf32>
    %slice3A_551 = vector.extract_strided_slice %get3A_328 {offsets = [11], sizes = [1], strides = [1]} : vector<16xi32> to vector<1xi32>
    %squeeze3A_552 = vector.extract %slice3A_551[0] : i32 from vector<1xi32>
    %shift_right_arithmetic3A_553 = arith.constant 4 : i32
    %shift_right_arithmetic3A_554 = arith.shrsi %squeeze3A_552, %shift_right_arithmetic3A_553 : i32
    %mul3A_555 = arith.constant 16 : i32
    %mul3A_556 = arith.muli %shift_right_arithmetic3A_554, %mul3A_555 : i32
    %get3A_557 = arith.constant 27 : i32
    %get3A_558 = arith.index_cast %get3A_557 : i32 to index
    %get3A_559 = arith.index_cast %mul3A_556 : i32 to index
    %get3A_560 = tpu.vector_load %arg8[%get3A_558, %get3A_559] {strides = array<i32>} : memref<128x128xf32, #tpu.memory_space<vmem>>, vector<1x16xf32>,
    %get3A_561 = vector.shape_cast %get3A_560 : vector<1x16xf32> to vector<16xf32>
    %and3A_562 = arith.constant 15 : i32
    %and3A_563 = arith.andi %squeeze3A_552, %and3A_562 : i32
    %broadcast_in_dim3A_564 = vector.broadcast %and3A_563 : i32 to vector<16x1xi32>
    %gather3A_565 = vector.shape_cast %broadcast_in_dim3A_564 : vector<16x1xi32> to vector<16xi32>
    %gather3A_566 = tpu.dynamic_gather %get3A_561[%gather3A_565] in [0] : vector<16xf32>, vector<16xi32> -> vector<16xf32>
    %eq3A_567 = arith.constant 11 : i32
    %eq3A_568 = vector.broadcast %eq3A_567 : i32 to vector<16xi32>
    %eq3A_569 = arith.cmpi eq, %iota3A, %eq3A_568 : vector<16xi32>
    %select_n3A_570 = arith.select %eq3A_569, %gather3A_566, %select_n3A_550 : vector<16xi1>, vector<16xf32>
    %slice3A_571 = vector.extract_strided_slice %get3A_328 {offsets = [12], sizes = [1], strides = [1]} : vector<16xi32> to vector<1xi32>
    %squeeze3A_572 = vector.extract %slice3A_571[0] : i32 from vector<1xi32>
    %shift_right_arithmetic3A_573 = arith.constant 4 : i32
    %shift_right_arithmetic3A_574 = arith.shrsi %squeeze3A_572, %shift_right_arithmetic3A_573 : i32
    %mul3A_575 = arith.constant 16 : i32
    %mul3A_576 = arith.muli %shift_right_arithmetic3A_574, %mul3A_575 : i32
    %get3A_577 = arith.constant 28 : i32
    %get3A_578 = arith.index_cast %get3A_577 : i32 to index
    %get3A_579 = arith.index_cast %mul3A_576 : i32 to index
    %get3A_580 = tpu.vector_load %arg8[%get3A_578, %get3A_579] {strides = array<i32>} : memref<128x128xf32, #tpu.memory_space<vmem>>, vector<1x16xf32>,
    %get3A_581 = vector.shape_cast %get3A_580 : vector<1x16xf32> to vector<16xf32>
    %and3A_582 = arith.constant 15 : i32
    %and3A_583 = arith.andi %squeeze3A_572, %and3A_582 : i32
    %broadcast_in_dim3A_584 = vector.broadcast %and3A_583 : i32 to vector<16x1xi32>
    %gather3A_585 = vector.shape_cast %broadcast_in_dim3A_584 : vector<16x1xi32> to vector<16xi32>
    %gather3A_586 = tpu.dynamic_gather %get3A_581[%gather3A_585] in [0] : vector<16xf32>, vector<16xi32> -> vector<16xf32>
    %eq3A_587 = arith.constant 12 : i32
    %eq3A_588 = vector.broadcast %eq3A_587 : i32 to vector<16xi32>
    %eq3A_589 = arith.cmpi eq, %iota3A, %eq3A_588 : vector<16xi32>
    %select_n3A_590 = arith.select %eq3A_589, %gather3A_586, %select_n3A_570 : vector<16xi1>, vector<16xf32>
    %slice3A_591 = vector.extract_strided_slice %get3A_328 {offsets = [13], sizes = [1], strides = [1]} : vector<16xi32> to vector<1xi32>
    %squeeze3A_592 = vector.extract %slice3A_591[0] : i32 from vector<1xi32>
    %shift_right_arithmetic3A_593 = arith.constant 4 : i32
    %shift_right_arithmetic3A_594 = arith.shrsi %squeeze3A_592, %shift_right_arithmetic3A_593 : i32
    %mul3A_595 = arith.constant 16 : i32
    %mul3A_596 = arith.muli %shift_right_arithmetic3A_594, %mul3A_595 : i32
    %get3A_597 = arith.constant 29 : i32
    %get3A_598 = arith.index_cast %get3A_597 : i32 to index
    %get3A_599 = arith.index_cast %mul3A_596 : i32 to index
    %get3A_600 = tpu.vector_load %arg8[%get3A_598, %get3A_599] {strides = array<i32>} : memref<128x128xf32, #tpu.memory_space<vmem>>, vector<1x16xf32>,
    %get3A_601 = vector.shape_cast %get3A_600 : vector<1x16xf32> to vector<16xf32>
    %and3A_602 = arith.constant 15 : i32
    %and3A_603 = arith.andi %squeeze3A_592, %and3A_602 : i32
    %broadcast_in_dim3A_604 = vector.broadcast %and3A_603 : i32 to vector<16x1xi32>
    %gather3A_605 = vector.shape_cast %broadcast_in_dim3A_604 : vector<16x1xi32> to vector<16xi32>
    %gather3A_606 = tpu.dynamic_gather %get3A_601[%gather3A_605] in [0] : vector<16xf32>, vector<16xi32> -> vector<16xf32>
    %eq3A_607 = arith.constant 13 : i32
    %eq3A_608 = vector.broadcast %eq3A_607 : i32 to vector<16xi32>
    %eq3A_609 = arith.cmpi eq, %iota3A, %eq3A_608 : vector<16xi32>
    %select_n3A_610 = arith.select %eq3A_609, %gather3A_606, %select_n3A_590 : vector<16xi1>, vector<16xf32>
    %slice3A_611 = vector.extract_strided_slice %get3A_328 {offsets = [14], sizes = [1], strides = [1]} : vector<16xi32> to vector<1xi32>
    %squeeze3A_612 = vector.extract %slice3A_611[0] : i32 from vector<1xi32>
    %shift_right_arithmetic3A_613 = arith.constant 4 : i32
    %shift_right_arithmetic3A_614 = arith.shrsi %squeeze3A_612, %shift_right_arithmetic3A_613 : i32
    %mul3A_615 = arith.constant 16 : i32
    %mul3A_616 = arith.muli %shift_right_arithmetic3A_614, %mul3A_615 : i32
    %get3A_617 = arith.constant 30 : i32
    %get3A_618 = arith.index_cast %get3A_617 : i32 to index
    %get3A_619 = arith.index_cast %mul3A_616 : i32 to index
    %get3A_620 = tpu.vector_load %arg8[%get3A_618, %get3A_619] {strides = array<i32>} : memref<128x128xf32, #tpu.memory_space<vmem>>, vector<1x16xf32>,
    %get3A_621 = vector.shape_cast %get3A_620 : vector<1x16xf32> to vector<16xf32>
    %and3A_622 = arith.constant 15 : i32
    %and3A_623 = arith.andi %squeeze3A_612, %and3A_622 : i32
    %broadcast_in_dim3A_624 = vector.broadcast %and3A_623 : i32 to vector<16x1xi32>
    %gather3A_625 = vector.shape_cast %broadcast_in_dim3A_624 : vector<16x1xi32> to vector<16xi32>
    %gather3A_626 = tpu.dynamic_gather %get3A_621[%gather3A_625] in [0] : vector<16xf32>, vector<16xi32> -> vector<16xf32>
    %eq3A_627 = arith.constant 14 : i32
    %eq3A_628 = vector.broadcast %eq3A_627 : i32 to vector<16xi32>
    %eq3A_629 = arith.cmpi eq, %iota3A, %eq3A_628 : vector<16xi32>
    %select_n3A_630 = arith.select %eq3A_629, %gather3A_626, %select_n3A_610 : vector<16xi1>, vector<16xf32>
    %slice3A_631 = vector.extract_strided_slice %get3A_328 {offsets = [15], sizes = [1], strides = [1]} : vector<16xi32> to vector<1xi32>
    %squeeze3A_632 = vector.extract %slice3A_631[0] : i32 from vector<1xi32>
    %shift_right_arithmetic3A_633 = arith.constant 4 : i32
    %shift_right_arithmetic3A_634 = arith.shrsi %squeeze3A_632, %shift_right_arithmetic3A_633 : i32
    %mul3A_635 = arith.constant 16 : i32
    %mul3A_636 = arith.muli %shift_right_arithmetic3A_634, %mul3A_635 : i32
    %get3A_637 = arith.constant 31 : i32
    %get3A_638 = arith.index_cast %get3A_637 : i32 to index
    %get3A_639 = arith.index_cast %mul3A_636 : i32 to index
    %get3A_640 = tpu.vector_load %arg8[%get3A_638, %get3A_639] {strides = array<i32>} : memref<128x128xf32, #tpu.memory_space<vmem>>, vector<1x16xf32>,
    %get3A_641 = vector.shape_cast %get3A_640 : vector<1x16xf32> to vector<16xf32>
    %and3A_642 = arith.constant 15 : i32
    %and3A_643 = arith.andi %squeeze3A_632, %and3A_642 : i32
    %broadcast_in_dim3A_644 = vector.broadcast %and3A_643 : i32 to vector<16x1xi32>
    %gather3A_645 = vector.shape_cast %broadcast_in_dim3A_644 : vector<16x1xi32> to vector<16xi32>
    %gather3A_646 = tpu.dynamic_gather %get3A_641[%gather3A_645] in [0] : vector<16xf32>, vector<16xi32> -> vector<16xf32>
    %eq3A_647 = arith.constant 15 : i32
    %eq3A_648 = vector.broadcast %eq3A_647 : i32 to vector<16xi32>
    %eq3A_649 = arith.cmpi eq, %iota3A, %eq3A_648 : vector<16xi32>
    %select_n3A_650 = arith.select %eq3A_649, %gather3A_646, %select_n3A_630 : vector<16xi1>, vector<16xf32>
    %swap3A_651 = arith.constant 16 : index
    %swap3A_652 = tpu.vector_load %arg9[%swap3A_651] {strides = array<i32>} : memref<128xf32, #tpu.memory_space<vmem>>, vector<16xf32>,
    %swap3A_653 = vector.shape_cast %swap3A_652 : vector<16xf32> to vector<16xf32>
    %swap3A_654 = vector.shape_cast %select_n3A_650 : vector<16xf32> to vector<16xf32>
    tpu.vector_store %arg9[%swap3A_651], %swap3A_654 {strides = array<i32>} : memref<128xf32, #tpu.memory_space<vmem>>, vector<16xf32>,
    %get3A_655 = arith.constant 32 : index
    %get3A_656 = tpu.vector_load %arg7[%get3A_655] {strides = array<i32>} : memref<128xi32, #tpu.memory_space<vmem>>, vector<16xi32>,
    %get3A_657 = vector.shape_cast %get3A_656 : vector<16xi32> to vector<16xi32>
    %broadcast_in_dim3A_658 = arith.constant 0.000000e+00 : f32
    %broadcast_in_dim3A_659 = vector.broadcast %broadcast_in_dim3A_658 : f32 to vector<16xf32>
    %slice3A_660 = vector.extract_strided_slice %get3A_657 {offsets = [0], sizes = [1], strides = [1]} : vector<16xi32> to vector<1xi32>
    %squeeze3A_661 = vector.extract %slice3A_660[0] : i32 from vector<1xi32>
    %shift_right_arithmetic3A_662 = arith.constant 4 : i32
    %shift_right_arithmetic3A_663 = arith.shrsi %squeeze3A_661, %shift_right_arithmetic3A_662 : i32
    %mul3A_664 = arith.constant 16 : i32
    %mul3A_665 = arith.muli %shift_right_arithmetic3A_663, %mul3A_664 : i32
    %get3A_666 = arith.constant 32 : i32
    %get3A_667 = arith.index_cast %get3A_666 : i32 to index
    %get3A_668 = arith.index_cast %mul3A_665 : i32 to index
    %get3A_669 = tpu.vector_load %arg8[%get3A_667, %get3A_668] {strides = array<i32>} : memref<128x128xf32, #tpu.memory_space<vmem>>, vector<1x16xf32>,
    %get3A_670 = vector.shape_cast %get3A_669 : vector<1x16xf32> to vector<16xf32>
    %and3A_671 = arith.constant 15 : i32
    %and3A_672 = arith.andi %squeeze3A_661, %and3A_671 : i32
    %broadcast_in_dim3A_673 = vector.broadcast %and3A_672 : i32 to vector<16x1xi32>
    %gather3A_674 = vector.shape_cast %broadcast_in_dim3A_673 : vector<16x1xi32> to vector<16xi32>
    %gather3A_675 = tpu.dynamic_gather %get3A_670[%gather3A_674] in [0] : vector<16xf32>, vector<16xi32> -> vector<16xf32>
    %eq3A_676 = arith.constant 0 : i32
    %eq3A_677 = vector.broadcast %eq3A_676 : i32 to vector<16xi32>
    %eq3A_678 = arith.cmpi eq, %iota3A, %eq3A_677 : vector<16xi32>
    %select_n3A_679 = arith.select %eq3A_678, %gather3A_675, %broadcast_in_dim3A_659 : vector<16xi1>, vector<16xf32>
    %slice3A_680 = vector.extract_strided_slice %get3A_657 {offsets = [1], sizes = [1], strides = [1]} : vector<16xi32> to vector<1xi32>
    %squeeze3A_681 = vector.extract %slice3A_680[0] : i32 from vector<1xi32>
    %shift_right_arithmetic3A_682 = arith.constant 4 : i32
    %shift_right_arithmetic3A_683 = arith.shrsi %squeeze3A_681, %shift_right_arithmetic3A_682 : i32
    %mul3A_684 = arith.constant 16 : i32
    %mul3A_685 = arith.muli %shift_right_arithmetic3A_683, %mul3A_684 : i32
    %get3A_686 = arith.constant 33 : i32
    %get3A_687 = arith.index_cast %get3A_686 : i32 to index
    %get3A_688 = arith.index_cast %mul3A_685 : i32 to index
    %get3A_689 = tpu.vector_load %arg8[%get3A_687, %get3A_688] {strides = array<i32>} : memref<128x128xf32, #tpu.memory_space<vmem>>, vector<1x16xf32>,
    %get3A_690 = vector.shape_cast %get3A_689 : vector<1x16xf32> to vector<16xf32>
    %and3A_691 = arith.constant 15 : i32
    %and3A_692 = arith.andi %squeeze3A_681, %and3A_691 : i32
    %broadcast_in_dim3A_693 = vector.broadcast %and3A_692 : i32 to vector<16x1xi32>
    %gather3A_694 = vector.shape_cast %broadcast_in_dim3A_693 : vector<16x1xi32> to vector<16xi32>
    %gather3A_695 = tpu.dynamic_gather %get3A_690[%gather3A_694] in [0] : vector<16xf32>, vector<16xi32> -> vector<16xf32>
    %eq3A_696 = arith.constant 1 : i32
    %eq3A_697 = vector.broadcast %eq3A_696 : i32 to vector<16xi32>
    %eq3A_698 = arith.cmpi eq, %iota3A, %eq3A_697 : vector<16xi32>
    %select_n3A_699 = arith.select %eq3A_698, %gather3A_695, %select_n3A_679 : vector<16xi1>, vector<16xf32>
    %slice3A_700 = vector.extract_strided_slice %get3A_657 {offsets = [2], sizes = [1], strides = [1]} : vector<16xi32> to vector<1xi32>
    %squeeze3A_701 = vector.extract %slice3A_700[0] : i32 from vector<1xi32>
    %shift_right_arithmetic3A_702 = arith.constant 4 : i32
    %shift_right_arithmetic3A_703 = arith.shrsi %squeeze3A_701, %shift_right_arithmetic3A_702 : i32
    %mul3A_704 = arith.constant 16 : i32
    %mul3A_705 = arith.muli %shift_right_arithmetic3A_703, %mul3A_704 : i32
    %get3A_706 = arith.constant 34 : i32
    %get3A_707 = arith.index_cast %get3A_706 : i32 to index
    %get3A_708 = arith.index_cast %mul3A_705 : i32 to index
    %get3A_709 = tpu.vector_load %arg8[%get3A_707, %get3A_708] {strides = array<i32>} : memref<128x128xf32, #tpu.memory_space<vmem>>, vector<1x16xf32>,
    %get3A_710 = vector.shape_cast %get3A_709 : vector<1x16xf32> to vector<16xf32>
    %and3A_711 = arith.constant 15 : i32
    %and3A_712 = arith.andi %squeeze3A_701, %and3A_711 : i32
    %broadcast_in_dim3A_713 = vector.broadcast %and3A_712 : i32 to vector<16x1xi32>
    %gather3A_714 = vector.shape_cast %broadcast_in_dim3A_713 : vector<16x1xi32> to vector<16xi32>
    %gather3A_715 = tpu.dynamic_gather %get3A_710[%gather3A_714] in [0] : vector<16xf32>, vector<16xi32> -> vector<16xf32>
    %eq3A_716 = arith.constant 2 : i32
    %eq3A_717 = vector.broadcast %eq3A_716 : i32 to vector<16xi32>
    %eq3A_718 = arith.cmpi eq, %iota3A, %eq3A_717 : vector<16xi32>
    %select_n3A_719 = arith.select %eq3A_718, %gather3A_715, %select_n3A_699 : vector<16xi1>, vector<16xf32>
    %slice3A_720 = vector.extract_strided_slice %get3A_657 {offsets = [3], sizes = [1], strides = [1]} : vector<16xi32> to vector<1xi32>
    %squeeze3A_721 = vector.extract %slice3A_720[0] : i32 from vector<1xi32>
    %shift_right_arithmetic3A_722 = arith.constant 4 : i32
    %shift_right_arithmetic3A_723 = arith.shrsi %squeeze3A_721, %shift_right_arithmetic3A_722 : i32
    %mul3A_724 = arith.constant 16 : i32
    %mul3A_725 = arith.muli %shift_right_arithmetic3A_723, %mul3A_724 : i32
    %get3A_726 = arith.constant 35 : i32
    %get3A_727 = arith.index_cast %get3A_726 : i32 to index
    %get3A_728 = arith.index_cast %mul3A_725 : i32 to index
    %get3A_729 = tpu.vector_load %arg8[%get3A_727, %get3A_728] {strides = array<i32>} : memref<128x128xf32, #tpu.memory_space<vmem>>, vector<1x16xf32>,
    %get3A_730 = vector.shape_cast %get3A_729 : vector<1x16xf32> to vector<16xf32>
    %and3A_731 = arith.constant 15 : i32
    %and3A_732 = arith.andi %squeeze3A_721, %and3A_731 : i32
    %broadcast_in_dim3A_733 = vector.broadcast %and3A_732 : i32 to vector<16x1xi32>
    %gather3A_734 = vector.shape_cast %broadcast_in_dim3A_733 : vector<16x1xi32> to vector<16xi32>
    %gather3A_735 = tpu.dynamic_gather %get3A_730[%gather3A_734] in [0] : vector<16xf32>, vector<16xi32> -> vector<16xf32>
    %eq3A_736 = arith.constant 3 : i32
    %eq3A_737 = vector.broadcast %eq3A_736 : i32 to vector<16xi32>
    %eq3A_738 = arith.cmpi eq, %iota3A, %eq3A_737 : vector<16xi32>
    %select_n3A_739 = arith.select %eq3A_738, %gather3A_735, %select_n3A_719 : vector<16xi1>, vector<16xf32>
    %slice3A_740 = vector.extract_strided_slice %get3A_657 {offsets = [4], sizes = [1], strides = [1]} : vector<16xi32> to vector<1xi32>
    %squeeze3A_741 = vector.extract %slice3A_740[0] : i32 from vector<1xi32>
    %shift_right_arithmetic3A_742 = arith.constant 4 : i32
    %shift_right_arithmetic3A_743 = arith.shrsi %squeeze3A_741, %shift_right_arithmetic3A_742 : i32
    %mul3A_744 = arith.constant 16 : i32
    %mul3A_745 = arith.muli %shift_right_arithmetic3A_743, %mul3A_744 : i32
    %get3A_746 = arith.constant 36 : i32
    %get3A_747 = arith.index_cast %get3A_746 : i32 to index
    %get3A_748 = arith.index_cast %mul3A_745 : i32 to index
    %get3A_749 = tpu.vector_load %arg8[%get3A_747, %get3A_748] {strides = array<i32>} : memref<128x128xf32, #tpu.memory_space<vmem>>, vector<1x16xf32>,
    %get3A_750 = vector.shape_cast %get3A_749 : vector<1x16xf32> to vector<16xf32>
    %and3A_751 = arith.constant 15 : i32
    %and3A_752 = arith.andi %squeeze3A_741, %and3A_751 : i32
    %broadcast_in_dim3A_753 = vector.broadcast %and3A_752 : i32 to vector<16x1xi32>
    %gather3A_754 = vector.shape_cast %broadcast_in_dim3A_753 : vector<16x1xi32> to vector<16xi32>
    %gather3A_755 = tpu.dynamic_gather %get3A_750[%gather3A_754] in [0] : vector<16xf32>, vector<16xi32> -> vector<16xf32>
    %eq3A_756 = arith.constant 4 : i32
    %eq3A_757 = vector.broadcast %eq3A_756 : i32 to vector<16xi32>
    %eq3A_758 = arith.cmpi eq, %iota3A, %eq3A_757 : vector<16xi32>
    %select_n3A_759 = arith.select %eq3A_758, %gather3A_755, %select_n3A_739 : vector<16xi1>, vector<16xf32>
    %slice3A_760 = vector.extract_strided_slice %get3A_657 {offsets = [5], sizes = [1], strides = [1]} : vector<16xi32> to vector<1xi32>
    %squeeze3A_761 = vector.extract %slice3A_760[0] : i32 from vector<1xi32>
    %shift_right_arithmetic3A_762 = arith.constant 4 : i32
    %shift_right_arithmetic3A_763 = arith.shrsi %squeeze3A_761, %shift_right_arithmetic3A_762 : i32
    %mul3A_764 = arith.constant 16 : i32
    %mul3A_765 = arith.muli %shift_right_arithmetic3A_763, %mul3A_764 : i32
    %get3A_766 = arith.constant 37 : i32
    %get3A_767 = arith.index_cast %get3A_766 : i32 to index
    %get3A_768 = arith.index_cast %mul3A_765 : i32 to index
    %get3A_769 = tpu.vector_load %arg8[%get3A_767, %get3A_768] {strides = array<i32>} : memref<128x128xf32, #tpu.memory_space<vmem>>, vector<1x16xf32>,
    %get3A_770 = vector.shape_cast %get3A_769 : vector<1x16xf32> to vector<16xf32>
    %and3A_771 = arith.constant 15 : i32
    %and3A_772 = arith.andi %squeeze3A_761, %and3A_771 : i32
    %broadcast_in_dim3A_773 = vector.broadcast %and3A_772 : i32 to vector<16x1xi32>
    %gather3A_774 = vector.shape_cast %broadcast_in_dim3A_773 : vector<16x1xi32> to vector<16xi32>
    %gather3A_775 = tpu.dynamic_gather %get3A_770[%gather3A_774] in [0] : vector<16xf32>, vector<16xi32> -> vector<16xf32>
    %eq3A_776 = arith.constant 5 : i32
    %eq3A_777 = vector.broadcast %eq3A_776 : i32 to vector<16xi32>
    %eq3A_778 = arith.cmpi eq, %iota3A, %eq3A_777 : vector<16xi32>
    %select_n3A_779 = arith.select %eq3A_778, %gather3A_775, %select_n3A_759 : vector<16xi1>, vector<16xf32>
    %slice3A_780 = vector.extract_strided_slice %get3A_657 {offsets = [6], sizes = [1], strides = [1]} : vector<16xi32> to vector<1xi32>
    %squeeze3A_781 = vector.extract %slice3A_780[0] : i32 from vector<1xi32>
    %shift_right_arithmetic3A_782 = arith.constant 4 : i32
    %shift_right_arithmetic3A_783 = arith.shrsi %squeeze3A_781, %shift_right_arithmetic3A_782 : i32
    %mul3A_784 = arith.constant 16 : i32
    %mul3A_785 = arith.muli %shift_right_arithmetic3A_783, %mul3A_784 : i32
    %get3A_786 = arith.constant 38 : i32
    %get3A_787 = arith.index_cast %get3A_786 : i32 to index
    %get3A_788 = arith.index_cast %mul3A_785 : i32 to index
    %get3A_789 = tpu.vector_load %arg8[%get3A_787, %get3A_788] {strides = array<i32>} : memref<128x128xf32, #tpu.memory_space<vmem>>, vector<1x16xf32>,
    %get3A_790 = vector.shape_cast %get3A_789 : vector<1x16xf32> to vector<16xf32>
    %and3A_791 = arith.constant 15 : i32
    %and3A_792 = arith.andi %squeeze3A_781, %and3A_791 : i32
    %broadcast_in_dim3A_793 = vector.broadcast %and3A_792 : i32 to vector<16x1xi32>
    %gather3A_794 = vector.shape_cast %broadcast_in_dim3A_793 : vector<16x1xi32> to vector<16xi32>
    %gather3A_795 = tpu.dynamic_gather %get3A_790[%gather3A_794] in [0] : vector<16xf32>, vector<16xi32> -> vector<16xf32>
    %eq3A_796 = arith.constant 6 : i32
    %eq3A_797 = vector.broadcast %eq3A_796 : i32 to vector<16xi32>
    %eq3A_798 = arith.cmpi eq, %iota3A, %eq3A_797 : vector<16xi32>
    %select_n3A_799 = arith.select %eq3A_798, %gather3A_795, %select_n3A_779 : vector<16xi1>, vector<16xf32>
    %slice3A_800 = vector.extract_strided_slice %get3A_657 {offsets = [7], sizes = [1], strides = [1]} : vector<16xi32> to vector<1xi32>
    %squeeze3A_801 = vector.extract %slice3A_800[0] : i32 from vector<1xi32>
    %shift_right_arithmetic3A_802 = arith.constant 4 : i32
    %shift_right_arithmetic3A_803 = arith.shrsi %squeeze3A_801, %shift_right_arithmetic3A_802 : i32
    %mul3A_804 = arith.constant 16 : i32
    %mul3A_805 = arith.muli %shift_right_arithmetic3A_803, %mul3A_804 : i32
    %get3A_806 = arith.constant 39 : i32
    %get3A_807 = arith.index_cast %get3A_806 : i32 to index
    %get3A_808 = arith.index_cast %mul3A_805 : i32 to index
    %get3A_809 = tpu.vector_load %arg8[%get3A_807, %get3A_808] {strides = array<i32>} : memref<128x128xf32, #tpu.memory_space<vmem>>, vector<1x16xf32>,
    %get3A_810 = vector.shape_cast %get3A_809 : vector<1x16xf32> to vector<16xf32>
    %and3A_811 = arith.constant 15 : i32
    %and3A_812 = arith.andi %squeeze3A_801, %and3A_811 : i32
    %broadcast_in_dim3A_813 = vector.broadcast %and3A_812 : i32 to vector<16x1xi32>
    %gather3A_814 = vector.shape_cast %broadcast_in_dim3A_813 : vector<16x1xi32> to vector<16xi32>
    %gather3A_815 = tpu.dynamic_gather %get3A_810[%gather3A_814] in [0] : vector<16xf32>, vector<16xi32> -> vector<16xf32>
    %eq3A_816 = arith.constant 7 : i32
    %eq3A_817 = vector.broadcast %eq3A_816 : i32 to vector<16xi32>
    %eq3A_818 = arith.cmpi eq, %iota3A, %eq3A_817 : vector<16xi32>
    %select_n3A_819 = arith.select %eq3A_818, %gather3A_815, %select_n3A_799 : vector<16xi1>, vector<16xf32>
    %slice3A_820 = vector.extract_strided_slice %get3A_657 {offsets = [8], sizes = [1], strides = [1]} : vector<16xi32> to vector<1xi32>
    %squeeze3A_821 = vector.extract %slice3A_820[0] : i32 from vector<1xi32>
    %shift_right_arithmetic3A_822 = arith.constant 4 : i32
    %shift_right_arithmetic3A_823 = arith.shrsi %squeeze3A_821, %shift_right_arithmetic3A_822 : i32
    %mul3A_824 = arith.constant 16 : i32
    %mul3A_825 = arith.muli %shift_right_arithmetic3A_823, %mul3A_824 : i32
    %get3A_826 = arith.constant 40 : i32
    %get3A_827 = arith.index_cast %get3A_826 : i32 to index
    %get3A_828 = arith.index_cast %mul3A_825 : i32 to index
    %get3A_829 = tpu.vector_load %arg8[%get3A_827, %get3A_828] {strides = array<i32>} : memref<128x128xf32, #tpu.memory_space<vmem>>, vector<1x16xf32>,
    %get3A_830 = vector.shape_cast %get3A_829 : vector<1x16xf32> to vector<16xf32>
    %and3A_831 = arith.constant 15 : i32
    %and3A_832 = arith.andi %squeeze3A_821, %and3A_831 : i32
    %broadcast_in_dim3A_833 = vector.broadcast %and3A_832 : i32 to vector<16x1xi32>
    %gather3A_834 = vector.shape_cast %broadcast_in_dim3A_833 : vector<16x1xi32> to vector<16xi32>
    %gather3A_835 = tpu.dynamic_gather %get3A_830[%gather3A_834] in [0] : vector<16xf32>, vector<16xi32> -> vector<16xf32>
    %eq3A_836 = arith.constant 8 : i32
    %eq3A_837 = vector.broadcast %eq3A_836 : i32 to vector<16xi32>
    %eq3A_838 = arith.cmpi eq, %iota3A, %eq3A_837 : vector<16xi32>
    %select_n3A_839 = arith.select %eq3A_838, %gather3A_835, %select_n3A_819 : vector<16xi1>, vector<16xf32>
    %slice3A_840 = vector.extract_strided_slice %get3A_657 {offsets = [9], sizes = [1], strides = [1]} : vector<16xi32> to vector<1xi32>
    %squeeze3A_841 = vector.extract %slice3A_840[0] : i32 from vector<1xi32>
    %shift_right_arithmetic3A_842 = arith.constant 4 : i32
    %shift_right_arithmetic3A_843 = arith.shrsi %squeeze3A_841, %shift_right_arithmetic3A_842 : i32
    %mul3A_844 = arith.constant 16 : i32
    %mul3A_845 = arith.muli %shift_right_arithmetic3A_843, %mul3A_844 : i32
    %get3A_846 = arith.constant 41 : i32
    %get3A_847 = arith.index_cast %get3A_846 : i32 to index
    %get3A_848 = arith.index_cast %mul3A_845 : i32 to index
    %get3A_849 = tpu.vector_load %arg8[%get3A_847, %get3A_848] {strides = array<i32>} : memref<128x128xf32, #tpu.memory_space<vmem>>, vector<1x16xf32>,
    %get3A_850 = vector.shape_cast %get3A_849 : vector<1x16xf32> to vector<16xf32>
    %and3A_851 = arith.constant 15 : i32
    %and3A_852 = arith.andi %squeeze3A_841, %and3A_851 : i32
    %broadcast_in_dim3A_853 = vector.broadcast %and3A_852 : i32 to vector<16x1xi32>
    %gather3A_854 = vector.shape_cast %broadcast_in_dim3A_853 : vector<16x1xi32> to vector<16xi32>
    %gather3A_855 = tpu.dynamic_gather %get3A_850[%gather3A_854] in [0] : vector<16xf32>, vector<16xi32> -> vector<16xf32>
    %eq3A_856 = arith.constant 9 : i32
    %eq3A_857 = vector.broadcast %eq3A_856 : i32 to vector<16xi32>
    %eq3A_858 = arith.cmpi eq, %iota3A, %eq3A_857 : vector<16xi32>
    %select_n3A_859 = arith.select %eq3A_858, %gather3A_855, %select_n3A_839 : vector<16xi1>, vector<16xf32>
    %slice3A_860 = vector.extract_strided_slice %get3A_657 {offsets = [10], sizes = [1], strides = [1]} : vector<16xi32> to vector<1xi32>
    %squeeze3A_861 = vector.extract %slice3A_860[0] : i32 from vector<1xi32>
    %shift_right_arithmetic3A_862 = arith.constant 4 : i32
    %shift_right_arithmetic3A_863 = arith.shrsi %squeeze3A_861, %shift_right_arithmetic3A_862 : i32
    %mul3A_864 = arith.constant 16 : i32
    %mul3A_865 = arith.muli %shift_right_arithmetic3A_863, %mul3A_864 : i32
    %get3A_866 = arith.constant 42 : i32
    %get3A_867 = arith.index_cast %get3A_866 : i32 to index
    %get3A_868 = arith.index_cast %mul3A_865 : i32 to index
    %get3A_869 = tpu.vector_load %arg8[%get3A_867, %get3A_868] {strides = array<i32>} : memref<128x128xf32, #tpu.memory_space<vmem>>, vector<1x16xf32>,
    %get3A_870 = vector.shape_cast %get3A_869 : vector<1x16xf32> to vector<16xf32>
    %and3A_871 = arith.constant 15 : i32
    %and3A_872 = arith.andi %squeeze3A_861, %and3A_871 : i32
    %broadcast_in_dim3A_873 = vector.broadcast %and3A_872 : i32 to vector<16x1xi32>
    %gather3A_874 = vector.shape_cast %broadcast_in_dim3A_873 : vector<16x1xi32> to vector<16xi32>
    %gather3A_875 = tpu.dynamic_gather %get3A_870[%gather3A_874] in [0] : vector<16xf32>, vector<16xi32> -> vector<16xf32>
    %eq3A_876 = arith.constant 10 : i32
    %eq3A_877 = vector.broadcast %eq3A_876 : i32 to vector<16xi32>
    %eq3A_878 = arith.cmpi eq, %iota3A, %eq3A_877 : vector<16xi32>
    %select_n3A_879 = arith.select %eq3A_878, %gather3A_875, %select_n3A_859 : vector<16xi1>, vector<16xf32>
    %slice3A_880 = vector.extract_strided_slice %get3A_657 {offsets = [11], sizes = [1], strides = [1]} : vector<16xi32> to vector<1xi32>
    %squeeze3A_881 = vector.extract %slice3A_880[0] : i32 from vector<1xi32>
    %shift_right_arithmetic3A_882 = arith.constant 4 : i32
    %shift_right_arithmetic3A_883 = arith.shrsi %squeeze3A_881, %shift_right_arithmetic3A_882 : i32
    %mul3A_884 = arith.constant 16 : i32
    %mul3A_885 = arith.muli %shift_right_arithmetic3A_883, %mul3A_884 : i32
    %get3A_886 = arith.constant 43 : i32
    %get3A_887 = arith.index_cast %get3A_886 : i32 to index
    %get3A_888 = arith.index_cast %mul3A_885 : i32 to index
    %get3A_889 = tpu.vector_load %arg8[%get3A_887, %get3A_888] {strides = array<i32>} : memref<128x128xf32, #tpu.memory_space<vmem>>, vector<1x16xf32>,
    %get3A_890 = vector.shape_cast %get3A_889 : vector<1x16xf32> to vector<16xf32>
    %and3A_891 = arith.constant 15 : i32
    %and3A_892 = arith.andi %squeeze3A_881, %and3A_891 : i32
    %broadcast_in_dim3A_893 = vector.broadcast %and3A_892 : i32 to vector<16x1xi32>
    %gather3A_894 = vector.shape_cast %broadcast_in_dim3A_893 : vector<16x1xi32> to vector<16xi32>
    %gather3A_895 = tpu.dynamic_gather %get3A_890[%gather3A_894] in [0] : vector<16xf32>, vector<16xi32> -> vector<16xf32>
    %eq3A_896 = arith.constant 11 : i32
    %eq3A_897 = vector.broadcast %eq3A_896 : i32 to vector<16xi32>
    %eq3A_898 = arith.cmpi eq, %iota3A, %eq3A_897 : vector<16xi32>
    %select_n3A_899 = arith.select %eq3A_898, %gather3A_895, %select_n3A_879 : vector<16xi1>, vector<16xf32>
    %slice3A_900 = vector.extract_strided_slice %get3A_657 {offsets = [12], sizes = [1], strides = [1]} : vector<16xi32> to vector<1xi32>
    %squeeze3A_901 = vector.extract %slice3A_900[0] : i32 from vector<1xi32>
    %shift_right_arithmetic3A_902 = arith.constant 4 : i32
    %shift_right_arithmetic3A_903 = arith.shrsi %squeeze3A_901, %shift_right_arithmetic3A_902 : i32
    %mul3A_904 = arith.constant 16 : i32
    %mul3A_905 = arith.muli %shift_right_arithmetic3A_903, %mul3A_904 : i32
    %get3A_906 = arith.constant 44 : i32
    %get3A_907 = arith.index_cast %get3A_906 : i32 to index
    %get3A_908 = arith.index_cast %mul3A_905 : i32 to index
    %get3A_909 = tpu.vector_load %arg8[%get3A_907, %get3A_908] {strides = array<i32>} : memref<128x128xf32, #tpu.memory_space<vmem>>, vector<1x16xf32>,
    %get3A_910 = vector.shape_cast %get3A_909 : vector<1x16xf32> to vector<16xf32>
    %and3A_911 = arith.constant 15 : i32
    %and3A_912 = arith.andi %squeeze3A_901, %and3A_911 : i32
    %broadcast_in_dim3A_913 = vector.broadcast %and3A_912 : i32 to vector<16x1xi32>
    %gather3A_914 = vector.shape_cast %broadcast_in_dim3A_913 : vector<16x1xi32> to vector<16xi32>
    %gather3A_915 = tpu.dynamic_gather %get3A_910[%gather3A_914] in [0] : vector<16xf32>, vector<16xi32> -> vector<16xf32>
    %eq3A_916 = arith.constant 12 : i32
    %eq3A_917 = vector.broadcast %eq3A_916 : i32 to vector<16xi32>
    %eq3A_918 = arith.cmpi eq, %iota3A, %eq3A_917 : vector<16xi32>
    %select_n3A_919 = arith.select %eq3A_918, %gather3A_915, %select_n3A_899 : vector<16xi1>, vector<16xf32>
    %slice3A_920 = vector.extract_strided_slice %get3A_657 {offsets = [13], sizes = [1], strides = [1]} : vector<16xi32> to vector<1xi32>
    %squeeze3A_921 = vector.extract %slice3A_920[0] : i32 from vector<1xi32>
    %shift_right_arithmetic3A_922 = arith.constant 4 : i32
    %shift_right_arithmetic3A_923 = arith.shrsi %squeeze3A_921, %shift_right_arithmetic3A_922 : i32
    %mul3A_924 = arith.constant 16 : i32
    %mul3A_925 = arith.muli %shift_right_arithmetic3A_923, %mul3A_924 : i32
    %get3A_926 = arith.constant 45 : i32
    %get3A_927 = arith.index_cast %get3A_926 : i32 to index
    %get3A_928 = arith.index_cast %mul3A_925 : i32 to index
    %get3A_929 = tpu.vector_load %arg8[%get3A_927, %get3A_928] {strides = array<i32>} : memref<128x128xf32, #tpu.memory_space<vmem>>, vector<1x16xf32>,
    %get3A_930 = vector.shape_cast %get3A_929 : vector<1x16xf32> to vector<16xf32>
    %and3A_931 = arith.constant 15 : i32
    %and3A_932 = arith.andi %squeeze3A_921, %and3A_931 : i32
    %broadcast_in_dim3A_933 = vector.broadcast %and3A_932 : i32 to vector<16x1xi32>
    %gather3A_934 = vector.shape_cast %broadcast_in_dim3A_933 : vector<16x1xi32> to vector<16xi32>
    %gather3A_935 = tpu.dynamic_gather %get3A_930[%gather3A_934] in [0] : vector<16xf32>, vector<16xi32> -> vector<16xf32>
    %eq3A_936 = arith.constant 13 : i32
    %eq3A_937 = vector.broadcast %eq3A_936 : i32 to vector<16xi32>
    %eq3A_938 = arith.cmpi eq, %iota3A, %eq3A_937 : vector<16xi32>
    %select_n3A_939 = arith.select %eq3A_938, %gather3A_935, %select_n3A_919 : vector<16xi1>, vector<16xf32>
    %slice3A_940 = vector.extract_strided_slice %get3A_657 {offsets = [14], sizes = [1], strides = [1]} : vector<16xi32> to vector<1xi32>
    %squeeze3A_941 = vector.extract %slice3A_940[0] : i32 from vector<1xi32>
    %shift_right_arithmetic3A_942 = arith.constant 4 : i32
    %shift_right_arithmetic3A_943 = arith.shrsi %squeeze3A_941, %shift_right_arithmetic3A_942 : i32
    %mul3A_944 = arith.constant 16 : i32
    %mul3A_945 = arith.muli %shift_right_arithmetic3A_943, %mul3A_944 : i32
    %get3A_946 = arith.constant 46 : i32
    %get3A_947 = arith.index_cast %get3A_946 : i32 to index
    %get3A_948 = arith.index_cast %mul3A_945 : i32 to index
    %get3A_949 = tpu.vector_load %arg8[%get3A_947, %get3A_948] {strides = array<i32>} : memref<128x128xf32, #tpu.memory_space<vmem>>, vector<1x16xf32>,
    %get3A_950 = vector.shape_cast %get3A_949 : vector<1x16xf32> to vector<16xf32>
    %and3A_951 = arith.constant 15 : i32
    %and3A_952 = arith.andi %squeeze3A_941, %and3A_951 : i32
    %broadcast_in_dim3A_953 = vector.broadcast %and3A_952 : i32 to vector<16x1xi32>
    %gather3A_954 = vector.shape_cast %broadcast_in_dim3A_953 : vector<16x1xi32> to vector<16xi32>
    %gather3A_955 = tpu.dynamic_gather %get3A_950[%gather3A_954] in [0] : vector<16xf32>, vector<16xi32> -> vector<16xf32>
    %eq3A_956 = arith.constant 14 : i32
    %eq3A_957 = vector.broadcast %eq3A_956 : i32 to vector<16xi32>
    %eq3A_958 = arith.cmpi eq, %iota3A, %eq3A_957 : vector<16xi32>
    %select_n3A_959 = arith.select %eq3A_958, %gather3A_955, %select_n3A_939 : vector<16xi1>, vector<16xf32>
    %slice3A_960 = vector.extract_strided_slice %get3A_657 {offsets = [15], sizes = [1], strides = [1]} : vector<16xi32> to vector<1xi32>
    %squeeze3A_961 = vector.extract %slice3A_960[0] : i32 from vector<1xi32>
    %shift_right_arithmetic3A_962 = arith.constant 4 : i32
    %shift_right_arithmetic3A_963 = arith.shrsi %squeeze3A_961, %shift_right_arithmetic3A_962 : i32
    %mul3A_964 = arith.constant 16 : i32
    %mul3A_965 = arith.muli %shift_right_arithmetic3A_963, %mul3A_964 : i32
    %get3A_966 = arith.constant 47 : i32
    %get3A_967 = arith.index_cast %get3A_966 : i32 to index
    %get3A_968 = arith.index_cast %mul3A_965 : i32 to index
    %get3A_969 = tpu.vector_load %arg8[%get3A_967, %get3A_968] {strides = array<i32>} : memref<128x128xf32, #tpu.memory_space<vmem>>, vector<1x16xf32>,
    %get3A_970 = vector.shape_cast %get3A_969 : vector<1x16xf32> to vector<16xf32>
    %and3A_971 = arith.constant 15 : i32
    %and3A_972 = arith.andi %squeeze3A_961, %and3A_971 : i32
    %broadcast_in_dim3A_973 = vector.broadcast %and3A_972 : i32 to vector<16x1xi32>
    %gather3A_974 = vector.shape_cast %broadcast_in_dim3A_973 : vector<16x1xi32> to vector<16xi32>
    %gather3A_975 = tpu.dynamic_gather %get3A_970[%gather3A_974] in [0] : vector<16xf32>, vector<16xi32> -> vector<16xf32>
    %eq3A_976 = arith.constant 15 : i32
    %eq3A_977 = vector.broadcast %eq3A_976 : i32 to vector<16xi32>
    %eq3A_978 = arith.cmpi eq, %iota3A, %eq3A_977 : vector<16xi32>
    %select_n3A_979 = arith.select %eq3A_978, %gather3A_975, %select_n3A_959 : vector<16xi1>, vector<16xf32>
    %swap3A_980 = arith.constant 32 : index
    %swap3A_981 = tpu.vector_load %arg9[%swap3A_980] {strides = array<i32>} : memref<128xf32, #tpu.memory_space<vmem>>, vector<16xf32>,
    %swap3A_982 = vector.shape_cast %swap3A_981 : vector<16xf32> to vector<16xf32>
    %swap3A_983 = vector.shape_cast %select_n3A_979 : vector<16xf32> to vector<16xf32>
    tpu.vector_store %arg9[%swap3A_980], %swap3A_983 {strides = array<i32>} : memref<128xf32, #tpu.memory_space<vmem>>, vector<16xf32>,
    %get3A_984 = arith.constant 48 : index
    %get3A_985 = tpu.vector_load %arg7[%get3A_984] {strides = array<i32>} : memref<128xi32, #tpu.memory_space<vmem>>, vector<16xi32>,
    %get3A_986 = vector.shape_cast %get3A_985 : vector<16xi32> to vector<16xi32>
    %broadcast_in_dim3A_987 = arith.constant 0.000000e+00 : f32
    %broadcast_in_dim3A_988 = vector.broadcast %broadcast_in_dim3A_987 : f32 to vector<16xf32>
    %slice3A_989 = vector.extract_strided_slice %get3A_986 {offsets = [0], sizes = [1], strides = [1]} : vector<16xi32> to vector<1xi32>
    %squeeze3A_990 = vector.extract %slice3A_989[0] : i32 from vector<1xi32>
    %shift_right_arithmetic3A_991 = arith.constant 4 : i32
    %shift_right_arithmetic3A_992 = arith.shrsi %squeeze3A_990, %shift_right_arithmetic3A_991 : i32
    %mul3A_993 = arith.constant 16 : i32
    %mul3A_994 = arith.muli %shift_right_arithmetic3A_992, %mul3A_993 : i32
    %get3A_995 = arith.constant 48 : i32
    %get3A_996 = arith.index_cast %get3A_995 : i32 to index
    %get3A_997 = arith.index_cast %mul3A_994 : i32 to index
    %get3A_998 = tpu.vector_load %arg8[%get3A_996, %get3A_997] {strides = array<i32>} : memref<128x128xf32, #tpu.memory_space<vmem>>, vector<1x16xf32>,
    %get3A_999 = vector.shape_cast %get3A_998 : vector<1x16xf32> to vector<16xf32>
    %and3A_1000 = arith.constant 15 : i32
    %and3A_1001 = arith.andi %squeeze3A_990, %and3A_1000 : i32
    %broadcast_in_dim3A_1002 = vector.broadcast %and3A_1001 : i32 to vector<16x1xi32>
    %gather3A_1003 = vector.shape_cast %broadcast_in_dim3A_1002 : vector<16x1xi32> to vector<16xi32>
    %gather3A_1004 = tpu.dynamic_gather %get3A_999[%gather3A_1003] in [0] : vector<16xf32>, vector<16xi32> -> vector<16xf32>
    %eq3A_1005 = arith.constant 0 : i32
    %eq3A_1006 = vector.broadcast %eq3A_1005 : i32 to vector<16xi32>
    %eq3A_1007 = arith.cmpi eq, %iota3A, %eq3A_1006 : vector<16xi32>
    %select_n3A_1008 = arith.select %eq3A_1007, %gather3A_1004, %broadcast_in_dim3A_988 : vector<16xi1>, vector<16xf32>
    %slice3A_1009 = vector.extract_strided_slice %get3A_986 {offsets = [1], sizes = [1], strides = [1]} : vector<16xi32> to vector<1xi32>
    %squeeze3A_1010 = vector.extract %slice3A_1009[0] : i32 from vector<1xi32>
    %shift_right_arithmetic3A_1011 = arith.constant 4 : i32
    %shift_right_arithmetic3A_1012 = arith.shrsi %squeeze3A_1010, %shift_right_arithmetic3A_1011 : i32
    %mul3A_1013 = arith.constant 16 : i32
    %mul3A_1014 = arith.muli %shift_right_arithmetic3A_1012, %mul3A_1013 : i32
    %get3A_1015 = arith.constant 49 : i32
    %get3A_1016 = arith.index_cast %get3A_1015 : i32 to index
    %get3A_1017 = arith.index_cast %mul3A_1014 : i32 to index
    %get3A_1018 = tpu.vector_load %arg8[%get3A_1016, %get3A_1017] {strides = array<i32>} : memref<128x128xf32, #tpu.memory_space<vmem>>, vector<1x16xf32>,
    %get3A_1019 = vector.shape_cast %get3A_1018 : vector<1x16xf32> to vector<16xf32>
    %and3A_1020 = arith.constant 15 : i32
    %and3A_1021 = arith.andi %squeeze3A_1010, %and3A_1020 : i32
    %broadcast_in_dim3A_1022 = vector.broadcast %and3A_1021 : i32 to vector<16x1xi32>
    %gather3A_1023 = vector.shape_cast %broadcast_in_dim3A_1022 : vector<16x1xi32> to vector<16xi32>
    %gather3A_1024 = tpu.dynamic_gather %get3A_1019[%gather3A_1023] in [0] : vector<16xf32>, vector<16xi32> -> vector<16xf32>
    %eq3A_1025 = arith.constant 1 : i32
    %eq3A_1026 = vector.broadcast %eq3A_1025 : i32 to vector<16xi32>
    %eq3A_1027 = arith.cmpi eq, %iota3A, %eq3A_1026 : vector<16xi32>
    %select_n3A_1028 = arith.select %eq3A_1027, %gather3A_1024, %select_n3A_1008 : vector<16xi1>, vector<16xf32>
    %slice3A_1029 = vector.extract_strided_slice %get3A_986 {offsets = [2], sizes = [1], strides = [1]} : vector<16xi32> to vector<1xi32>
    %squeeze3A_1030 = vector.extract %slice3A_1029[0] : i32 from vector<1xi32>
    %shift_right_arithmetic3A_1031 = arith.constant 4 : i32
    %shift_right_arithmetic3A_1032 = arith.shrsi %squeeze3A_1030, %shift_right_arithmetic3A_1031 : i32
    %mul3A_1033 = arith.constant 16 : i32
    %mul3A_1034 = arith.muli %shift_right_arithmetic3A_1032, %mul3A_1033 : i32
    %get3A_1035 = arith.constant 50 : i32
    %get3A_1036 = arith.index_cast %get3A_1035 : i32 to index
    %get3A_1037 = arith.index_cast %mul3A_1034 : i32 to index
    %get3A_1038 = tpu.vector_load %arg8[%get3A_1036, %get3A_1037] {strides = array<i32>} : memref<128x128xf32, #tpu.memory_space<vmem>>, vector<1x16xf32>,
    %get3A_1039 = vector.shape_cast %get3A_1038 : vector<1x16xf32> to vector<16xf32>
    %and3A_1040 = arith.constant 15 : i32
    %and3A_1041 = arith.andi %squeeze3A_1030, %and3A_1040 : i32
    %broadcast_in_dim3A_1042 = vector.broadcast %and3A_1041 : i32 to vector<16x1xi32>
    %gather3A_1043 = vector.shape_cast %broadcast_in_dim3A_1042 : vector<16x1xi32> to vector<16xi32>
    %gather3A_1044 = tpu.dynamic_gather %get3A_1039[%gather3A_1043] in [0] : vector<16xf32>, vector<16xi32> -> vector<16xf32>
    %eq3A_1045 = arith.constant 2 : i32
    %eq3A_1046 = vector.broadcast %eq3A_1045 : i32 to vector<16xi32>
    %eq3A_1047 = arith.cmpi eq, %iota3A, %eq3A_1046 : vector<16xi32>
    %select_n3A_1048 = arith.select %eq3A_1047, %gather3A_1044, %select_n3A_1028 : vector<16xi1>, vector<16xf32>
    %slice3A_1049 = vector.extract_strided_slice %get3A_986 {offsets = [3], sizes = [1], strides = [1]} : vector<16xi32> to vector<1xi32>
    %squeeze3A_1050 = vector.extract %slice3A_1049[0] : i32 from vector<1xi32>
    %shift_right_arithmetic3A_1051 = arith.constant 4 : i32
    %shift_right_arithmetic3A_1052 = arith.shrsi %squeeze3A_1050, %shift_right_arithmetic3A_1051 : i32
    %mul3A_1053 = arith.constant 16 : i32
    %mul3A_1054 = arith.muli %shift_right_arithmetic3A_1052, %mul3A_1053 : i32
    %get3A_1055 = arith.constant 51 : i32
    %get3A_1056 = arith.index_cast %get3A_1055 : i32 to index
    %get3A_1057 = arith.index_cast %mul3A_1054 : i32 to index
    %get3A_1058 = tpu.vector_load %arg8[%get3A_1056, %get3A_1057] {strides = array<i32>} : memref<128x128xf32, #tpu.memory_space<vmem>>, vector<1x16xf32>,
    %get3A_1059 = vector.shape_cast %get3A_1058 : vector<1x16xf32> to vector<16xf32>
    %and3A_1060 = arith.constant 15 : i32
    %and3A_1061 = arith.andi %squeeze3A_1050, %and3A_1060 : i32
    %broadcast_in_dim3A_1062 = vector.broadcast %and3A_1061 : i32 to vector<16x1xi32>
    %gather3A_1063 = vector.shape_cast %broadcast_in_dim3A_1062 : vector<16x1xi32> to vector<16xi32>
    %gather3A_1064 = tpu.dynamic_gather %get3A_1059[%gather3A_1063] in [0] : vector<16xf32>, vector<16xi32> -> vector<16xf32>
    %eq3A_1065 = arith.constant 3 : i32
    %eq3A_1066 = vector.broadcast %eq3A_1065 : i32 to vector<16xi32>
    %eq3A_1067 = arith.cmpi eq, %iota3A, %eq3A_1066 : vector<16xi32>
    %select_n3A_1068 = arith.select %eq3A_1067, %gather3A_1064, %select_n3A_1048 : vector<16xi1>, vector<16xf32>
    %slice3A_1069 = vector.extract_strided_slice %get3A_986 {offsets = [4], sizes = [1], strides = [1]} : vector<16xi32> to vector<1xi32>
    %squeeze3A_1070 = vector.extract %slice3A_1069[0] : i32 from vector<1xi32>
    %shift_right_arithmetic3A_1071 = arith.constant 4 : i32
    %shift_right_arithmetic3A_1072 = arith.shrsi %squeeze3A_1070, %shift_right_arithmetic3A_1071 : i32
    %mul3A_1073 = arith.constant 16 : i32
    %mul3A_1074 = arith.muli %shift_right_arithmetic3A_1072, %mul3A_1073 : i32
    %get3A_1075 = arith.constant 52 : i32
    %get3A_1076 = arith.index_cast %get3A_1075 : i32 to index
    %get3A_1077 = arith.index_cast %mul3A_1074 : i32 to index
    %get3A_1078 = tpu.vector_load %arg8[%get3A_1076, %get3A_1077] {strides = array<i32>} : memref<128x128xf32, #tpu.memory_space<vmem>>, vector<1x16xf32>,
    %get3A_1079 = vector.shape_cast %get3A_1078 : vector<1x16xf32> to vector<16xf32>
    %and3A_1080 = arith.constant 15 : i32
    %and3A_1081 = arith.andi %squeeze3A_1070, %and3A_1080 : i32
    %broadcast_in_dim3A_1082 = vector.broadcast %and3A_1081 : i32 to vector<16x1xi32>
    %gather3A_1083 = vector.shape_cast %broadcast_in_dim3A_1082 : vector<16x1xi32> to vector<16xi32>
    %gather3A_1084 = tpu.dynamic_gather %get3A_1079[%gather3A_1083] in [0] : vector<16xf32>, vector<16xi32> -> vector<16xf32>
    %eq3A_1085 = arith.constant 4 : i32
    %eq3A_1086 = vector.broadcast %eq3A_1085 : i32 to vector<16xi32>
    %eq3A_1087 = arith.cmpi eq, %iota3A, %eq3A_1086 : vector<16xi32>
    %select_n3A_1088 = arith.select %eq3A_1087, %gather3A_1084, %select_n3A_1068 : vector<16xi1>, vector<16xf32>
    %slice3A_1089 = vector.extract_strided_slice %get3A_986 {offsets = [5], sizes = [1], strides = [1]} : vector<16xi32> to vector<1xi32>
    %squeeze3A_1090 = vector.extract %slice3A_1089[0] : i32 from vector<1xi32>
    %shift_right_arithmetic3A_1091 = arith.constant 4 : i32
    %shift_right_arithmetic3A_1092 = arith.shrsi %squeeze3A_1090, %shift_right_arithmetic3A_1091 : i32
    %mul3A_1093 = arith.constant 16 : i32
    %mul3A_1094 = arith.muli %shift_right_arithmetic3A_1092, %mul3A_1093 : i32
    %get3A_1095 = arith.constant 53 : i32
    %get3A_1096 = arith.index_cast %get3A_1095 : i32 to index
    %get3A_1097 = arith.index_cast %mul3A_1094 : i32 to index
    %get3A_1098 = tpu.vector_load %arg8[%get3A_1096, %get3A_1097] {strides = array<i32>} : memref<128x128xf32, #tpu.memory_space<vmem>>, vector<1x16xf32>,
    %get3A_1099 = vector.shape_cast %get3A_1098 : vector<1x16xf32> to vector<16xf32>
    %and3A_1100 = arith.constant 15 : i32
    %and3A_1101 = arith.andi %squeeze3A_1090, %and3A_1100 : i32
    %broadcast_in_dim3A_1102 = vector.broadcast %and3A_1101 : i32 to vector<16x1xi32>
    %gather3A_1103 = vector.shape_cast %broadcast_in_dim3A_1102 : vector<16x1xi32> to vector<16xi32>
    %gather3A_1104 = tpu.dynamic_gather %get3A_1099[%gather3A_1103] in [0] : vector<16xf32>, vector<16xi32> -> vector<16xf32>
    %eq3A_1105 = arith.constant 5 : i32
    %eq3A_1106 = vector.broadcast %eq3A_1105 : i32 to vector<16xi32>
    %eq3A_1107 = arith.cmpi eq, %iota3A, %eq3A_1106 : vector<16xi32>
    %select_n3A_1108 = arith.select %eq3A_1107, %gather3A_1104, %select_n3A_1088 : vector<16xi1>, vector<16xf32>
    %slice3A_1109 = vector.extract_strided_slice %get3A_986 {offsets = [6], sizes = [1], strides = [1]} : vector<16xi32> to vector<1xi32>
    %squeeze3A_1110 = vector.extract %slice3A_1109[0] : i32 from vector<1xi32>
    %shift_right_arithmetic3A_1111 = arith.constant 4 : i32
    %shift_right_arithmetic3A_1112 = arith.shrsi %squeeze3A_1110, %shift_right_arithmetic3A_1111 : i32
    %mul3A_1113 = arith.constant 16 : i32
    %mul3A_1114 = arith.muli %shift_right_arithmetic3A_1112, %mul3A_1113 : i32
    %get3A_1115 = arith.constant 54 : i32
    %get3A_1116 = arith.index_cast %get3A_1115 : i32 to index
    %get3A_1117 = arith.index_cast %mul3A_1114 : i32 to index
    %get3A_1118 = tpu.vector_load %arg8[%get3A_1116, %get3A_1117] {strides = array<i32>} : memref<128x128xf32, #tpu.memory_space<vmem>>, vector<1x16xf32>,
    %get3A_1119 = vector.shape_cast %get3A_1118 : vector<1x16xf32> to vector<16xf32>
    %and3A_1120 = arith.constant 15 : i32
    %and3A_1121 = arith.andi %squeeze3A_1110, %and3A_1120 : i32
    %broadcast_in_dim3A_1122 = vector.broadcast %and3A_1121 : i32 to vector<16x1xi32>
    %gather3A_1123 = vector.shape_cast %broadcast_in_dim3A_1122 : vector<16x1xi32> to vector<16xi32>
    %gather3A_1124 = tpu.dynamic_gather %get3A_1119[%gather3A_1123] in [0] : vector<16xf32>, vector<16xi32> -> vector<16xf32>
    %eq3A_1125 = arith.constant 6 : i32
    %eq3A_1126 = vector.broadcast %eq3A_1125 : i32 to vector<16xi32>
    %eq3A_1127 = arith.cmpi eq, %iota3A, %eq3A_1126 : vector<16xi32>
    %select_n3A_1128 = arith.select %eq3A_1127, %gather3A_1124, %select_n3A_1108 : vector<16xi1>, vector<16xf32>
    %slice3A_1129 = vector.extract_strided_slice %get3A_986 {offsets = [7], sizes = [1], strides = [1]} : vector<16xi32> to vector<1xi32>
    %squeeze3A_1130 = vector.extract %slice3A_1129[0] : i32 from vector<1xi32>
    %shift_right_arithmetic3A_1131 = arith.constant 4 : i32
    %shift_right_arithmetic3A_1132 = arith.shrsi %squeeze3A_1130, %shift_right_arithmetic3A_1131 : i32
    %mul3A_1133 = arith.constant 16 : i32
    %mul3A_1134 = arith.muli %shift_right_arithmetic3A_1132, %mul3A_1133 : i32
    %get3A_1135 = arith.constant 55 : i32
    %get3A_1136 = arith.index_cast %get3A_1135 : i32 to index
    %get3A_1137 = arith.index_cast %mul3A_1134 : i32 to index
    %get3A_1138 = tpu.vector_load %arg8[%get3A_1136, %get3A_1137] {strides = array<i32>} : memref<128x128xf32, #tpu.memory_space<vmem>>, vector<1x16xf32>,
    %get3A_1139 = vector.shape_cast %get3A_1138 : vector<1x16xf32> to vector<16xf32>
    %and3A_1140 = arith.constant 15 : i32
    %and3A_1141 = arith.andi %squeeze3A_1130, %and3A_1140 : i32
    %broadcast_in_dim3A_1142 = vector.broadcast %and3A_1141 : i32 to vector<16x1xi32>
    %gather3A_1143 = vector.shape_cast %broadcast_in_dim3A_1142 : vector<16x1xi32> to vector<16xi32>
    %gather3A_1144 = tpu.dynamic_gather %get3A_1139[%gather3A_1143] in [0] : vector<16xf32>, vector<16xi32> -> vector<16xf32>
    %eq3A_1145 = arith.constant 7 : i32
    %eq3A_1146 = vector.broadcast %eq3A_1145 : i32 to vector<16xi32>
    %eq3A_1147 = arith.cmpi eq, %iota3A, %eq3A_1146 : vector<16xi32>
    %select_n3A_1148 = arith.select %eq3A_1147, %gather3A_1144, %select_n3A_1128 : vector<16xi1>, vector<16xf32>
    %slice3A_1149 = vector.extract_strided_slice %get3A_986 {offsets = [8], sizes = [1], strides = [1]} : vector<16xi32> to vector<1xi32>
    %squeeze3A_1150 = vector.extract %slice3A_1149[0] : i32 from vector<1xi32>
    %shift_right_arithmetic3A_1151 = arith.constant 4 : i32
    %shift_right_arithmetic3A_1152 = arith.shrsi %squeeze3A_1150, %shift_right_arithmetic3A_1151 : i32
    %mul3A_1153 = arith.constant 16 : i32
    %mul3A_1154 = arith.muli %shift_right_arithmetic3A_1152, %mul3A_1153 : i32
    %get3A_1155 = arith.constant 56 : i32
    %get3A_1156 = arith.index_cast %get3A_1155 : i32 to index
    %get3A_1157 = arith.index_cast %mul3A_1154 : i32 to index
    %get3A_1158 = tpu.vector_load %arg8[%get3A_1156, %get3A_1157] {strides = array<i32>} : memref<128x128xf32, #tpu.memory_space<vmem>>, vector<1x16xf32>,
    %get3A_1159 = vector.shape_cast %get3A_1158 : vector<1x16xf32> to vector<16xf32>
    %and3A_1160 = arith.constant 15 : i32
    %and3A_1161 = arith.andi %squeeze3A_1150, %and3A_1160 : i32
    %broadcast_in_dim3A_1162 = vector.broadcast %and3A_1161 : i32 to vector<16x1xi32>
    %gather3A_1163 = vector.shape_cast %broadcast_in_dim3A_1162 : vector<16x1xi32> to vector<16xi32>
    %gather3A_1164 = tpu.dynamic_gather %get3A_1159[%gather3A_1163] in [0] : vector<16xf32>, vector<16xi32> -> vector<16xf32>
    %eq3A_1165 = arith.constant 8 : i32
    %eq3A_1166 = vector.broadcast %eq3A_1165 : i32 to vector<16xi32>
    %eq3A_1167 = arith.cmpi eq, %iota3A, %eq3A_1166 : vector<16xi32>
    %select_n3A_1168 = arith.select %eq3A_1167, %gather3A_1164, %select_n3A_1148 : vector<16xi1>, vector<16xf32>
    %slice3A_1169 = vector.extract_strided_slice %get3A_986 {offsets = [9], sizes = [1], strides = [1]} : vector<16xi32> to vector<1xi32>
    %squeeze3A_1170 = vector.extract %slice3A_1169[0] : i32 from vector<1xi32>
    %shift_right_arithmetic3A_1171 = arith.constant 4 : i32
    %shift_right_arithmetic3A_1172 = arith.shrsi %squeeze3A_1170, %shift_right_arithmetic3A_1171 : i32
    %mul3A_1173 = arith.constant 16 : i32
    %mul3A_1174 = arith.muli %shift_right_arithmetic3A_1172, %mul3A_1173 : i32
    %get3A_1175 = arith.constant 57 : i32
    %get3A_1176 = arith.index_cast %get3A_1175 : i32 to index
    %get3A_1177 = arith.index_cast %mul3A_1174 : i32 to index
    %get3A_1178 = tpu.vector_load %arg8[%get3A_1176, %get3A_1177] {strides = array<i32>} : memref<128x128xf32, #tpu.memory_space<vmem>>, vector<1x16xf32>,
    %get3A_1179 = vector.shape_cast %get3A_1178 : vector<1x16xf32> to vector<16xf32>
    %and3A_1180 = arith.constant 15 : i32
    %and3A_1181 = arith.andi %squeeze3A_1170, %and3A_1180 : i32
    %broadcast_in_dim3A_1182 = vector.broadcast %and3A_1181 : i32 to vector<16x1xi32>
    %gather3A_1183 = vector.shape_cast %broadcast_in_dim3A_1182 : vector<16x1xi32> to vector<16xi32>
    %gather3A_1184 = tpu.dynamic_gather %get3A_1179[%gather3A_1183] in [0] : vector<16xf32>, vector<16xi32> -> vector<16xf32>
    %eq3A_1185 = arith.constant 9 : i32
    %eq3A_1186 = vector.broadcast %eq3A_1185 : i32 to vector<16xi32>
    %eq3A_1187 = arith.cmpi eq, %iota3A, %eq3A_1186 : vector<16xi32>
    %select_n3A_1188 = arith.select %eq3A_1187, %gather3A_1184, %select_n3A_1168 : vector<16xi1>, vector<16xf32>
    %slice3A_1189 = vector.extract_strided_slice %get3A_986 {offsets = [10], sizes = [1], strides = [1]} : vector<16xi32> to vector<1xi32>
    %squeeze3A_1190 = vector.extract %slice3A_1189[0] : i32 from vector<1xi32>
    %shift_right_arithmetic3A_1191 = arith.constant 4 : i32
    %shift_right_arithmetic3A_1192 = arith.shrsi %squeeze3A_1190, %shift_right_arithmetic3A_1191 : i32
    %mul3A_1193 = arith.constant 16 : i32
    %mul3A_1194 = arith.muli %shift_right_arithmetic3A_1192, %mul3A_1193 : i32
    %get3A_1195 = arith.constant 58 : i32
    %get3A_1196 = arith.index_cast %get3A_1195 : i32 to index
    %get3A_1197 = arith.index_cast %mul3A_1194 : i32 to index
    %get3A_1198 = tpu.vector_load %arg8[%get3A_1196, %get3A_1197] {strides = array<i32>} : memref<128x128xf32, #tpu.memory_space<vmem>>, vector<1x16xf32>,
    %get3A_1199 = vector.shape_cast %get3A_1198 : vector<1x16xf32> to vector<16xf32>
    %and3A_1200 = arith.constant 15 : i32
    %and3A_1201 = arith.andi %squeeze3A_1190, %and3A_1200 : i32
    %broadcast_in_dim3A_1202 = vector.broadcast %and3A_1201 : i32 to vector<16x1xi32>
    %gather3A_1203 = vector.shape_cast %broadcast_in_dim3A_1202 : vector<16x1xi32> to vector<16xi32>
    %gather3A_1204 = tpu.dynamic_gather %get3A_1199[%gather3A_1203] in [0] : vector<16xf32>, vector<16xi32> -> vector<16xf32>
    %eq3A_1205 = arith.constant 10 : i32
    %eq3A_1206 = vector.broadcast %eq3A_1205 : i32 to vector<16xi32>
    %eq3A_1207 = arith.cmpi eq, %iota3A, %eq3A_1206 : vector<16xi32>
    %select_n3A_1208 = arith.select %eq3A_1207, %gather3A_1204, %select_n3A_1188 : vector<16xi1>, vector<16xf32>
    %slice3A_1209 = vector.extract_strided_slice %get3A_986 {offsets = [11], sizes = [1], strides = [1]} : vector<16xi32> to vector<1xi32>
    %squeeze3A_1210 = vector.extract %slice3A_1209[0] : i32 from vector<1xi32>
    %shift_right_arithmetic3A_1211 = arith.constant 4 : i32
    %shift_right_arithmetic3A_1212 = arith.shrsi %squeeze3A_1210, %shift_right_arithmetic3A_1211 : i32
    %mul3A_1213 = arith.constant 16 : i32
    %mul3A_1214 = arith.muli %shift_right_arithmetic3A_1212, %mul3A_1213 : i32
    %get3A_1215 = arith.constant 59 : i32
    %get3A_1216 = arith.index_cast %get3A_1215 : i32 to index
    %get3A_1217 = arith.index_cast %mul3A_1214 : i32 to index
    %get3A_1218 = tpu.vector_load %arg8[%get3A_1216, %get3A_1217] {strides = array<i32>} : memref<128x128xf32, #tpu.memory_space<vmem>>, vector<1x16xf32>,
    %get3A_1219 = vector.shape_cast %get3A_1218 : vector<1x16xf32> to vector<16xf32>
    %and3A_1220 = arith.constant 15 : i32
    %and3A_1221 = arith.andi %squeeze3A_1210, %and3A_1220 : i32
    %broadcast_in_dim3A_1222 = vector.broadcast %and3A_1221 : i32 to vector<16x1xi32>
    %gather3A_1223 = vector.shape_cast %broadcast_in_dim3A_1222 : vector<16x1xi32> to vector<16xi32>
    %gather3A_1224 = tpu.dynamic_gather %get3A_1219[%gather3A_1223] in [0] : vector<16xf32>, vector<16xi32> -> vector<16xf32>
    %eq3A_1225 = arith.constant 11 : i32
    %eq3A_1226 = vector.broadcast %eq3A_1225 : i32 to vector<16xi32>
    %eq3A_1227 = arith.cmpi eq, %iota3A, %eq3A_1226 : vector<16xi32>
    %select_n3A_1228 = arith.select %eq3A_1227, %gather3A_1224, %select_n3A_1208 : vector<16xi1>, vector<16xf32>
    %slice3A_1229 = vector.extract_strided_slice %get3A_986 {offsets = [12], sizes = [1], strides = [1]} : vector<16xi32> to vector<1xi32>
    %squeeze3A_1230 = vector.extract %slice3A_1229[0] : i32 from vector<1xi32>
    %shift_right_arithmetic3A_1231 = arith.constant 4 : i32
    %shift_right_arithmetic3A_1232 = arith.shrsi %squeeze3A_1230, %shift_right_arithmetic3A_1231 : i32
    %mul3A_1233 = arith.constant 16 : i32
    %mul3A_1234 = arith.muli %shift_right_arithmetic3A_1232, %mul3A_1233 : i32
    %get3A_1235 = arith.constant 60 : i32
    %get3A_1236 = arith.index_cast %get3A_1235 : i32 to index
    %get3A_1237 = arith.index_cast %mul3A_1234 : i32 to index
    %get3A_1238 = tpu.vector_load %arg8[%get3A_1236, %get3A_1237] {strides = array<i32>} : memref<128x128xf32, #tpu.memory_space<vmem>>, vector<1x16xf32>,
    %get3A_1239 = vector.shape_cast %get3A_1238 : vector<1x16xf32> to vector<16xf32>
    %and3A_1240 = arith.constant 15 : i32
    %and3A_1241 = arith.andi %squeeze3A_1230, %and3A_1240 : i32
    %broadcast_in_dim3A_1242 = vector.broadcast %and3A_1241 : i32 to vector<16x1xi32>
    %gather3A_1243 = vector.shape_cast %broadcast_in_dim3A_1242 : vector<16x1xi32> to vector<16xi32>
    %gather3A_1244 = tpu.dynamic_gather %get3A_1239[%gather3A_1243] in [0] : vector<16xf32>, vector<16xi32> -> vector<16xf32>
    %eq3A_1245 = arith.constant 12 : i32
    %eq3A_1246 = vector.broadcast %eq3A_1245 : i32 to vector<16xi32>
    %eq3A_1247 = arith.cmpi eq, %iota3A, %eq3A_1246 : vector<16xi32>
    %select_n3A_1248 = arith.select %eq3A_1247, %gather3A_1244, %select_n3A_1228 : vector<16xi1>, vector<16xf32>
    %slice3A_1249 = vector.extract_strided_slice %get3A_986 {offsets = [13], sizes = [1], strides = [1]} : vector<16xi32> to vector<1xi32>
    %squeeze3A_1250 = vector.extract %slice3A_1249[0] : i32 from vector<1xi32>
    %shift_right_arithmetic3A_1251 = arith.constant 4 : i32
    %shift_right_arithmetic3A_1252 = arith.shrsi %squeeze3A_1250, %shift_right_arithmetic3A_1251 : i32
    %mul3A_1253 = arith.constant 16 : i32
    %mul3A_1254 = arith.muli %shift_right_arithmetic3A_1252, %mul3A_1253 : i32
    %get3A_1255 = arith.constant 61 : i32
    %get3A_1256 = arith.index_cast %get3A_1255 : i32 to index
    %get3A_1257 = arith.index_cast %mul3A_1254 : i32 to index
    %get3A_1258 = tpu.vector_load %arg8[%get3A_1256, %get3A_1257] {strides = array<i32>} : memref<128x128xf32, #tpu.memory_space<vmem>>, vector<1x16xf32>,
    %get3A_1259 = vector.shape_cast %get3A_1258 : vector<1x16xf32> to vector<16xf32>
    %and3A_1260 = arith.constant 15 : i32
    %and3A_1261 = arith.andi %squeeze3A_1250, %and3A_1260 : i32
    %broadcast_in_dim3A_1262 = vector.broadcast %and3A_1261 : i32 to vector<16x1xi32>
    %gather3A_1263 = vector.shape_cast %broadcast_in_dim3A_1262 : vector<16x1xi32> to vector<16xi32>
    %gather3A_1264 = tpu.dynamic_gather %get3A_1259[%gather3A_1263] in [0] : vector<16xf32>, vector<16xi32> -> vector<16xf32>
    %eq3A_1265 = arith.constant 13 : i32
    %eq3A_1266 = vector.broadcast %eq3A_1265 : i32 to vector<16xi32>
    %eq3A_1267 = arith.cmpi eq, %iota3A, %eq3A_1266 : vector<16xi32>
    %select_n3A_1268 = arith.select %eq3A_1267, %gather3A_1264, %select_n3A_1248 : vector<16xi1>, vector<16xf32>
    %slice3A_1269 = vector.extract_strided_slice %get3A_986 {offsets = [14], sizes = [1], strides = [1]} : vector<16xi32> to vector<1xi32>
    %squeeze3A_1270 = vector.extract %slice3A_1269[0] : i32 from vector<1xi32>
    %shift_right_arithmetic3A_1271 = arith.constant 4 : i32
    %shift_right_arithmetic3A_1272 = arith.shrsi %squeeze3A_1270, %shift_right_arithmetic3A_1271 : i32
    %mul3A_1273 = arith.constant 16 : i32
    %mul3A_1274 = arith.muli %shift_right_arithmetic3A_1272, %mul3A_1273 : i32
    %get3A_1275 = arith.constant 62 : i32
    %get3A_1276 = arith.index_cast %get3A_1275 : i32 to index
    %get3A_1277 = arith.index_cast %mul3A_1274 : i32 to index
    %get3A_1278 = tpu.vector_load %arg8[%get3A_1276, %get3A_1277] {strides = array<i32>} : memref<128x128xf32, #tpu.memory_space<vmem>>, vector<1x16xf32>,
    %get3A_1279 = vector.shape_cast %get3A_1278 : vector<1x16xf32> to vector<16xf32>
    %and3A_1280 = arith.constant 15 : i32
    %and3A_1281 = arith.andi %squeeze3A_1270, %and3A_1280 : i32
    %broadcast_in_dim3A_1282 = vector.broadcast %and3A_1281 : i32 to vector<16x1xi32>
    %gather3A_1283 = vector.shape_cast %broadcast_in_dim3A_1282 : vector<16x1xi32> to vector<16xi32>
    %gather3A_1284 = tpu.dynamic_gather %get3A_1279[%gather3A_1283] in [0] : vector<16xf32>, vector<16xi32> -> vector<16xf32>
    %eq3A_1285 = arith.constant 14 : i32
    %eq3A_1286 = vector.broadcast %eq3A_1285 : i32 to vector<16xi32>
    %eq3A_1287 = arith.cmpi eq, %iota3A, %eq3A_1286 : vector<16xi32>
    %select_n3A_1288 = arith.select %eq3A_1287, %gather3A_1284, %select_n3A_1268 : vector<16xi1>, vector<16xf32>
    %slice3A_1289 = vector.extract_strided_slice %get3A_986 {offsets = [15], sizes = [1], strides = [1]} : vector<16xi32> to vector<1xi32>
    %squeeze3A_1290 = vector.extract %slice3A_1289[0] : i32 from vector<1xi32>
    %shift_right_arithmetic3A_1291 = arith.constant 4 : i32
    %shift_right_arithmetic3A_1292 = arith.shrsi %squeeze3A_1290, %shift_right_arithmetic3A_1291 : i32
    %mul3A_1293 = arith.constant 16 : i32
    %mul3A_1294 = arith.muli %shift_right_arithmetic3A_1292, %mul3A_1293 : i32
    %get3A_1295 = arith.constant 63 : i32
    %get3A_1296 = arith.index_cast %get3A_1295 : i32 to index
    %get3A_1297 = arith.index_cast %mul3A_1294 : i32 to index
    %get3A_1298 = tpu.vector_load %arg8[%get3A_1296, %get3A_1297] {strides = array<i32>} : memref<128x128xf32, #tpu.memory_space<vmem>>, vector<1x16xf32>,
    %get3A_1299 = vector.shape_cast %get3A_1298 : vector<1x16xf32> to vector<16xf32>
    %and3A_1300 = arith.constant 15 : i32
    %and3A_1301 = arith.andi %squeeze3A_1290, %and3A_1300 : i32
    %broadcast_in_dim3A_1302 = vector.broadcast %and3A_1301 : i32 to vector<16x1xi32>
    %gather3A_1303 = vector.shape_cast %broadcast_in_dim3A_1302 : vector<16x1xi32> to vector<16xi32>
    %gather3A_1304 = tpu.dynamic_gather %get3A_1299[%gather3A_1303] in [0] : vector<16xf32>, vector<16xi32> -> vector<16xf32>
    %eq3A_1305 = arith.constant 15 : i32
    %eq3A_1306 = vector.broadcast %eq3A_1305 : i32 to vector<16xi32>
    %eq3A_1307 = arith.cmpi eq, %iota3A, %eq3A_1306 : vector<16xi32>
    %select_n3A_1308 = arith.select %eq3A_1307, %gather3A_1304, %select_n3A_1288 : vector<16xi1>, vector<16xf32>
    %swap3A_1309 = arith.constant 48 : index
    %swap3A_1310 = tpu.vector_load %arg9[%swap3A_1309] {strides = array<i32>} : memref<128xf32, #tpu.memory_space<vmem>>, vector<16xf32>,
    %swap3A_1311 = vector.shape_cast %swap3A_1310 : vector<16xf32> to vector<16xf32>
    %swap3A_1312 = vector.shape_cast %select_n3A_1308 : vector<16xf32> to vector<16xf32>
    tpu.vector_store %arg9[%swap3A_1309], %swap3A_1312 {strides = array<i32>} : memref<128xf32, #tpu.memory_space<vmem>>, vector<16xf32>,
    %get3A_1313 = arith.constant 64 : index
    %get3A_1314 = tpu.vector_load %arg7[%get3A_1313] {strides = array<i32>} : memref<128xi32, #tpu.memory_space<vmem>>, vector<16xi32>,
    %get3A_1315 = vector.shape_cast %get3A_1314 : vector<16xi32> to vector<16xi32>
    %broadcast_in_dim3A_1316 = arith.constant 0.000000e+00 : f32
    %broadcast_in_dim3A_1317 = vector.broadcast %broadcast_in_dim3A_1316 : f32 to vector<16xf32>
    %slice3A_1318 = vector.extract_strided_slice %get3A_1315 {offsets = [0], sizes = [1], strides = [1]} : vector<16xi32> to vector<1xi32>
    %squeeze3A_1319 = vector.extract %slice3A_1318[0] : i32 from vector<1xi32>
    %shift_right_arithmetic3A_1320 = arith.constant 4 : i32
    %shift_right_arithmetic3A_1321 = arith.shrsi %squeeze3A_1319, %shift_right_arithmetic3A_1320 : i32
    %mul3A_1322 = arith.constant 16 : i32
    %mul3A_1323 = arith.muli %shift_right_arithmetic3A_1321, %mul3A_1322 : i32
    %get3A_1324 = arith.constant 64 : i32
    %get3A_1325 = arith.index_cast %get3A_1324 : i32 to index
    %get3A_1326 = arith.index_cast %mul3A_1323 : i32 to index
    %get3A_1327 = tpu.vector_load %arg8[%get3A_1325, %get3A_1326] {strides = array<i32>} : memref<128x128xf32, #tpu.memory_space<vmem>>, vector<1x16xf32>,
    %get3A_1328 = vector.shape_cast %get3A_1327 : vector<1x16xf32> to vector<16xf32>
    %and3A_1329 = arith.constant 15 : i32
    %and3A_1330 = arith.andi %squeeze3A_1319, %and3A_1329 : i32
    %broadcast_in_dim3A_1331 = vector.broadcast %and3A_1330 : i32 to vector<16x1xi32>
    %gather3A_1332 = vector.shape_cast %broadcast_in_dim3A_1331 : vector<16x1xi32> to vector<16xi32>
    %gather3A_1333 = tpu.dynamic_gather %get3A_1328[%gather3A_1332] in [0] : vector<16xf32>, vector<16xi32> -> vector<16xf32>
    %eq3A_1334 = arith.constant 0 : i32
    %eq3A_1335 = vector.broadcast %eq3A_1334 : i32 to vector<16xi32>
    %eq3A_1336 = arith.cmpi eq, %iota3A, %eq3A_1335 : vector<16xi32>
    %select_n3A_1337 = arith.select %eq3A_1336, %gather3A_1333, %broadcast_in_dim3A_1317 : vector<16xi1>, vector<16xf32>
    %slice3A_1338 = vector.extract_strided_slice %get3A_1315 {offsets = [1], sizes = [1], strides = [1]} : vector<16xi32> to vector<1xi32>
    %squeeze3A_1339 = vector.extract %slice3A_1338[0] : i32 from vector<1xi32>
    %shift_right_arithmetic3A_1340 = arith.constant 4 : i32
    %shift_right_arithmetic3A_1341 = arith.shrsi %squeeze3A_1339, %shift_right_arithmetic3A_1340 : i32
    %mul3A_1342 = arith.constant 16 : i32
    %mul3A_1343 = arith.muli %shift_right_arithmetic3A_1341, %mul3A_1342 : i32
    %get3A_1344 = arith.constant 65 : i32
    %get3A_1345 = arith.index_cast %get3A_1344 : i32 to index
    %get3A_1346 = arith.index_cast %mul3A_1343 : i32 to index
    %get3A_1347 = tpu.vector_load %arg8[%get3A_1345, %get3A_1346] {strides = array<i32>} : memref<128x128xf32, #tpu.memory_space<vmem>>, vector<1x16xf32>,
    %get3A_1348 = vector.shape_cast %get3A_1347 : vector<1x16xf32> to vector<16xf32>
    %and3A_1349 = arith.constant 15 : i32
    %and3A_1350 = arith.andi %squeeze3A_1339, %and3A_1349 : i32
    %broadcast_in_dim3A_1351 = vector.broadcast %and3A_1350 : i32 to vector<16x1xi32>
    %gather3A_1352 = vector.shape_cast %broadcast_in_dim3A_1351 : vector<16x1xi32> to vector<16xi32>
    %gather3A_1353 = tpu.dynamic_gather %get3A_1348[%gather3A_1352] in [0] : vector<16xf32>, vector<16xi32> -> vector<16xf32>
    %eq3A_1354 = arith.constant 1 : i32
    %eq3A_1355 = vector.broadcast %eq3A_1354 : i32 to vector<16xi32>
    %eq3A_1356 = arith.cmpi eq, %iota3A, %eq3A_1355 : vector<16xi32>
    %select_n3A_1357 = arith.select %eq3A_1356, %gather3A_1353, %select_n3A_1337 : vector<16xi1>, vector<16xf32>
    %slice3A_1358 = vector.extract_strided_slice %get3A_1315 {offsets = [2], sizes = [1], strides = [1]} : vector<16xi32> to vector<1xi32>
    %squeeze3A_1359 = vector.extract %slice3A_1358[0] : i32 from vector<1xi32>
    %shift_right_arithmetic3A_1360 = arith.constant 4 : i32
    %shift_right_arithmetic3A_1361 = arith.shrsi %squeeze3A_1359, %shift_right_arithmetic3A_1360 : i32
    %mul3A_1362 = arith.constant 16 : i32
    %mul3A_1363 = arith.muli %shift_right_arithmetic3A_1361, %mul3A_1362 : i32
    %get3A_1364 = arith.constant 66 : i32
    %get3A_1365 = arith.index_cast %get3A_1364 : i32 to index
    %get3A_1366 = arith.index_cast %mul3A_1363 : i32 to index
    %get3A_1367 = tpu.vector_load %arg8[%get3A_1365, %get3A_1366] {strides = array<i32>} : memref<128x128xf32, #tpu.memory_space<vmem>>, vector<1x16xf32>,
    %get3A_1368 = vector.shape_cast %get3A_1367 : vector<1x16xf32> to vector<16xf32>
    %and3A_1369 = arith.constant 15 : i32
    %and3A_1370 = arith.andi %squeeze3A_1359, %and3A_1369 : i32
    %broadcast_in_dim3A_1371 = vector.broadcast %and3A_1370 : i32 to vector<16x1xi32>
    %gather3A_1372 = vector.shape_cast %broadcast_in_dim3A_1371 : vector<16x1xi32> to vector<16xi32>
    %gather3A_1373 = tpu.dynamic_gather %get3A_1368[%gather3A_1372] in [0] : vector<16xf32>, vector<16xi32> -> vector<16xf32>
    %eq3A_1374 = arith.constant 2 : i32
    %eq3A_1375 = vector.broadcast %eq3A_1374 : i32 to vector<16xi32>
    %eq3A_1376 = arith.cmpi eq, %iota3A, %eq3A_1375 : vector<16xi32>
    %select_n3A_1377 = arith.select %eq3A_1376, %gather3A_1373, %select_n3A_1357 : vector<16xi1>, vector<16xf32>
    %slice3A_1378 = vector.extract_strided_slice %get3A_1315 {offsets = [3], sizes = [1], strides = [1]} : vector<16xi32> to vector<1xi32>
    %squeeze3A_1379 = vector.extract %slice3A_1378[0] : i32 from vector<1xi32>
    %shift_right_arithmetic3A_1380 = arith.constant 4 : i32
    %shift_right_arithmetic3A_1381 = arith.shrsi %squeeze3A_1379, %shift_right_arithmetic3A_1380 : i32
    %mul3A_1382 = arith.constant 16 : i32
    %mul3A_1383 = arith.muli %shift_right_arithmetic3A_1381, %mul3A_1382 : i32
    %get3A_1384 = arith.constant 67 : i32
    %get3A_1385 = arith.index_cast %get3A_1384 : i32 to index
    %get3A_1386 = arith.index_cast %mul3A_1383 : i32 to index
    %get3A_1387 = tpu.vector_load %arg8[%get3A_1385, %get3A_1386] {strides = array<i32>} : memref<128x128xf32, #tpu.memory_space<vmem>>, vector<1x16xf32>,
    %get3A_1388 = vector.shape_cast %get3A_1387 : vector<1x16xf32> to vector<16xf32>
    %and3A_1389 = arith.constant 15 : i32
    %and3A_1390 = arith.andi %squeeze3A_1379, %and3A_1389 : i32
    %broadcast_in_dim3A_1391 = vector.broadcast %and3A_1390 : i32 to vector<16x1xi32>
    %gather3A_1392 = vector.shape_cast %broadcast_in_dim3A_1391 : vector<16x1xi32> to vector<16xi32>
    %gather3A_1393 = tpu.dynamic_gather %get3A_1388[%gather3A_1392] in [0] : vector<16xf32>, vector<16xi32> -> vector<16xf32>
    %eq3A_1394 = arith.constant 3 : i32
    %eq3A_1395 = vector.broadcast %eq3A_1394 : i32 to vector<16xi32>
    %eq3A_1396 = arith.cmpi eq, %iota3A, %eq3A_1395 : vector<16xi32>
    %select_n3A_1397 = arith.select %eq3A_1396, %gather3A_1393, %select_n3A_1377 : vector<16xi1>, vector<16xf32>
    %slice3A_1398 = vector.extract_strided_slice %get3A_1315 {offsets = [4], sizes = [1], strides = [1]} : vector<16xi32> to vector<1xi32>
    %squeeze3A_1399 = vector.extract %slice3A_1398[0] : i32 from vector<1xi32>
    %shift_right_arithmetic3A_1400 = arith.constant 4 : i32
    %shift_right_arithmetic3A_1401 = arith.shrsi %squeeze3A_1399, %shift_right_arithmetic3A_1400 : i32
    %mul3A_1402 = arith.constant 16 : i32
    %mul3A_1403 = arith.muli %shift_right_arithmetic3A_1401, %mul3A_1402 : i32
    %get3A_1404 = arith.constant 68 : i32
    %get3A_1405 = arith.index_cast %get3A_1404 : i32 to index
    %get3A_1406 = arith.index_cast %mul3A_1403 : i32 to index
    %get3A_1407 = tpu.vector_load %arg8[%get3A_1405, %get3A_1406] {strides = array<i32>} : memref<128x128xf32, #tpu.memory_space<vmem>>, vector<1x16xf32>,
    %get3A_1408 = vector.shape_cast %get3A_1407 : vector<1x16xf32> to vector<16xf32>
    %and3A_1409 = arith.constant 15 : i32
    %and3A_1410 = arith.andi %squeeze3A_1399, %and3A_1409 : i32
    %broadcast_in_dim3A_1411 = vector.broadcast %and3A_1410 : i32 to vector<16x1xi32>
    %gather3A_1412 = vector.shape_cast %broadcast_in_dim3A_1411 : vector<16x1xi32> to vector<16xi32>
    %gather3A_1413 = tpu.dynamic_gather %get3A_1408[%gather3A_1412] in [0] : vector<16xf32>, vector<16xi32> -> vector<16xf32>
    %eq3A_1414 = arith.constant 4 : i32
    %eq3A_1415 = vector.broadcast %eq3A_1414 : i32 to vector<16xi32>
    %eq3A_1416 = arith.cmpi eq, %iota3A, %eq3A_1415 : vector<16xi32>
    %select_n3A_1417 = arith.select %eq3A_1416, %gather3A_1413, %select_n3A_1397 : vector<16xi1>, vector<16xf32>
    %slice3A_1418 = vector.extract_strided_slice %get3A_1315 {offsets = [5], sizes = [1], strides = [1]} : vector<16xi32> to vector<1xi32>
    %squeeze3A_1419 = vector.extract %slice3A_1418[0] : i32 from vector<1xi32>
    %shift_right_arithmetic3A_1420 = arith.constant 4 : i32
    %shift_right_arithmetic3A_1421 = arith.shrsi %squeeze3A_1419, %shift_right_arithmetic3A_1420 : i32
    %mul3A_1422 = arith.constant 16 : i32
    %mul3A_1423 = arith.muli %shift_right_arithmetic3A_1421, %mul3A_1422 : i32
    %get3A_1424 = arith.constant 69 : i32
    %get3A_1425 = arith.index_cast %get3A_1424 : i32 to index
    %get3A_1426 = arith.index_cast %mul3A_1423 : i32 to index
    %get3A_1427 = tpu.vector_load %arg8[%get3A_1425, %get3A_1426] {strides = array<i32>} : memref<128x128xf32, #tpu.memory_space<vmem>>, vector<1x16xf32>,
    %get3A_1428 = vector.shape_cast %get3A_1427 : vector<1x16xf32> to vector<16xf32>
    %and3A_1429 = arith.constant 15 : i32
    %and3A_1430 = arith.andi %squeeze3A_1419, %and3A_1429 : i32
    %broadcast_in_dim3A_1431 = vector.broadcast %and3A_1430 : i32 to vector<16x1xi32>
    %gather3A_1432 = vector.shape_cast %broadcast_in_dim3A_1431 : vector<16x1xi32> to vector<16xi32>
    %gather3A_1433 = tpu.dynamic_gather %get3A_1428[%gather3A_1432] in [0] : vector<16xf32>, vector<16xi32> -> vector<16xf32>
    %eq3A_1434 = arith.constant 5 : i32
    %eq3A_1435 = vector.broadcast %eq3A_1434 : i32 to vector<16xi32>
    %eq3A_1436 = arith.cmpi eq, %iota3A, %eq3A_1435 : vector<16xi32>
    %select_n3A_1437 = arith.select %eq3A_1436, %gather3A_1433, %select_n3A_1417 : vector<16xi1>, vector<16xf32>
    %slice3A_1438 = vector.extract_strided_slice %get3A_1315 {offsets = [6], sizes = [1], strides = [1]} : vector<16xi32> to vector<1xi32>
    %squeeze3A_1439 = vector.extract %slice3A_1438[0] : i32 from vector<1xi32>
    %shift_right_arithmetic3A_1440 = arith.constant 4 : i32
    %shift_right_arithmetic3A_1441 = arith.shrsi %squeeze3A_1439, %shift_right_arithmetic3A_1440 : i32
    %mul3A_1442 = arith.constant 16 : i32
    %mul3A_1443 = arith.muli %shift_right_arithmetic3A_1441, %mul3A_1442 : i32
    %get3A_1444 = arith.constant 70 : i32
    %get3A_1445 = arith.index_cast %get3A_1444 : i32 to index
    %get3A_1446 = arith.index_cast %mul3A_1443 : i32 to index
    %get3A_1447 = tpu.vector_load %arg8[%get3A_1445, %get3A_1446] {strides = array<i32>} : memref<128x128xf32, #tpu.memory_space<vmem>>, vector<1x16xf32>,
    %get3A_1448 = vector.shape_cast %get3A_1447 : vector<1x16xf32> to vector<16xf32>
    %and3A_1449 = arith.constant 15 : i32
    %and3A_1450 = arith.andi %squeeze3A_1439, %and3A_1449 : i32
    %broadcast_in_dim3A_1451 = vector.broadcast %and3A_1450 : i32 to vector<16x1xi32>
    %gather3A_1452 = vector.shape_cast %broadcast_in_dim3A_1451 : vector<16x1xi32> to vector<16xi32>
    %gather3A_1453 = tpu.dynamic_gather %get3A_1448[%gather3A_1452] in [0] : vector<16xf32>, vector<16xi32> -> vector<16xf32>
    %eq3A_1454 = arith.constant 6 : i32
    %eq3A_1455 = vector.broadcast %eq3A_1454 : i32 to vector<16xi32>
    %eq3A_1456 = arith.cmpi eq, %iota3A, %eq3A_1455 : vector<16xi32>
    %select_n3A_1457 = arith.select %eq3A_1456, %gather3A_1453, %select_n3A_1437 : vector<16xi1>, vector<16xf32>
    %slice3A_1458 = vector.extract_strided_slice %get3A_1315 {offsets = [7], sizes = [1], strides = [1]} : vector<16xi32> to vector<1xi32>
    %squeeze3A_1459 = vector.extract %slice3A_1458[0] : i32 from vector<1xi32>
    %shift_right_arithmetic3A_1460 = arith.constant 4 : i32
    %shift_right_arithmetic3A_1461 = arith.shrsi %squeeze3A_1459, %shift_right_arithmetic3A_1460 : i32
    %mul3A_1462 = arith.constant 16 : i32
    %mul3A_1463 = arith.muli %shift_right_arithmetic3A_1461, %mul3A_1462 : i32
    %get3A_1464 = arith.constant 71 : i32
    %get3A_1465 = arith.index_cast %get3A_1464 : i32 to index
    %get3A_1466 = arith.index_cast %mul3A_1463 : i32 to index
    %get3A_1467 = tpu.vector_load %arg8[%get3A_1465, %get3A_1466] {strides = array<i32>} : memref<128x128xf32, #tpu.memory_space<vmem>>, vector<1x16xf32>,
    %get3A_1468 = vector.shape_cast %get3A_1467 : vector<1x16xf32> to vector<16xf32>
    %and3A_1469 = arith.constant 15 : i32
    %and3A_1470 = arith.andi %squeeze3A_1459, %and3A_1469 : i32
    %broadcast_in_dim3A_1471 = vector.broadcast %and3A_1470 : i32 to vector<16x1xi32>
    %gather3A_1472 = vector.shape_cast %broadcast_in_dim3A_1471 : vector<16x1xi32> to vector<16xi32>
    %gather3A_1473 = tpu.dynamic_gather %get3A_1468[%gather3A_1472] in [0] : vector<16xf32>, vector<16xi32> -> vector<16xf32>
    %eq3A_1474 = arith.constant 7 : i32
    %eq3A_1475 = vector.broadcast %eq3A_1474 : i32 to vector<16xi32>
    %eq3A_1476 = arith.cmpi eq, %iota3A, %eq3A_1475 : vector<16xi32>
    %select_n3A_1477 = arith.select %eq3A_1476, %gather3A_1473, %select_n3A_1457 : vector<16xi1>, vector<16xf32>
    %slice3A_1478 = vector.extract_strided_slice %get3A_1315 {offsets = [8], sizes = [1], strides = [1]} : vector<16xi32> to vector<1xi32>
    %squeeze3A_1479 = vector.extract %slice3A_1478[0] : i32 from vector<1xi32>
    %shift_right_arithmetic3A_1480 = arith.constant 4 : i32
    %shift_right_arithmetic3A_1481 = arith.shrsi %squeeze3A_1479, %shift_right_arithmetic3A_1480 : i32
    %mul3A_1482 = arith.constant 16 : i32
    %mul3A_1483 = arith.muli %shift_right_arithmetic3A_1481, %mul3A_1482 : i32
    %get3A_1484 = arith.constant 72 : i32
    %get3A_1485 = arith.index_cast %get3A_1484 : i32 to index
    %get3A_1486 = arith.index_cast %mul3A_1483 : i32 to index
    %get3A_1487 = tpu.vector_load %arg8[%get3A_1485, %get3A_1486] {strides = array<i32>} : memref<128x128xf32, #tpu.memory_space<vmem>>, vector<1x16xf32>,
    %get3A_1488 = vector.shape_cast %get3A_1487 : vector<1x16xf32> to vector<16xf32>
    %and3A_1489 = arith.constant 15 : i32
    %and3A_1490 = arith.andi %squeeze3A_1479, %and3A_1489 : i32
    %broadcast_in_dim3A_1491 = vector.broadcast %and3A_1490 : i32 to vector<16x1xi32>
    %gather3A_1492 = vector.shape_cast %broadcast_in_dim3A_1491 : vector<16x1xi32> to vector<16xi32>
    %gather3A_1493 = tpu.dynamic_gather %get3A_1488[%gather3A_1492] in [0] : vector<16xf32>, vector<16xi32> -> vector<16xf32>
    %eq3A_1494 = arith.constant 8 : i32
    %eq3A_1495 = vector.broadcast %eq3A_1494 : i32 to vector<16xi32>
    %eq3A_1496 = arith.cmpi eq, %iota3A, %eq3A_1495 : vector<16xi32>
    %select_n3A_1497 = arith.select %eq3A_1496, %gather3A_1493, %select_n3A_1477 : vector<16xi1>, vector<16xf32>
    %slice3A_1498 = vector.extract_strided_slice %get3A_1315 {offsets = [9], sizes = [1], strides = [1]} : vector<16xi32> to vector<1xi32>
    %squeeze3A_1499 = vector.extract %slice3A_1498[0] : i32 from vector<1xi32>
    %shift_right_arithmetic3A_1500 = arith.constant 4 : i32
    %shift_right_arithmetic3A_1501 = arith.shrsi %squeeze3A_1499, %shift_right_arithmetic3A_1500 : i32
    %mul3A_1502 = arith.constant 16 : i32
    %mul3A_1503 = arith.muli %shift_right_arithmetic3A_1501, %mul3A_1502 : i32
    %get3A_1504 = arith.constant 73 : i32
    %get3A_1505 = arith.index_cast %get3A_1504 : i32 to index
    %get3A_1506 = arith.index_cast %mul3A_1503 : i32 to index
    %get3A_1507 = tpu.vector_load %arg8[%get3A_1505, %get3A_1506] {strides = array<i32>} : memref<128x128xf32, #tpu.memory_space<vmem>>, vector<1x16xf32>,
    %get3A_1508 = vector.shape_cast %get3A_1507 : vector<1x16xf32> to vector<16xf32>
    %and3A_1509 = arith.constant 15 : i32
    %and3A_1510 = arith.andi %squeeze3A_1499, %and3A_1509 : i32
    %broadcast_in_dim3A_1511 = vector.broadcast %and3A_1510 : i32 to vector<16x1xi32>
    %gather3A_1512 = vector.shape_cast %broadcast_in_dim3A_1511 : vector<16x1xi32> to vector<16xi32>
    %gather3A_1513 = tpu.dynamic_gather %get3A_1508[%gather3A_1512] in [0] : vector<16xf32>, vector<16xi32> -> vector<16xf32>
    %eq3A_1514 = arith.constant 9 : i32
    %eq3A_1515 = vector.broadcast %eq3A_1514 : i32 to vector<16xi32>
    %eq3A_1516 = arith.cmpi eq, %iota3A, %eq3A_1515 : vector<16xi32>
    %select_n3A_1517 = arith.select %eq3A_1516, %gather3A_1513, %select_n3A_1497 : vector<16xi1>, vector<16xf32>
    %slice3A_1518 = vector.extract_strided_slice %get3A_1315 {offsets = [10], sizes = [1], strides = [1]} : vector<16xi32> to vector<1xi32>
    %squeeze3A_1519 = vector.extract %slice3A_1518[0] : i32 from vector<1xi32>
    %shift_right_arithmetic3A_1520 = arith.constant 4 : i32
    %shift_right_arithmetic3A_1521 = arith.shrsi %squeeze3A_1519, %shift_right_arithmetic3A_1520 : i32
    %mul3A_1522 = arith.constant 16 : i32
    %mul3A_1523 = arith.muli %shift_right_arithmetic3A_1521, %mul3A_1522 : i32
    %get3A_1524 = arith.constant 74 : i32
    %get3A_1525 = arith.index_cast %get3A_1524 : i32 to index
    %get3A_1526 = arith.index_cast %mul3A_1523 : i32 to index
    %get3A_1527 = tpu.vector_load %arg8[%get3A_1525, %get3A_1526] {strides = array<i32>} : memref<128x128xf32, #tpu.memory_space<vmem>>, vector<1x16xf32>,
    %get3A_1528 = vector.shape_cast %get3A_1527 : vector<1x16xf32> to vector<16xf32>
    %and3A_1529 = arith.constant 15 : i32
    %and3A_1530 = arith.andi %squeeze3A_1519, %and3A_1529 : i32
    %broadcast_in_dim3A_1531 = vector.broadcast %and3A_1530 : i32 to vector<16x1xi32>
    %gather3A_1532 = vector.shape_cast %broadcast_in_dim3A_1531 : vector<16x1xi32> to vector<16xi32>
    %gather3A_1533 = tpu.dynamic_gather %get3A_1528[%gather3A_1532] in [0] : vector<16xf32>, vector<16xi32> -> vector<16xf32>
    %eq3A_1534 = arith.constant 10 : i32
    %eq3A_1535 = vector.broadcast %eq3A_1534 : i32 to vector<16xi32>
    %eq3A_1536 = arith.cmpi eq, %iota3A, %eq3A_1535 : vector<16xi32>
    %select_n3A_1537 = arith.select %eq3A_1536, %gather3A_1533, %select_n3A_1517 : vector<16xi1>, vector<16xf32>
    %slice3A_1538 = vector.extract_strided_slice %get3A_1315 {offsets = [11], sizes = [1], strides = [1]} : vector<16xi32> to vector<1xi32>
    %squeeze3A_1539 = vector.extract %slice3A_1538[0] : i32 from vector<1xi32>
    %shift_right_arithmetic3A_1540 = arith.constant 4 : i32
    %shift_right_arithmetic3A_1541 = arith.shrsi %squeeze3A_1539, %shift_right_arithmetic3A_1540 : i32
    %mul3A_1542 = arith.constant 16 : i32
    %mul3A_1543 = arith.muli %shift_right_arithmetic3A_1541, %mul3A_1542 : i32
    %get3A_1544 = arith.constant 75 : i32
    %get3A_1545 = arith.index_cast %get3A_1544 : i32 to index
    %get3A_1546 = arith.index_cast %mul3A_1543 : i32 to index
    %get3A_1547 = tpu.vector_load %arg8[%get3A_1545, %get3A_1546] {strides = array<i32>} : memref<128x128xf32, #tpu.memory_space<vmem>>, vector<1x16xf32>,
    %get3A_1548 = vector.shape_cast %get3A_1547 : vector<1x16xf32> to vector<16xf32>
    %and3A_1549 = arith.constant 15 : i32
    %and3A_1550 = arith.andi %squeeze3A_1539, %and3A_1549 : i32
    %broadcast_in_dim3A_1551 = vector.broadcast %and3A_1550 : i32 to vector<16x1xi32>
    %gather3A_1552 = vector.shape_cast %broadcast_in_dim3A_1551 : vector<16x1xi32> to vector<16xi32>
    %gather3A_1553 = tpu.dynamic_gather %get3A_1548[%gather3A_1552] in [0] : vector<16xf32>, vector<16xi32> -> vector<16xf32>
    %eq3A_1554 = arith.constant 11 : i32
    %eq3A_1555 = vector.broadcast %eq3A_1554 : i32 to vector<16xi32>
    %eq3A_1556 = arith.cmpi eq, %iota3A, %eq3A_1555 : vector<16xi32>
    %select_n3A_1557 = arith.select %eq3A_1556, %gather3A_1553, %select_n3A_1537 : vector<16xi1>, vector<16xf32>
    %slice3A_1558 = vector.extract_strided_slice %get3A_1315 {offsets = [12], sizes = [1], strides = [1]} : vector<16xi32> to vector<1xi32>
    %squeeze3A_1559 = vector.extract %slice3A_1558[0] : i32 from vector<1xi32>
    %shift_right_arithmetic3A_1560 = arith.constant 4 : i32
    %shift_right_arithmetic3A_1561 = arith.shrsi %squeeze3A_1559, %shift_right_arithmetic3A_1560 : i32
    %mul3A_1562 = arith.constant 16 : i32
    %mul3A_1563 = arith.muli %shift_right_arithmetic3A_1561, %mul3A_1562 : i32
    %get3A_1564 = arith.constant 76 : i32
    %get3A_1565 = arith.index_cast %get3A_1564 : i32 to index
    %get3A_1566 = arith.index_cast %mul3A_1563 : i32 to index
    %get3A_1567 = tpu.vector_load %arg8[%get3A_1565, %get3A_1566] {strides = array<i32>} : memref<128x128xf32, #tpu.memory_space<vmem>>, vector<1x16xf32>,
    %get3A_1568 = vector.shape_cast %get3A_1567 : vector<1x16xf32> to vector<16xf32>
    %and3A_1569 = arith.constant 15 : i32
    %and3A_1570 = arith.andi %squeeze3A_1559, %and3A_1569 : i32
    %broadcast_in_dim3A_1571 = vector.broadcast %and3A_1570 : i32 to vector<16x1xi32>
    %gather3A_1572 = vector.shape_cast %broadcast_in_dim3A_1571 : vector<16x1xi32> to vector<16xi32>
    %gather3A_1573 = tpu.dynamic_gather %get3A_1568[%gather3A_1572] in [0] : vector<16xf32>, vector<16xi32> -> vector<16xf32>
    %eq3A_1574 = arith.constant 12 : i32
    %eq3A_1575 = vector.broadcast %eq3A_1574 : i32 to vector<16xi32>
    %eq3A_1576 = arith.cmpi eq, %iota3A, %eq3A_1575 : vector<16xi32>
    %select_n3A_1577 = arith.select %eq3A_1576, %gather3A_1573, %select_n3A_1557 : vector<16xi1>, vector<16xf32>
    %slice3A_1578 = vector.extract_strided_slice %get3A_1315 {offsets = [13], sizes = [1], strides = [1]} : vector<16xi32> to vector<1xi32>
    %squeeze3A_1579 = vector.extract %slice3A_1578[0] : i32 from vector<1xi32>
    %shift_right_arithmetic3A_1580 = arith.constant 4 : i32
    %shift_right_arithmetic3A_1581 = arith.shrsi %squeeze3A_1579, %shift_right_arithmetic3A_1580 : i32
    %mul3A_1582 = arith.constant 16 : i32
    %mul3A_1583 = arith.muli %shift_right_arithmetic3A_1581, %mul3A_1582 : i32
    %get3A_1584 = arith.constant 77 : i32
    %get3A_1585 = arith.index_cast %get3A_1584 : i32 to index
    %get3A_1586 = arith.index_cast %mul3A_1583 : i32 to index
    %get3A_1587 = tpu.vector_load %arg8[%get3A_1585, %get3A_1586] {strides = array<i32>} : memref<128x128xf32, #tpu.memory_space<vmem>>, vector<1x16xf32>,
    %get3A_1588 = vector.shape_cast %get3A_1587 : vector<1x16xf32> to vector<16xf32>
    %and3A_1589 = arith.constant 15 : i32
    %and3A_1590 = arith.andi %squeeze3A_1579, %and3A_1589 : i32
    %broadcast_in_dim3A_1591 = vector.broadcast %and3A_1590 : i32 to vector<16x1xi32>
    %gather3A_1592 = vector.shape_cast %broadcast_in_dim3A_1591 : vector<16x1xi32> to vector<16xi32>
    %gather3A_1593 = tpu.dynamic_gather %get3A_1588[%gather3A_1592] in [0] : vector<16xf32>, vector<16xi32> -> vector<16xf32>
    %eq3A_1594 = arith.constant 13 : i32
    %eq3A_1595 = vector.broadcast %eq3A_1594 : i32 to vector<16xi32>
    %eq3A_1596 = arith.cmpi eq, %iota3A, %eq3A_1595 : vector<16xi32>
    %select_n3A_1597 = arith.select %eq3A_1596, %gather3A_1593, %select_n3A_1577 : vector<16xi1>, vector<16xf32>
    %slice3A_1598 = vector.extract_strided_slice %get3A_1315 {offsets = [14], sizes = [1], strides = [1]} : vector<16xi32> to vector<1xi32>
    %squeeze3A_1599 = vector.extract %slice3A_1598[0] : i32 from vector<1xi32>
    %shift_right_arithmetic3A_1600 = arith.constant 4 : i32
    %shift_right_arithmetic3A_1601 = arith.shrsi %squeeze3A_1599, %shift_right_arithmetic3A_1600 : i32
    %mul3A_1602 = arith.constant 16 : i32
    %mul3A_1603 = arith.muli %shift_right_arithmetic3A_1601, %mul3A_1602 : i32
    %get3A_1604 = arith.constant 78 : i32
    %get3A_1605 = arith.index_cast %get3A_1604 : i32 to index
    %get3A_1606 = arith.index_cast %mul3A_1603 : i32 to index
    %get3A_1607 = tpu.vector_load %arg8[%get3A_1605, %get3A_1606] {strides = array<i32>} : memref<128x128xf32, #tpu.memory_space<vmem>>, vector<1x16xf32>,
    %get3A_1608 = vector.shape_cast %get3A_1607 : vector<1x16xf32> to vector<16xf32>
    %and3A_1609 = arith.constant 15 : i32
    %and3A_1610 = arith.andi %squeeze3A_1599, %and3A_1609 : i32
    %broadcast_in_dim3A_1611 = vector.broadcast %and3A_1610 : i32 to vector<16x1xi32>
    %gather3A_1612 = vector.shape_cast %broadcast_in_dim3A_1611 : vector<16x1xi32> to vector<16xi32>
    %gather3A_1613 = tpu.dynamic_gather %get3A_1608[%gather3A_1612] in [0] : vector<16xf32>, vector<16xi32> -> vector<16xf32>
    %eq3A_1614 = arith.constant 14 : i32
    %eq3A_1615 = vector.broadcast %eq3A_1614 : i32 to vector<16xi32>
    %eq3A_1616 = arith.cmpi eq, %iota3A, %eq3A_1615 : vector<16xi32>
    %select_n3A_1617 = arith.select %eq3A_1616, %gather3A_1613, %select_n3A_1597 : vector<16xi1>, vector<16xf32>
    %slice3A_1618 = vector.extract_strided_slice %get3A_1315 {offsets = [15], sizes = [1], strides = [1]} : vector<16xi32> to vector<1xi32>
    %squeeze3A_1619 = vector.extract %slice3A_1618[0] : i32 from vector<1xi32>
    %shift_right_arithmetic3A_1620 = arith.constant 4 : i32
    %shift_right_arithmetic3A_1621 = arith.shrsi %squeeze3A_1619, %shift_right_arithmetic3A_1620 : i32
    %mul3A_1622 = arith.constant 16 : i32
    %mul3A_1623 = arith.muli %shift_right_arithmetic3A_1621, %mul3A_1622 : i32
    %get3A_1624 = arith.constant 79 : i32
    %get3A_1625 = arith.index_cast %get3A_1624 : i32 to index
    %get3A_1626 = arith.index_cast %mul3A_1623 : i32 to index
    %get3A_1627 = tpu.vector_load %arg8[%get3A_1625, %get3A_1626] {strides = array<i32>} : memref<128x128xf32, #tpu.memory_space<vmem>>, vector<1x16xf32>,
    %get3A_1628 = vector.shape_cast %get3A_1627 : vector<1x16xf32> to vector<16xf32>
    %and3A_1629 = arith.constant 15 : i32
    %and3A_1630 = arith.andi %squeeze3A_1619, %and3A_1629 : i32
    %broadcast_in_dim3A_1631 = vector.broadcast %and3A_1630 : i32 to vector<16x1xi32>
    %gather3A_1632 = vector.shape_cast %broadcast_in_dim3A_1631 : vector<16x1xi32> to vector<16xi32>
    %gather3A_1633 = tpu.dynamic_gather %get3A_1628[%gather3A_1632] in [0] : vector<16xf32>, vector<16xi32> -> vector<16xf32>
    %eq3A_1634 = arith.constant 15 : i32
    %eq3A_1635 = vector.broadcast %eq3A_1634 : i32 to vector<16xi32>
    %eq3A_1636 = arith.cmpi eq, %iota3A, %eq3A_1635 : vector<16xi32>
    %select_n3A_1637 = arith.select %eq3A_1636, %gather3A_1633, %select_n3A_1617 : vector<16xi1>, vector<16xf32>
    %swap3A_1638 = arith.constant 64 : index
    %swap3A_1639 = tpu.vector_load %arg9[%swap3A_1638] {strides = array<i32>} : memref<128xf32, #tpu.memory_space<vmem>>, vector<16xf32>,
    %swap3A_1640 = vector.shape_cast %swap3A_1639 : vector<16xf32> to vector<16xf32>
    %swap3A_1641 = vector.shape_cast %select_n3A_1637 : vector<16xf32> to vector<16xf32>
    tpu.vector_store %arg9[%swap3A_1638], %swap3A_1641 {strides = array<i32>} : memref<128xf32, #tpu.memory_space<vmem>>, vector<16xf32>,
    %get3A_1642 = arith.constant 80 : index
    %get3A_1643 = tpu.vector_load %arg7[%get3A_1642] {strides = array<i32>} : memref<128xi32, #tpu.memory_space<vmem>>, vector<16xi32>,
    %get3A_1644 = vector.shape_cast %get3A_1643 : vector<16xi32> to vector<16xi32>
    %broadcast_in_dim3A_1645 = arith.constant 0.000000e+00 : f32
    %broadcast_in_dim3A_1646 = vector.broadcast %broadcast_in_dim3A_1645 : f32 to vector<16xf32>
    %slice3A_1647 = vector.extract_strided_slice %get3A_1644 {offsets = [0], sizes = [1], strides = [1]} : vector<16xi32> to vector<1xi32>
    %squeeze3A_1648 = vector.extract %slice3A_1647[0] : i32 from vector<1xi32>
    %shift_right_arithmetic3A_1649 = arith.constant 4 : i32
    %shift_right_arithmetic3A_1650 = arith.shrsi %squeeze3A_1648, %shift_right_arithmetic3A_1649 : i32
    %mul3A_1651 = arith.constant 16 : i32
    %mul3A_1652 = arith.muli %shift_right_arithmetic3A_1650, %mul3A_1651 : i32
    %get3A_1653 = arith.constant 80 : i32
    %get3A_1654 = arith.index_cast %get3A_1653 : i32 to index
    %get3A_1655 = arith.index_cast %mul3A_1652 : i32 to index
    %get3A_1656 = tpu.vector_load %arg8[%get3A_1654, %get3A_1655] {strides = array<i32>} : memref<128x128xf32, #tpu.memory_space<vmem>>, vector<1x16xf32>,
    %get3A_1657 = vector.shape_cast %get3A_1656 : vector<1x16xf32> to vector<16xf32>
    %and3A_1658 = arith.constant 15 : i32
    %and3A_1659 = arith.andi %squeeze3A_1648, %and3A_1658 : i32
    %broadcast_in_dim3A_1660 = vector.broadcast %and3A_1659 : i32 to vector<16x1xi32>
    %gather3A_1661 = vector.shape_cast %broadcast_in_dim3A_1660 : vector<16x1xi32> to vector<16xi32>
    %gather3A_1662 = tpu.dynamic_gather %get3A_1657[%gather3A_1661] in [0] : vector<16xf32>, vector<16xi32> -> vector<16xf32>
    %eq3A_1663 = arith.constant 0 : i32
    %eq3A_1664 = vector.broadcast %eq3A_1663 : i32 to vector<16xi32>
    %eq3A_1665 = arith.cmpi eq, %iota3A, %eq3A_1664 : vector<16xi32>
    %select_n3A_1666 = arith.select %eq3A_1665, %gather3A_1662, %broadcast_in_dim3A_1646 : vector<16xi1>, vector<16xf32>
    %slice3A_1667 = vector.extract_strided_slice %get3A_1644 {offsets = [1], sizes = [1], strides = [1]} : vector<16xi32> to vector<1xi32>
    %squeeze3A_1668 = vector.extract %slice3A_1667[0] : i32 from vector<1xi32>
    %shift_right_arithmetic3A_1669 = arith.constant 4 : i32
    %shift_right_arithmetic3A_1670 = arith.shrsi %squeeze3A_1668, %shift_right_arithmetic3A_1669 : i32
    %mul3A_1671 = arith.constant 16 : i32
    %mul3A_1672 = arith.muli %shift_right_arithmetic3A_1670, %mul3A_1671 : i32
    %get3A_1673 = arith.constant 81 : i32
    %get3A_1674 = arith.index_cast %get3A_1673 : i32 to index
    %get3A_1675 = arith.index_cast %mul3A_1672 : i32 to index
    %get3A_1676 = tpu.vector_load %arg8[%get3A_1674, %get3A_1675] {strides = array<i32>} : memref<128x128xf32, #tpu.memory_space<vmem>>, vector<1x16xf32>,
    %get3A_1677 = vector.shape_cast %get3A_1676 : vector<1x16xf32> to vector<16xf32>
    %and3A_1678 = arith.constant 15 : i32
    %and3A_1679 = arith.andi %squeeze3A_1668, %and3A_1678 : i32
    %broadcast_in_dim3A_1680 = vector.broadcast %and3A_1679 : i32 to vector<16x1xi32>
    %gather3A_1681 = vector.shape_cast %broadcast_in_dim3A_1680 : vector<16x1xi32> to vector<16xi32>
    %gather3A_1682 = tpu.dynamic_gather %get3A_1677[%gather3A_1681] in [0] : vector<16xf32>, vector<16xi32> -> vector<16xf32>
    %eq3A_1683 = arith.constant 1 : i32
    %eq3A_1684 = vector.broadcast %eq3A_1683 : i32 to vector<16xi32>
    %eq3A_1685 = arith.cmpi eq, %iota3A, %eq3A_1684 : vector<16xi32>
    %select_n3A_1686 = arith.select %eq3A_1685, %gather3A_1682, %select_n3A_1666 : vector<16xi1>, vector<16xf32>
    %slice3A_1687 = vector.extract_strided_slice %get3A_1644 {offsets = [2], sizes = [1], strides = [1]} : vector<16xi32> to vector<1xi32>
    %squeeze3A_1688 = vector.extract %slice3A_1687[0] : i32 from vector<1xi32>
    %shift_right_arithmetic3A_1689 = arith.constant 4 : i32
    %shift_right_arithmetic3A_1690 = arith.shrsi %squeeze3A_1688, %shift_right_arithmetic3A_1689 : i32
    %mul3A_1691 = arith.constant 16 : i32
    %mul3A_1692 = arith.muli %shift_right_arithmetic3A_1690, %mul3A_1691 : i32
    %get3A_1693 = arith.constant 82 : i32
    %get3A_1694 = arith.index_cast %get3A_1693 : i32 to index
    %get3A_1695 = arith.index_cast %mul3A_1692 : i32 to index
    %get3A_1696 = tpu.vector_load %arg8[%get3A_1694, %get3A_1695] {strides = array<i32>} : memref<128x128xf32, #tpu.memory_space<vmem>>, vector<1x16xf32>,
    %get3A_1697 = vector.shape_cast %get3A_1696 : vector<1x16xf32> to vector<16xf32>
    %and3A_1698 = arith.constant 15 : i32
    %and3A_1699 = arith.andi %squeeze3A_1688, %and3A_1698 : i32
    %broadcast_in_dim3A_1700 = vector.broadcast %and3A_1699 : i32 to vector<16x1xi32>
    %gather3A_1701 = vector.shape_cast %broadcast_in_dim3A_1700 : vector<16x1xi32> to vector<16xi32>
    %gather3A_1702 = tpu.dynamic_gather %get3A_1697[%gather3A_1701] in [0] : vector<16xf32>, vector<16xi32> -> vector<16xf32>
    %eq3A_1703 = arith.constant 2 : i32
    %eq3A_1704 = vector.broadcast %eq3A_1703 : i32 to vector<16xi32>
    %eq3A_1705 = arith.cmpi eq, %iota3A, %eq3A_1704 : vector<16xi32>
    %select_n3A_1706 = arith.select %eq3A_1705, %gather3A_1702, %select_n3A_1686 : vector<16xi1>, vector<16xf32>
    %slice3A_1707 = vector.extract_strided_slice %get3A_1644 {offsets = [3], sizes = [1], strides = [1]} : vector<16xi32> to vector<1xi32>
    %squeeze3A_1708 = vector.extract %slice3A_1707[0] : i32 from vector<1xi32>
    %shift_right_arithmetic3A_1709 = arith.constant 4 : i32
    %shift_right_arithmetic3A_1710 = arith.shrsi %squeeze3A_1708, %shift_right_arithmetic3A_1709 : i32
    %mul3A_1711 = arith.constant 16 : i32
    %mul3A_1712 = arith.muli %shift_right_arithmetic3A_1710, %mul3A_1711 : i32
    %get3A_1713 = arith.constant 83 : i32
    %get3A_1714 = arith.index_cast %get3A_1713 : i32 to index
    %get3A_1715 = arith.index_cast %mul3A_1712 : i32 to index
    %get3A_1716 = tpu.vector_load %arg8[%get3A_1714, %get3A_1715] {strides = array<i32>} : memref<128x128xf32, #tpu.memory_space<vmem>>, vector<1x16xf32>,
    %get3A_1717 = vector.shape_cast %get3A_1716 : vector<1x16xf32> to vector<16xf32>
    %and3A_1718 = arith.constant 15 : i32
    %and3A_1719 = arith.andi %squeeze3A_1708, %and3A_1718 : i32
    %broadcast_in_dim3A_1720 = vector.broadcast %and3A_1719 : i32 to vector<16x1xi32>
    %gather3A_1721 = vector.shape_cast %broadcast_in_dim3A_1720 : vector<16x1xi32> to vector<16xi32>
    %gather3A_1722 = tpu.dynamic_gather %get3A_1717[%gather3A_1721] in [0] : vector<16xf32>, vector<16xi32> -> vector<16xf32>
    %eq3A_1723 = arith.constant 3 : i32
    %eq3A_1724 = vector.broadcast %eq3A_1723 : i32 to vector<16xi32>
    %eq3A_1725 = arith.cmpi eq, %iota3A, %eq3A_1724 : vector<16xi32>
    %select_n3A_1726 = arith.select %eq3A_1725, %gather3A_1722, %select_n3A_1706 : vector<16xi1>, vector<16xf32>
    %slice3A_1727 = vector.extract_strided_slice %get3A_1644 {offsets = [4], sizes = [1], strides = [1]} : vector<16xi32> to vector<1xi32>
    %squeeze3A_1728 = vector.extract %slice3A_1727[0] : i32 from vector<1xi32>
    %shift_right_arithmetic3A_1729 = arith.constant 4 : i32
    %shift_right_arithmetic3A_1730 = arith.shrsi %squeeze3A_1728, %shift_right_arithmetic3A_1729 : i32
    %mul3A_1731 = arith.constant 16 : i32
    %mul3A_1732 = arith.muli %shift_right_arithmetic3A_1730, %mul3A_1731 : i32
    %get3A_1733 = arith.constant 84 : i32
    %get3A_1734 = arith.index_cast %get3A_1733 : i32 to index
    %get3A_1735 = arith.index_cast %mul3A_1732 : i32 to index
    %get3A_1736 = tpu.vector_load %arg8[%get3A_1734, %get3A_1735] {strides = array<i32>} : memref<128x128xf32, #tpu.memory_space<vmem>>, vector<1x16xf32>,
    %get3A_1737 = vector.shape_cast %get3A_1736 : vector<1x16xf32> to vector<16xf32>
    %and3A_1738 = arith.constant 15 : i32
    %and3A_1739 = arith.andi %squeeze3A_1728, %and3A_1738 : i32
    %broadcast_in_dim3A_1740 = vector.broadcast %and3A_1739 : i32 to vector<16x1xi32>
    %gather3A_1741 = vector.shape_cast %broadcast_in_dim3A_1740 : vector<16x1xi32> to vector<16xi32>
    %gather3A_1742 = tpu.dynamic_gather %get3A_1737[%gather3A_1741] in [0] : vector<16xf32>, vector<16xi32> -> vector<16xf32>
    %eq3A_1743 = arith.constant 4 : i32
    %eq3A_1744 = vector.broadcast %eq3A_1743 : i32 to vector<16xi32>
    %eq3A_1745 = arith.cmpi eq, %iota3A, %eq3A_1744 : vector<16xi32>
    %select_n3A_1746 = arith.select %eq3A_1745, %gather3A_1742, %select_n3A_1726 : vector<16xi1>, vector<16xf32>
    %slice3A_1747 = vector.extract_strided_slice %get3A_1644 {offsets = [5], sizes = [1], strides = [1]} : vector<16xi32> to vector<1xi32>
    %squeeze3A_1748 = vector.extract %slice3A_1747[0] : i32 from vector<1xi32>
    %shift_right_arithmetic3A_1749 = arith.constant 4 : i32
    %shift_right_arithmetic3A_1750 = arith.shrsi %squeeze3A_1748, %shift_right_arithmetic3A_1749 : i32
    %mul3A_1751 = arith.constant 16 : i32
    %mul3A_1752 = arith.muli %shift_right_arithmetic3A_1750, %mul3A_1751 : i32
    %get3A_1753 = arith.constant 85 : i32
    %get3A_1754 = arith.index_cast %get3A_1753 : i32 to index
    %get3A_1755 = arith.index_cast %mul3A_1752 : i32 to index
    %get3A_1756 = tpu.vector_load %arg8[%get3A_1754, %get3A_1755] {strides = array<i32>} : memref<128x128xf32, #tpu.memory_space<vmem>>, vector<1x16xf32>,
    %get3A_1757 = vector.shape_cast %get3A_1756 : vector<1x16xf32> to vector<16xf32>
    %and3A_1758 = arith.constant 15 : i32
    %and3A_1759 = arith.andi %squeeze3A_1748, %and3A_1758 : i32
    %broadcast_in_dim3A_1760 = vector.broadcast %and3A_1759 : i32 to vector<16x1xi32>
    %gather3A_1761 = vector.shape_cast %broadcast_in_dim3A_1760 : vector<16x1xi32> to vector<16xi32>
    %gather3A_1762 = tpu.dynamic_gather %get3A_1757[%gather3A_1761] in [0] : vector<16xf32>, vector<16xi32> -> vector<16xf32>
    %eq3A_1763 = arith.constant 5 : i32
    %eq3A_1764 = vector.broadcast %eq3A_1763 : i32 to vector<16xi32>
    %eq3A_1765 = arith.cmpi eq, %iota3A, %eq3A_1764 : vector<16xi32>
    %select_n3A_1766 = arith.select %eq3A_1765, %gather3A_1762, %select_n3A_1746 : vector<16xi1>, vector<16xf32>
    %slice3A_1767 = vector.extract_strided_slice %get3A_1644 {offsets = [6], sizes = [1], strides = [1]} : vector<16xi32> to vector<1xi32>
    %squeeze3A_1768 = vector.extract %slice3A_1767[0] : i32 from vector<1xi32>
    %shift_right_arithmetic3A_1769 = arith.constant 4 : i32
    %shift_right_arithmetic3A_1770 = arith.shrsi %squeeze3A_1768, %shift_right_arithmetic3A_1769 : i32
    %mul3A_1771 = arith.constant 16 : i32
    %mul3A_1772 = arith.muli %shift_right_arithmetic3A_1770, %mul3A_1771 : i32
    %get3A_1773 = arith.constant 86 : i32
    %get3A_1774 = arith.index_cast %get3A_1773 : i32 to index
    %get3A_1775 = arith.index_cast %mul3A_1772 : i32 to index
    %get3A_1776 = tpu.vector_load %arg8[%get3A_1774, %get3A_1775] {strides = array<i32>} : memref<128x128xf32, #tpu.memory_space<vmem>>, vector<1x16xf32>,
    %get3A_1777 = vector.shape_cast %get3A_1776 : vector<1x16xf32> to vector<16xf32>
    %and3A_1778 = arith.constant 15 : i32
    %and3A_1779 = arith.andi %squeeze3A_1768, %and3A_1778 : i32
    %broadcast_in_dim3A_1780 = vector.broadcast %and3A_1779 : i32 to vector<16x1xi32>
    %gather3A_1781 = vector.shape_cast %broadcast_in_dim3A_1780 : vector<16x1xi32> to vector<16xi32>
    %gather3A_1782 = tpu.dynamic_gather %get3A_1777[%gather3A_1781] in [0] : vector<16xf32>, vector<16xi32> -> vector<16xf32>
    %eq3A_1783 = arith.constant 6 : i32
    %eq3A_1784 = vector.broadcast %eq3A_1783 : i32 to vector<16xi32>
    %eq3A_1785 = arith.cmpi eq, %iota3A, %eq3A_1784 : vector<16xi32>
    %select_n3A_1786 = arith.select %eq3A_1785, %gather3A_1782, %select_n3A_1766 : vector<16xi1>, vector<16xf32>
    %slice3A_1787 = vector.extract_strided_slice %get3A_1644 {offsets = [7], sizes = [1], strides = [1]} : vector<16xi32> to vector<1xi32>
    %squeeze3A_1788 = vector.extract %slice3A_1787[0] : i32 from vector<1xi32>
    %shift_right_arithmetic3A_1789 = arith.constant 4 : i32
    %shift_right_arithmetic3A_1790 = arith.shrsi %squeeze3A_1788, %shift_right_arithmetic3A_1789 : i32
    %mul3A_1791 = arith.constant 16 : i32
    %mul3A_1792 = arith.muli %shift_right_arithmetic3A_1790, %mul3A_1791 : i32
    %get3A_1793 = arith.constant 87 : i32
    %get3A_1794 = arith.index_cast %get3A_1793 : i32 to index
    %get3A_1795 = arith.index_cast %mul3A_1792 : i32 to index
    %get3A_1796 = tpu.vector_load %arg8[%get3A_1794, %get3A_1795] {strides = array<i32>} : memref<128x128xf32, #tpu.memory_space<vmem>>, vector<1x16xf32>,
    %get3A_1797 = vector.shape_cast %get3A_1796 : vector<1x16xf32> to vector<16xf32>
    %and3A_1798 = arith.constant 15 : i32
    %and3A_1799 = arith.andi %squeeze3A_1788, %and3A_1798 : i32
    %broadcast_in_dim3A_1800 = vector.broadcast %and3A_1799 : i32 to vector<16x1xi32>
    %gather3A_1801 = vector.shape_cast %broadcast_in_dim3A_1800 : vector<16x1xi32> to vector<16xi32>
    %gather3A_1802 = tpu.dynamic_gather %get3A_1797[%gather3A_1801] in [0] : vector<16xf32>, vector<16xi32> -> vector<16xf32>
    %eq3A_1803 = arith.constant 7 : i32
    %eq3A_1804 = vector.broadcast %eq3A_1803 : i32 to vector<16xi32>
    %eq3A_1805 = arith.cmpi eq, %iota3A, %eq3A_1804 : vector<16xi32>
    %select_n3A_1806 = arith.select %eq3A_1805, %gather3A_1802, %select_n3A_1786 : vector<16xi1>, vector<16xf32>
    %slice3A_1807 = vector.extract_strided_slice %get3A_1644 {offsets = [8], sizes = [1], strides = [1]} : vector<16xi32> to vector<1xi32>
    %squeeze3A_1808 = vector.extract %slice3A_1807[0] : i32 from vector<1xi32>
    %shift_right_arithmetic3A_1809 = arith.constant 4 : i32
    %shift_right_arithmetic3A_1810 = arith.shrsi %squeeze3A_1808, %shift_right_arithmetic3A_1809 : i32
    %mul3A_1811 = arith.constant 16 : i32
    %mul3A_1812 = arith.muli %shift_right_arithmetic3A_1810, %mul3A_1811 : i32
    %get3A_1813 = arith.constant 88 : i32
    %get3A_1814 = arith.index_cast %get3A_1813 : i32 to index
    %get3A_1815 = arith.index_cast %mul3A_1812 : i32 to index
    %get3A_1816 = tpu.vector_load %arg8[%get3A_1814, %get3A_1815] {strides = array<i32>} : memref<128x128xf32, #tpu.memory_space<vmem>>, vector<1x16xf32>,
    %get3A_1817 = vector.shape_cast %get3A_1816 : vector<1x16xf32> to vector<16xf32>
    %and3A_1818 = arith.constant 15 : i32
    %and3A_1819 = arith.andi %squeeze3A_1808, %and3A_1818 : i32
    %broadcast_in_dim3A_1820 = vector.broadcast %and3A_1819 : i32 to vector<16x1xi32>
    %gather3A_1821 = vector.shape_cast %broadcast_in_dim3A_1820 : vector<16x1xi32> to vector<16xi32>
    %gather3A_1822 = tpu.dynamic_gather %get3A_1817[%gather3A_1821] in [0] : vector<16xf32>, vector<16xi32> -> vector<16xf32>
    %eq3A_1823 = arith.constant 8 : i32
    %eq3A_1824 = vector.broadcast %eq3A_1823 : i32 to vector<16xi32>
    %eq3A_1825 = arith.cmpi eq, %iota3A, %eq3A_1824 : vector<16xi32>
    %select_n3A_1826 = arith.select %eq3A_1825, %gather3A_1822, %select_n3A_1806 : vector<16xi1>, vector<16xf32>
    %slice3A_1827 = vector.extract_strided_slice %get3A_1644 {offsets = [9], sizes = [1], strides = [1]} : vector<16xi32> to vector<1xi32>
    %squeeze3A_1828 = vector.extract %slice3A_1827[0] : i32 from vector<1xi32>
    %shift_right_arithmetic3A_1829 = arith.constant 4 : i32
    %shift_right_arithmetic3A_1830 = arith.shrsi %squeeze3A_1828, %shift_right_arithmetic3A_1829 : i32
    %mul3A_1831 = arith.constant 16 : i32
    %mul3A_1832 = arith.muli %shift_right_arithmetic3A_1830, %mul3A_1831 : i32
    %get3A_1833 = arith.constant 89 : i32
    %get3A_1834 = arith.index_cast %get3A_1833 : i32 to index
    %get3A_1835 = arith.index_cast %mul3A_1832 : i32 to index
    %get3A_1836 = tpu.vector_load %arg8[%get3A_1834, %get3A_1835] {strides = array<i32>} : memref<128x128xf32, #tpu.memory_space<vmem>>, vector<1x16xf32>,
    %get3A_1837 = vector.shape_cast %get3A_1836 : vector<1x16xf32> to vector<16xf32>
    %and3A_1838 = arith.constant 15 : i32
    %and3A_1839 = arith.andi %squeeze3A_1828, %and3A_1838 : i32
    %broadcast_in_dim3A_1840 = vector.broadcast %and3A_1839 : i32 to vector<16x1xi32>
    %gather3A_1841 = vector.shape_cast %broadcast_in_dim3A_1840 : vector<16x1xi32> to vector<16xi32>
    %gather3A_1842 = tpu.dynamic_gather %get3A_1837[%gather3A_1841] in [0] : vector<16xf32>, vector<16xi32> -> vector<16xf32>
    %eq3A_1843 = arith.constant 9 : i32
    %eq3A_1844 = vector.broadcast %eq3A_1843 : i32 to vector<16xi32>
    %eq3A_1845 = arith.cmpi eq, %iota3A, %eq3A_1844 : vector<16xi32>
    %select_n3A_1846 = arith.select %eq3A_1845, %gather3A_1842, %select_n3A_1826 : vector<16xi1>, vector<16xf32>
    %slice3A_1847 = vector.extract_strided_slice %get3A_1644 {offsets = [10], sizes = [1], strides = [1]} : vector<16xi32> to vector<1xi32>
    %squeeze3A_1848 = vector.extract %slice3A_1847[0] : i32 from vector<1xi32>
    %shift_right_arithmetic3A_1849 = arith.constant 4 : i32
    %shift_right_arithmetic3A_1850 = arith.shrsi %squeeze3A_1848, %shift_right_arithmetic3A_1849 : i32
    %mul3A_1851 = arith.constant 16 : i32
    %mul3A_1852 = arith.muli %shift_right_arithmetic3A_1850, %mul3A_1851 : i32
    %get3A_1853 = arith.constant 90 : i32
    %get3A_1854 = arith.index_cast %get3A_1853 : i32 to index
    %get3A_1855 = arith.index_cast %mul3A_1852 : i32 to index
    %get3A_1856 = tpu.vector_load %arg8[%get3A_1854, %get3A_1855] {strides = array<i32>} : memref<128x128xf32, #tpu.memory_space<vmem>>, vector<1x16xf32>,
    %get3A_1857 = vector.shape_cast %get3A_1856 : vector<1x16xf32> to vector<16xf32>
    %and3A_1858 = arith.constant 15 : i32
    %and3A_1859 = arith.andi %squeeze3A_1848, %and3A_1858 : i32
    %broadcast_in_dim3A_1860 = vector.broadcast %and3A_1859 : i32 to vector<16x1xi32>
    %gather3A_1861 = vector.shape_cast %broadcast_in_dim3A_1860 : vector<16x1xi32> to vector<16xi32>
    %gather3A_1862 = tpu.dynamic_gather %get3A_1857[%gather3A_1861] in [0] : vector<16xf32>, vector<16xi32> -> vector<16xf32>
    %eq3A_1863 = arith.constant 10 : i32
    %eq3A_1864 = vector.broadcast %eq3A_1863 : i32 to vector<16xi32>
    %eq3A_1865 = arith.cmpi eq, %iota3A, %eq3A_1864 : vector<16xi32>
    %select_n3A_1866 = arith.select %eq3A_1865, %gather3A_1862, %select_n3A_1846 : vector<16xi1>, vector<16xf32>
    %slice3A_1867 = vector.extract_strided_slice %get3A_1644 {offsets = [11], sizes = [1], strides = [1]} : vector<16xi32> to vector<1xi32>
    %squeeze3A_1868 = vector.extract %slice3A_1867[0] : i32 from vector<1xi32>
    %shift_right_arithmetic3A_1869 = arith.constant 4 : i32
    %shift_right_arithmetic3A_1870 = arith.shrsi %squeeze3A_1868, %shift_right_arithmetic3A_1869 : i32
    %mul3A_1871 = arith.constant 16 : i32
    %mul3A_1872 = arith.muli %shift_right_arithmetic3A_1870, %mul3A_1871 : i32
    %get3A_1873 = arith.constant 91 : i32
    %get3A_1874 = arith.index_cast %get3A_1873 : i32 to index
    %get3A_1875 = arith.index_cast %mul3A_1872 : i32 to index
    %get3A_1876 = tpu.vector_load %arg8[%get3A_1874, %get3A_1875] {strides = array<i32>} : memref<128x128xf32, #tpu.memory_space<vmem>>, vector<1x16xf32>,
    %get3A_1877 = vector.shape_cast %get3A_1876 : vector<1x16xf32> to vector<16xf32>
    %and3A_1878 = arith.constant 15 : i32
    %and3A_1879 = arith.andi %squeeze3A_1868, %and3A_1878 : i32
    %broadcast_in_dim3A_1880 = vector.broadcast %and3A_1879 : i32 to vector<16x1xi32>
    %gather3A_1881 = vector.shape_cast %broadcast_in_dim3A_1880 : vector<16x1xi32> to vector<16xi32>
    %gather3A_1882 = tpu.dynamic_gather %get3A_1877[%gather3A_1881] in [0] : vector<16xf32>, vector<16xi32> -> vector<16xf32>
    %eq3A_1883 = arith.constant 11 : i32
    %eq3A_1884 = vector.broadcast %eq3A_1883 : i32 to vector<16xi32>
    %eq3A_1885 = arith.cmpi eq, %iota3A, %eq3A_1884 : vector<16xi32>
    %select_n3A_1886 = arith.select %eq3A_1885, %gather3A_1882, %select_n3A_1866 : vector<16xi1>, vector<16xf32>
    %slice3A_1887 = vector.extract_strided_slice %get3A_1644 {offsets = [12], sizes = [1], strides = [1]} : vector<16xi32> to vector<1xi32>
    %squeeze3A_1888 = vector.extract %slice3A_1887[0] : i32 from vector<1xi32>
    %shift_right_arithmetic3A_1889 = arith.constant 4 : i32
    %shift_right_arithmetic3A_1890 = arith.shrsi %squeeze3A_1888, %shift_right_arithmetic3A_1889 : i32
    %mul3A_1891 = arith.constant 16 : i32
    %mul3A_1892 = arith.muli %shift_right_arithmetic3A_1890, %mul3A_1891 : i32
    %get3A_1893 = arith.constant 92 : i32
    %get3A_1894 = arith.index_cast %get3A_1893 : i32 to index
    %get3A_1895 = arith.index_cast %mul3A_1892 : i32 to index
    %get3A_1896 = tpu.vector_load %arg8[%get3A_1894, %get3A_1895] {strides = array<i32>} : memref<128x128xf32, #tpu.memory_space<vmem>>, vector<1x16xf32>,
    %get3A_1897 = vector.shape_cast %get3A_1896 : vector<1x16xf32> to vector<16xf32>
    %and3A_1898 = arith.constant 15 : i32
    %and3A_1899 = arith.andi %squeeze3A_1888, %and3A_1898 : i32
    %broadcast_in_dim3A_1900 = vector.broadcast %and3A_1899 : i32 to vector<16x1xi32>
    %gather3A_1901 = vector.shape_cast %broadcast_in_dim3A_1900 : vector<16x1xi32> to vector<16xi32>
    %gather3A_1902 = tpu.dynamic_gather %get3A_1897[%gather3A_1901] in [0] : vector<16xf32>, vector<16xi32> -> vector<16xf32>
    %eq3A_1903 = arith.constant 12 : i32
    %eq3A_1904 = vector.broadcast %eq3A_1903 : i32 to vector<16xi32>
    %eq3A_1905 = arith.cmpi eq, %iota3A, %eq3A_1904 : vector<16xi32>
    %select_n3A_1906 = arith.select %eq3A_1905, %gather3A_1902, %select_n3A_1886 : vector<16xi1>, vector<16xf32>
    %slice3A_1907 = vector.extract_strided_slice %get3A_1644 {offsets = [13], sizes = [1], strides = [1]} : vector<16xi32> to vector<1xi32>
    %squeeze3A_1908 = vector.extract %slice3A_1907[0] : i32 from vector<1xi32>
    %shift_right_arithmetic3A_1909 = arith.constant 4 : i32
    %shift_right_arithmetic3A_1910 = arith.shrsi %squeeze3A_1908, %shift_right_arithmetic3A_1909 : i32
    %mul3A_1911 = arith.constant 16 : i32
    %mul3A_1912 = arith.muli %shift_right_arithmetic3A_1910, %mul3A_1911 : i32
    %get3A_1913 = arith.constant 93 : i32
    %get3A_1914 = arith.index_cast %get3A_1913 : i32 to index
    %get3A_1915 = arith.index_cast %mul3A_1912 : i32 to index
    %get3A_1916 = tpu.vector_load %arg8[%get3A_1914, %get3A_1915] {strides = array<i32>} : memref<128x128xf32, #tpu.memory_space<vmem>>, vector<1x16xf32>,
    %get3A_1917 = vector.shape_cast %get3A_1916 : vector<1x16xf32> to vector<16xf32>
    %and3A_1918 = arith.constant 15 : i32
    %and3A_1919 = arith.andi %squeeze3A_1908, %and3A_1918 : i32
    %broadcast_in_dim3A_1920 = vector.broadcast %and3A_1919 : i32 to vector<16x1xi32>
    %gather3A_1921 = vector.shape_cast %broadcast_in_dim3A_1920 : vector<16x1xi32> to vector<16xi32>
    %gather3A_1922 = tpu.dynamic_gather %get3A_1917[%gather3A_1921] in [0] : vector<16xf32>, vector<16xi32> -> vector<16xf32>
    %eq3A_1923 = arith.constant 13 : i32
    %eq3A_1924 = vector.broadcast %eq3A_1923 : i32 to vector<16xi32>
    %eq3A_1925 = arith.cmpi eq, %iota3A, %eq3A_1924 : vector<16xi32>
    %select_n3A_1926 = arith.select %eq3A_1925, %gather3A_1922, %select_n3A_1906 : vector<16xi1>, vector<16xf32>
    %slice3A_1927 = vector.extract_strided_slice %get3A_1644 {offsets = [14], sizes = [1], strides = [1]} : vector<16xi32> to vector<1xi32>
    %squeeze3A_1928 = vector.extract %slice3A_1927[0] : i32 from vector<1xi32>
    %shift_right_arithmetic3A_1929 = arith.constant 4 : i32
    %shift_right_arithmetic3A_1930 = arith.shrsi %squeeze3A_1928, %shift_right_arithmetic3A_1929 : i32
    %mul3A_1931 = arith.constant 16 : i32
    %mul3A_1932 = arith.muli %shift_right_arithmetic3A_1930, %mul3A_1931 : i32
    %get3A_1933 = arith.constant 94 : i32
    %get3A_1934 = arith.index_cast %get3A_1933 : i32 to index
    %get3A_1935 = arith.index_cast %mul3A_1932 : i32 to index
    %get3A_1936 = tpu.vector_load %arg8[%get3A_1934, %get3A_1935] {strides = array<i32>} : memref<128x128xf32, #tpu.memory_space<vmem>>, vector<1x16xf32>,
    %get3A_1937 = vector.shape_cast %get3A_1936 : vector<1x16xf32> to vector<16xf32>
    %and3A_1938 = arith.constant 15 : i32
    %and3A_1939 = arith.andi %squeeze3A_1928, %and3A_1938 : i32
    %broadcast_in_dim3A_1940 = vector.broadcast %and3A_1939 : i32 to vector<16x1xi32>
    %gather3A_1941 = vector.shape_cast %broadcast_in_dim3A_1940 : vector<16x1xi32> to vector<16xi32>
    %gather3A_1942 = tpu.dynamic_gather %get3A_1937[%gather3A_1941] in [0] : vector<16xf32>, vector<16xi32> -> vector<16xf32>
    %eq3A_1943 = arith.constant 14 : i32
    %eq3A_1944 = vector.broadcast %eq3A_1943 : i32 to vector<16xi32>
    %eq3A_1945 = arith.cmpi eq, %iota3A, %eq3A_1944 : vector<16xi32>
    %select_n3A_1946 = arith.select %eq3A_1945, %gather3A_1942, %select_n3A_1926 : vector<16xi1>, vector<16xf32>
    %slice3A_1947 = vector.extract_strided_slice %get3A_1644 {offsets = [15], sizes = [1], strides = [1]} : vector<16xi32> to vector<1xi32>
    %squeeze3A_1948 = vector.extract %slice3A_1947[0] : i32 from vector<1xi32>
    %shift_right_arithmetic3A_1949 = arith.constant 4 : i32
    %shift_right_arithmetic3A_1950 = arith.shrsi %squeeze3A_1948, %shift_right_arithmetic3A_1949 : i32
    %mul3A_1951 = arith.constant 16 : i32
    %mul3A_1952 = arith.muli %shift_right_arithmetic3A_1950, %mul3A_1951 : i32
    %get3A_1953 = arith.constant 95 : i32
    %get3A_1954 = arith.index_cast %get3A_1953 : i32 to index
    %get3A_1955 = arith.index_cast %mul3A_1952 : i32 to index
    %get3A_1956 = tpu.vector_load %arg8[%get3A_1954, %get3A_1955] {strides = array<i32>} : memref<128x128xf32, #tpu.memory_space<vmem>>, vector<1x16xf32>,
    %get3A_1957 = vector.shape_cast %get3A_1956 : vector<1x16xf32> to vector<16xf32>
    %and3A_1958 = arith.constant 15 : i32
    %and3A_1959 = arith.andi %squeeze3A_1948, %and3A_1958 : i32
    %broadcast_in_dim3A_1960 = vector.broadcast %and3A_1959 : i32 to vector<16x1xi32>
    %gather3A_1961 = vector.shape_cast %broadcast_in_dim3A_1960 : vector<16x1xi32> to vector<16xi32>
    %gather3A_1962 = tpu.dynamic_gather %get3A_1957[%gather3A_1961] in [0] : vector<16xf32>, vector<16xi32> -> vector<16xf32>
    %eq3A_1963 = arith.constant 15 : i32
    %eq3A_1964 = vector.broadcast %eq3A_1963 : i32 to vector<16xi32>
    %eq3A_1965 = arith.cmpi eq, %iota3A, %eq3A_1964 : vector<16xi32>
    %select_n3A_1966 = arith.select %eq3A_1965, %gather3A_1962, %select_n3A_1946 : vector<16xi1>, vector<16xf32>
    %swap3A_1967 = arith.constant 80 : index
    %swap3A_1968 = tpu.vector_load %arg9[%swap3A_1967] {strides = array<i32>} : memref<128xf32, #tpu.memory_space<vmem>>, vector<16xf32>,
    %swap3A_1969 = vector.shape_cast %swap3A_1968 : vector<16xf32> to vector<16xf32>
    %swap3A_1970 = vector.shape_cast %select_n3A_1966 : vector<16xf32> to vector<16xf32>
    tpu.vector_store %arg9[%swap3A_1967], %swap3A_1970 {strides = array<i32>} : memref<128xf32, #tpu.memory_space<vmem>>, vector<16xf32>,
    %get3A_1971 = arith.constant 96 : index
    %get3A_1972 = tpu.vector_load %arg7[%get3A_1971] {strides = array<i32>} : memref<128xi32, #tpu.memory_space<vmem>>, vector<16xi32>,
    %get3A_1973 = vector.shape_cast %get3A_1972 : vector<16xi32> to vector<16xi32>
    %broadcast_in_dim3A_1974 = arith.constant 0.000000e+00 : f32
    %broadcast_in_dim3A_1975 = vector.broadcast %broadcast_in_dim3A_1974 : f32 to vector<16xf32>
    %slice3A_1976 = vector.extract_strided_slice %get3A_1973 {offsets = [0], sizes = [1], strides = [1]} : vector<16xi32> to vector<1xi32>
    %squeeze3A_1977 = vector.extract %slice3A_1976[0] : i32 from vector<1xi32>
    %shift_right_arithmetic3A_1978 = arith.constant 4 : i32
    %shift_right_arithmetic3A_1979 = arith.shrsi %squeeze3A_1977, %shift_right_arithmetic3A_1978 : i32
    %mul3A_1980 = arith.constant 16 : i32
    %mul3A_1981 = arith.muli %shift_right_arithmetic3A_1979, %mul3A_1980 : i32
    %get3A_1982 = arith.constant 96 : i32
    %get3A_1983 = arith.index_cast %get3A_1982 : i32 to index
    %get3A_1984 = arith.index_cast %mul3A_1981 : i32 to index
    %get3A_1985 = tpu.vector_load %arg8[%get3A_1983, %get3A_1984] {strides = array<i32>} : memref<128x128xf32, #tpu.memory_space<vmem>>, vector<1x16xf32>,
    %get3A_1986 = vector.shape_cast %get3A_1985 : vector<1x16xf32> to vector<16xf32>
    %and3A_1987 = arith.constant 15 : i32
    %and3A_1988 = arith.andi %squeeze3A_1977, %and3A_1987 : i32
    %broadcast_in_dim3A_1989 = vector.broadcast %and3A_1988 : i32 to vector<16x1xi32>
    %gather3A_1990 = vector.shape_cast %broadcast_in_dim3A_1989 : vector<16x1xi32> to vector<16xi32>
    %gather3A_1991 = tpu.dynamic_gather %get3A_1986[%gather3A_1990] in [0] : vector<16xf32>, vector<16xi32> -> vector<16xf32>
    %eq3A_1992 = arith.constant 0 : i32
    %eq3A_1993 = vector.broadcast %eq3A_1992 : i32 to vector<16xi32>
    %eq3A_1994 = arith.cmpi eq, %iota3A, %eq3A_1993 : vector<16xi32>
    %select_n3A_1995 = arith.select %eq3A_1994, %gather3A_1991, %broadcast_in_dim3A_1975 : vector<16xi1>, vector<16xf32>
    %slice3A_1996 = vector.extract_strided_slice %get3A_1973 {offsets = [1], sizes = [1], strides = [1]} : vector<16xi32> to vector<1xi32>
    %squeeze3A_1997 = vector.extract %slice3A_1996[0] : i32 from vector<1xi32>
    %shift_right_arithmetic3A_1998 = arith.constant 4 : i32
    %shift_right_arithmetic3A_1999 = arith.shrsi %squeeze3A_1997, %shift_right_arithmetic3A_1998 : i32
    %mul3A_2000 = arith.constant 16 : i32
    %mul3A_2001 = arith.muli %shift_right_arithmetic3A_1999, %mul3A_2000 : i32
    %get3A_2002 = arith.constant 97 : i32
    %get3A_2003 = arith.index_cast %get3A_2002 : i32 to index
    %get3A_2004 = arith.index_cast %mul3A_2001 : i32 to index
    %get3A_2005 = tpu.vector_load %arg8[%get3A_2003, %get3A_2004] {strides = array<i32>} : memref<128x128xf32, #tpu.memory_space<vmem>>, vector<1x16xf32>,
    %get3A_2006 = vector.shape_cast %get3A_2005 : vector<1x16xf32> to vector<16xf32>
    %and3A_2007 = arith.constant 15 : i32
    %and3A_2008 = arith.andi %squeeze3A_1997, %and3A_2007 : i32
    %broadcast_in_dim3A_2009 = vector.broadcast %and3A_2008 : i32 to vector<16x1xi32>
    %gather3A_2010 = vector.shape_cast %broadcast_in_dim3A_2009 : vector<16x1xi32> to vector<16xi32>
    %gather3A_2011 = tpu.dynamic_gather %get3A_2006[%gather3A_2010] in [0] : vector<16xf32>, vector<16xi32> -> vector<16xf32>
    %eq3A_2012 = arith.constant 1 : i32
    %eq3A_2013 = vector.broadcast %eq3A_2012 : i32 to vector<16xi32>
    %eq3A_2014 = arith.cmpi eq, %iota3A, %eq3A_2013 : vector<16xi32>
    %select_n3A_2015 = arith.select %eq3A_2014, %gather3A_2011, %select_n3A_1995 : vector<16xi1>, vector<16xf32>
    %slice3A_2016 = vector.extract_strided_slice %get3A_1973 {offsets = [2], sizes = [1], strides = [1]} : vector<16xi32> to vector<1xi32>
    %squeeze3A_2017 = vector.extract %slice3A_2016[0] : i32 from vector<1xi32>
    %shift_right_arithmetic3A_2018 = arith.constant 4 : i32
    %shift_right_arithmetic3A_2019 = arith.shrsi %squeeze3A_2017, %shift_right_arithmetic3A_2018 : i32
    %mul3A_2020 = arith.constant 16 : i32
    %mul3A_2021 = arith.muli %shift_right_arithmetic3A_2019, %mul3A_2020 : i32
    %get3A_2022 = arith.constant 98 : i32
    %get3A_2023 = arith.index_cast %get3A_2022 : i32 to index
    %get3A_2024 = arith.index_cast %mul3A_2021 : i32 to index
    %get3A_2025 = tpu.vector_load %arg8[%get3A_2023, %get3A_2024] {strides = array<i32>} : memref<128x128xf32, #tpu.memory_space<vmem>>, vector<1x16xf32>,
    %get3A_2026 = vector.shape_cast %get3A_2025 : vector<1x16xf32> to vector<16xf32>
    %and3A_2027 = arith.constant 15 : i32
    %and3A_2028 = arith.andi %squeeze3A_2017, %and3A_2027 : i32
    %broadcast_in_dim3A_2029 = vector.broadcast %and3A_2028 : i32 to vector<16x1xi32>
    %gather3A_2030 = vector.shape_cast %broadcast_in_dim3A_2029 : vector<16x1xi32> to vector<16xi32>
    %gather3A_2031 = tpu.dynamic_gather %get3A_2026[%gather3A_2030] in [0] : vector<16xf32>, vector<16xi32> -> vector<16xf32>
    %eq3A_2032 = arith.constant 2 : i32
    %eq3A_2033 = vector.broadcast %eq3A_2032 : i32 to vector<16xi32>
    %eq3A_2034 = arith.cmpi eq, %iota3A, %eq3A_2033 : vector<16xi32>
    %select_n3A_2035 = arith.select %eq3A_2034, %gather3A_2031, %select_n3A_2015 : vector<16xi1>, vector<16xf32>
    %slice3A_2036 = vector.extract_strided_slice %get3A_1973 {offsets = [3], sizes = [1], strides = [1]} : vector<16xi32> to vector<1xi32>
    %squeeze3A_2037 = vector.extract %slice3A_2036[0] : i32 from vector<1xi32>
    %shift_right_arithmetic3A_2038 = arith.constant 4 : i32
    %shift_right_arithmetic3A_2039 = arith.shrsi %squeeze3A_2037, %shift_right_arithmetic3A_2038 : i32
    %mul3A_2040 = arith.constant 16 : i32
    %mul3A_2041 = arith.muli %shift_right_arithmetic3A_2039, %mul3A_2040 : i32
    %get3A_2042 = arith.constant 99 : i32
    %get3A_2043 = arith.index_cast %get3A_2042 : i32 to index
    %get3A_2044 = arith.index_cast %mul3A_2041 : i32 to index
    %get3A_2045 = tpu.vector_load %arg8[%get3A_2043, %get3A_2044] {strides = array<i32>} : memref<128x128xf32, #tpu.memory_space<vmem>>, vector<1x16xf32>,
    %get3A_2046 = vector.shape_cast %get3A_2045 : vector<1x16xf32> to vector<16xf32>
    %and3A_2047 = arith.constant 15 : i32
    %and3A_2048 = arith.andi %squeeze3A_2037, %and3A_2047 : i32
    %broadcast_in_dim3A_2049 = vector.broadcast %and3A_2048 : i32 to vector<16x1xi32>
    %gather3A_2050 = vector.shape_cast %broadcast_in_dim3A_2049 : vector<16x1xi32> to vector<16xi32>
    %gather3A_2051 = tpu.dynamic_gather %get3A_2046[%gather3A_2050] in [0] : vector<16xf32>, vector<16xi32> -> vector<16xf32>
    %eq3A_2052 = arith.constant 3 : i32
    %eq3A_2053 = vector.broadcast %eq3A_2052 : i32 to vector<16xi32>
    %eq3A_2054 = arith.cmpi eq, %iota3A, %eq3A_2053 : vector<16xi32>
    %select_n3A_2055 = arith.select %eq3A_2054, %gather3A_2051, %select_n3A_2035 : vector<16xi1>, vector<16xf32>
    %slice3A_2056 = vector.extract_strided_slice %get3A_1973 {offsets = [4], sizes = [1], strides = [1]} : vector<16xi32> to vector<1xi32>
    %squeeze3A_2057 = vector.extract %slice3A_2056[0] : i32 from vector<1xi32>
    %shift_right_arithmetic3A_2058 = arith.constant 4 : i32
    %shift_right_arithmetic3A_2059 = arith.shrsi %squeeze3A_2057, %shift_right_arithmetic3A_2058 : i32
    %mul3A_2060 = arith.constant 16 : i32
    %mul3A_2061 = arith.muli %shift_right_arithmetic3A_2059, %mul3A_2060 : i32
    %get3A_2062 = arith.constant 100 : i32
    %get3A_2063 = arith.index_cast %get3A_2062 : i32 to index
    %get3A_2064 = arith.index_cast %mul3A_2061 : i32 to index
    %get3A_2065 = tpu.vector_load %arg8[%get3A_2063, %get3A_2064] {strides = array<i32>} : memref<128x128xf32, #tpu.memory_space<vmem>>, vector<1x16xf32>,
    %get3A_2066 = vector.shape_cast %get3A_2065 : vector<1x16xf32> to vector<16xf32>
    %and3A_2067 = arith.constant 15 : i32
    %and3A_2068 = arith.andi %squeeze3A_2057, %and3A_2067 : i32
    %broadcast_in_dim3A_2069 = vector.broadcast %and3A_2068 : i32 to vector<16x1xi32>
    %gather3A_2070 = vector.shape_cast %broadcast_in_dim3A_2069 : vector<16x1xi32> to vector<16xi32>
    %gather3A_2071 = tpu.dynamic_gather %get3A_2066[%gather3A_2070] in [0] : vector<16xf32>, vector<16xi32> -> vector<16xf32>
    %eq3A_2072 = arith.constant 4 : i32
    %eq3A_2073 = vector.broadcast %eq3A_2072 : i32 to vector<16xi32>
    %eq3A_2074 = arith.cmpi eq, %iota3A, %eq3A_2073 : vector<16xi32>
    %select_n3A_2075 = arith.select %eq3A_2074, %gather3A_2071, %select_n3A_2055 : vector<16xi1>, vector<16xf32>
    %slice3A_2076 = vector.extract_strided_slice %get3A_1973 {offsets = [5], sizes = [1], strides = [1]} : vector<16xi32> to vector<1xi32>
    %squeeze3A_2077 = vector.extract %slice3A_2076[0] : i32 from vector<1xi32>
    %shift_right_arithmetic3A_2078 = arith.constant 4 : i32
    %shift_right_arithmetic3A_2079 = arith.shrsi %squeeze3A_2077, %shift_right_arithmetic3A_2078 : i32
    %mul3A_2080 = arith.constant 16 : i32
    %mul3A_2081 = arith.muli %shift_right_arithmetic3A_2079, %mul3A_2080 : i32
    %get3A_2082 = arith.constant 101 : i32
    %get3A_2083 = arith.index_cast %get3A_2082 : i32 to index
    %get3A_2084 = arith.index_cast %mul3A_2081 : i32 to index
    %get3A_2085 = tpu.vector_load %arg8[%get3A_2083, %get3A_2084] {strides = array<i32>} : memref<128x128xf32, #tpu.memory_space<vmem>>, vector<1x16xf32>,
    %get3A_2086 = vector.shape_cast %get3A_2085 : vector<1x16xf32> to vector<16xf32>
    %and3A_2087 = arith.constant 15 : i32
    %and3A_2088 = arith.andi %squeeze3A_2077, %and3A_2087 : i32
    %broadcast_in_dim3A_2089 = vector.broadcast %and3A_2088 : i32 to vector<16x1xi32>
    %gather3A_2090 = vector.shape_cast %broadcast_in_dim3A_2089 : vector<16x1xi32> to vector<16xi32>
    %gather3A_2091 = tpu.dynamic_gather %get3A_2086[%gather3A_2090] in [0] : vector<16xf32>, vector<16xi32> -> vector<16xf32>
    %eq3A_2092 = arith.constant 5 : i32
    %eq3A_2093 = vector.broadcast %eq3A_2092 : i32 to vector<16xi32>
    %eq3A_2094 = arith.cmpi eq, %iota3A, %eq3A_2093 : vector<16xi32>
    %select_n3A_2095 = arith.select %eq3A_2094, %gather3A_2091, %select_n3A_2075 : vector<16xi1>, vector<16xf32>
    %slice3A_2096 = vector.extract_strided_slice %get3A_1973 {offsets = [6], sizes = [1], strides = [1]} : vector<16xi32> to vector<1xi32>
    %squeeze3A_2097 = vector.extract %slice3A_2096[0] : i32 from vector<1xi32>
    %shift_right_arithmetic3A_2098 = arith.constant 4 : i32
    %shift_right_arithmetic3A_2099 = arith.shrsi %squeeze3A_2097, %shift_right_arithmetic3A_2098 : i32
    %mul3A_2100 = arith.constant 16 : i32
    %mul3A_2101 = arith.muli %shift_right_arithmetic3A_2099, %mul3A_2100 : i32
    %get3A_2102 = arith.constant 102 : i32
    %get3A_2103 = arith.index_cast %get3A_2102 : i32 to index
    %get3A_2104 = arith.index_cast %mul3A_2101 : i32 to index
    %get3A_2105 = tpu.vector_load %arg8[%get3A_2103, %get3A_2104] {strides = array<i32>} : memref<128x128xf32, #tpu.memory_space<vmem>>, vector<1x16xf32>,
    %get3A_2106 = vector.shape_cast %get3A_2105 : vector<1x16xf32> to vector<16xf32>
    %and3A_2107 = arith.constant 15 : i32
    %and3A_2108 = arith.andi %squeeze3A_2097, %and3A_2107 : i32
    %broadcast_in_dim3A_2109 = vector.broadcast %and3A_2108 : i32 to vector<16x1xi32>
    %gather3A_2110 = vector.shape_cast %broadcast_in_dim3A_2109 : vector<16x1xi32> to vector<16xi32>
    %gather3A_2111 = tpu.dynamic_gather %get3A_2106[%gather3A_2110] in [0] : vector<16xf32>, vector<16xi32> -> vector<16xf32>
    %eq3A_2112 = arith.constant 6 : i32
    %eq3A_2113 = vector.broadcast %eq3A_2112 : i32 to vector<16xi32>
    %eq3A_2114 = arith.cmpi eq, %iota3A, %eq3A_2113 : vector<16xi32>
    %select_n3A_2115 = arith.select %eq3A_2114, %gather3A_2111, %select_n3A_2095 : vector<16xi1>, vector<16xf32>
    %slice3A_2116 = vector.extract_strided_slice %get3A_1973 {offsets = [7], sizes = [1], strides = [1]} : vector<16xi32> to vector<1xi32>
    %squeeze3A_2117 = vector.extract %slice3A_2116[0] : i32 from vector<1xi32>
    %shift_right_arithmetic3A_2118 = arith.constant 4 : i32
    %shift_right_arithmetic3A_2119 = arith.shrsi %squeeze3A_2117, %shift_right_arithmetic3A_2118 : i32
    %mul3A_2120 = arith.constant 16 : i32
    %mul3A_2121 = arith.muli %shift_right_arithmetic3A_2119, %mul3A_2120 : i32
    %get3A_2122 = arith.constant 103 : i32
    %get3A_2123 = arith.index_cast %get3A_2122 : i32 to index
    %get3A_2124 = arith.index_cast %mul3A_2121 : i32 to index
    %get3A_2125 = tpu.vector_load %arg8[%get3A_2123, %get3A_2124] {strides = array<i32>} : memref<128x128xf32, #tpu.memory_space<vmem>>, vector<1x16xf32>,
    %get3A_2126 = vector.shape_cast %get3A_2125 : vector<1x16xf32> to vector<16xf32>
    %and3A_2127 = arith.constant 15 : i32
    %and3A_2128 = arith.andi %squeeze3A_2117, %and3A_2127 : i32
    %broadcast_in_dim3A_2129 = vector.broadcast %and3A_2128 : i32 to vector<16x1xi32>
    %gather3A_2130 = vector.shape_cast %broadcast_in_dim3A_2129 : vector<16x1xi32> to vector<16xi32>
    %gather3A_2131 = tpu.dynamic_gather %get3A_2126[%gather3A_2130] in [0] : vector<16xf32>, vector<16xi32> -> vector<16xf32>
    %eq3A_2132 = arith.constant 7 : i32
    %eq3A_2133 = vector.broadcast %eq3A_2132 : i32 to vector<16xi32>
    %eq3A_2134 = arith.cmpi eq, %iota3A, %eq3A_2133 : vector<16xi32>
    %select_n3A_2135 = arith.select %eq3A_2134, %gather3A_2131, %select_n3A_2115 : vector<16xi1>, vector<16xf32>
    %slice3A_2136 = vector.extract_strided_slice %get3A_1973 {offsets = [8], sizes = [1], strides = [1]} : vector<16xi32> to vector<1xi32>
    %squeeze3A_2137 = vector.extract %slice3A_2136[0] : i32 from vector<1xi32>
    %shift_right_arithmetic3A_2138 = arith.constant 4 : i32
    %shift_right_arithmetic3A_2139 = arith.shrsi %squeeze3A_2137, %shift_right_arithmetic3A_2138 : i32
    %mul3A_2140 = arith.constant 16 : i32
    %mul3A_2141 = arith.muli %shift_right_arithmetic3A_2139, %mul3A_2140 : i32
    %get3A_2142 = arith.constant 104 : i32
    %get3A_2143 = arith.index_cast %get3A_2142 : i32 to index
    %get3A_2144 = arith.index_cast %mul3A_2141 : i32 to index
    %get3A_2145 = tpu.vector_load %arg8[%get3A_2143, %get3A_2144] {strides = array<i32>} : memref<128x128xf32, #tpu.memory_space<vmem>>, vector<1x16xf32>,
    %get3A_2146 = vector.shape_cast %get3A_2145 : vector<1x16xf32> to vector<16xf32>
    %and3A_2147 = arith.constant 15 : i32
    %and3A_2148 = arith.andi %squeeze3A_2137, %and3A_2147 : i32
    %broadcast_in_dim3A_2149 = vector.broadcast %and3A_2148 : i32 to vector<16x1xi32>
    %gather3A_2150 = vector.shape_cast %broadcast_in_dim3A_2149 : vector<16x1xi32> to vector<16xi32>
    %gather3A_2151 = tpu.dynamic_gather %get3A_2146[%gather3A_2150] in [0] : vector<16xf32>, vector<16xi32> -> vector<16xf32>
    %eq3A_2152 = arith.constant 8 : i32
    %eq3A_2153 = vector.broadcast %eq3A_2152 : i32 to vector<16xi32>
    %eq3A_2154 = arith.cmpi eq, %iota3A, %eq3A_2153 : vector<16xi32>
    %select_n3A_2155 = arith.select %eq3A_2154, %gather3A_2151, %select_n3A_2135 : vector<16xi1>, vector<16xf32>
    %slice3A_2156 = vector.extract_strided_slice %get3A_1973 {offsets = [9], sizes = [1], strides = [1]} : vector<16xi32> to vector<1xi32>
    %squeeze3A_2157 = vector.extract %slice3A_2156[0] : i32 from vector<1xi32>
    %shift_right_arithmetic3A_2158 = arith.constant 4 : i32
    %shift_right_arithmetic3A_2159 = arith.shrsi %squeeze3A_2157, %shift_right_arithmetic3A_2158 : i32
    %mul3A_2160 = arith.constant 16 : i32
    %mul3A_2161 = arith.muli %shift_right_arithmetic3A_2159, %mul3A_2160 : i32
    %get3A_2162 = arith.constant 105 : i32
    %get3A_2163 = arith.index_cast %get3A_2162 : i32 to index
    %get3A_2164 = arith.index_cast %mul3A_2161 : i32 to index
    %get3A_2165 = tpu.vector_load %arg8[%get3A_2163, %get3A_2164] {strides = array<i32>} : memref<128x128xf32, #tpu.memory_space<vmem>>, vector<1x16xf32>,
    %get3A_2166 = vector.shape_cast %get3A_2165 : vector<1x16xf32> to vector<16xf32>
    %and3A_2167 = arith.constant 15 : i32
    %and3A_2168 = arith.andi %squeeze3A_2157, %and3A_2167 : i32
    %broadcast_in_dim3A_2169 = vector.broadcast %and3A_2168 : i32 to vector<16x1xi32>
    %gather3A_2170 = vector.shape_cast %broadcast_in_dim3A_2169 : vector<16x1xi32> to vector<16xi32>
    %gather3A_2171 = tpu.dynamic_gather %get3A_2166[%gather3A_2170] in [0] : vector<16xf32>, vector<16xi32> -> vector<16xf32>
    %eq3A_2172 = arith.constant 9 : i32
    %eq3A_2173 = vector.broadcast %eq3A_2172 : i32 to vector<16xi32>
    %eq3A_2174 = arith.cmpi eq, %iota3A, %eq3A_2173 : vector<16xi32>
    %select_n3A_2175 = arith.select %eq3A_2174, %gather3A_2171, %select_n3A_2155 : vector<16xi1>, vector<16xf32>
    %slice3A_2176 = vector.extract_strided_slice %get3A_1973 {offsets = [10], sizes = [1], strides = [1]} : vector<16xi32> to vector<1xi32>
    %squeeze3A_2177 = vector.extract %slice3A_2176[0] : i32 from vector<1xi32>
    %shift_right_arithmetic3A_2178 = arith.constant 4 : i32
    %shift_right_arithmetic3A_2179 = arith.shrsi %squeeze3A_2177, %shift_right_arithmetic3A_2178 : i32
    %mul3A_2180 = arith.constant 16 : i32
    %mul3A_2181 = arith.muli %shift_right_arithmetic3A_2179, %mul3A_2180 : i32
    %get3A_2182 = arith.constant 106 : i32
    %get3A_2183 = arith.index_cast %get3A_2182 : i32 to index
    %get3A_2184 = arith.index_cast %mul3A_2181 : i32 to index
    %get3A_2185 = tpu.vector_load %arg8[%get3A_2183, %get3A_2184] {strides = array<i32>} : memref<128x128xf32, #tpu.memory_space<vmem>>, vector<1x16xf32>,
    %get3A_2186 = vector.shape_cast %get3A_2185 : vector<1x16xf32> to vector<16xf32>
    %and3A_2187 = arith.constant 15 : i32
    %and3A_2188 = arith.andi %squeeze3A_2177, %and3A_2187 : i32
    %broadcast_in_dim3A_2189 = vector.broadcast %and3A_2188 : i32 to vector<16x1xi32>
    %gather3A_2190 = vector.shape_cast %broadcast_in_dim3A_2189 : vector<16x1xi32> to vector<16xi32>
    %gather3A_2191 = tpu.dynamic_gather %get3A_2186[%gather3A_2190] in [0] : vector<16xf32>, vector<16xi32> -> vector<16xf32>
    %eq3A_2192 = arith.constant 10 : i32
    %eq3A_2193 = vector.broadcast %eq3A_2192 : i32 to vector<16xi32>
    %eq3A_2194 = arith.cmpi eq, %iota3A, %eq3A_2193 : vector<16xi32>
    %select_n3A_2195 = arith.select %eq3A_2194, %gather3A_2191, %select_n3A_2175 : vector<16xi1>, vector<16xf32>
    %slice3A_2196 = vector.extract_strided_slice %get3A_1973 {offsets = [11], sizes = [1], strides = [1]} : vector<16xi32> to vector<1xi32>
    %squeeze3A_2197 = vector.extract %slice3A_2196[0] : i32 from vector<1xi32>
    %shift_right_arithmetic3A_2198 = arith.constant 4 : i32
    %shift_right_arithmetic3A_2199 = arith.shrsi %squeeze3A_2197, %shift_right_arithmetic3A_2198 : i32
    %mul3A_2200 = arith.constant 16 : i32
    %mul3A_2201 = arith.muli %shift_right_arithmetic3A_2199, %mul3A_2200 : i32
    %get3A_2202 = arith.constant 107 : i32
    %get3A_2203 = arith.index_cast %get3A_2202 : i32 to index
    %get3A_2204 = arith.index_cast %mul3A_2201 : i32 to index
    %get3A_2205 = tpu.vector_load %arg8[%get3A_2203, %get3A_2204] {strides = array<i32>} : memref<128x128xf32, #tpu.memory_space<vmem>>, vector<1x16xf32>,
    %get3A_2206 = vector.shape_cast %get3A_2205 : vector<1x16xf32> to vector<16xf32>
    %and3A_2207 = arith.constant 15 : i32
    %and3A_2208 = arith.andi %squeeze3A_2197, %and3A_2207 : i32
    %broadcast_in_dim3A_2209 = vector.broadcast %and3A_2208 : i32 to vector<16x1xi32>
    %gather3A_2210 = vector.shape_cast %broadcast_in_dim3A_2209 : vector<16x1xi32> to vector<16xi32>
    %gather3A_2211 = tpu.dynamic_gather %get3A_2206[%gather3A_2210] in [0] : vector<16xf32>, vector<16xi32> -> vector<16xf32>
    %eq3A_2212 = arith.constant 11 : i32
    %eq3A_2213 = vector.broadcast %eq3A_2212 : i32 to vector<16xi32>
    %eq3A_2214 = arith.cmpi eq, %iota3A, %eq3A_2213 : vector<16xi32>
    %select_n3A_2215 = arith.select %eq3A_2214, %gather3A_2211, %select_n3A_2195 : vector<16xi1>, vector<16xf32>
    %slice3A_2216 = vector.extract_strided_slice %get3A_1973 {offsets = [12], sizes = [1], strides = [1]} : vector<16xi32> to vector<1xi32>
    %squeeze3A_2217 = vector.extract %slice3A_2216[0] : i32 from vector<1xi32>
    %shift_right_arithmetic3A_2218 = arith.constant 4 : i32
    %shift_right_arithmetic3A_2219 = arith.shrsi %squeeze3A_2217, %shift_right_arithmetic3A_2218 : i32
    %mul3A_2220 = arith.constant 16 : i32
    %mul3A_2221 = arith.muli %shift_right_arithmetic3A_2219, %mul3A_2220 : i32
    %get3A_2222 = arith.constant 108 : i32
    %get3A_2223 = arith.index_cast %get3A_2222 : i32 to index
    %get3A_2224 = arith.index_cast %mul3A_2221 : i32 to index
    %get3A_2225 = tpu.vector_load %arg8[%get3A_2223, %get3A_2224] {strides = array<i32>} : memref<128x128xf32, #tpu.memory_space<vmem>>, vector<1x16xf32>,
    %get3A_2226 = vector.shape_cast %get3A_2225 : vector<1x16xf32> to vector<16xf32>
    %and3A_2227 = arith.constant 15 : i32
    %and3A_2228 = arith.andi %squeeze3A_2217, %and3A_2227 : i32
    %broadcast_in_dim3A_2229 = vector.broadcast %and3A_2228 : i32 to vector<16x1xi32>
    %gather3A_2230 = vector.shape_cast %broadcast_in_dim3A_2229 : vector<16x1xi32> to vector<16xi32>
    %gather3A_2231 = tpu.dynamic_gather %get3A_2226[%gather3A_2230] in [0] : vector<16xf32>, vector<16xi32> -> vector<16xf32>
    %eq3A_2232 = arith.constant 12 : i32
    %eq3A_2233 = vector.broadcast %eq3A_2232 : i32 to vector<16xi32>
    %eq3A_2234 = arith.cmpi eq, %iota3A, %eq3A_2233 : vector<16xi32>
    %select_n3A_2235 = arith.select %eq3A_2234, %gather3A_2231, %select_n3A_2215 : vector<16xi1>, vector<16xf32>
    %slice3A_2236 = vector.extract_strided_slice %get3A_1973 {offsets = [13], sizes = [1], strides = [1]} : vector<16xi32> to vector<1xi32>
    %squeeze3A_2237 = vector.extract %slice3A_2236[0] : i32 from vector<1xi32>
    %shift_right_arithmetic3A_2238 = arith.constant 4 : i32
    %shift_right_arithmetic3A_2239 = arith.shrsi %squeeze3A_2237, %shift_right_arithmetic3A_2238 : i32
    %mul3A_2240 = arith.constant 16 : i32
    %mul3A_2241 = arith.muli %shift_right_arithmetic3A_2239, %mul3A_2240 : i32
    %get3A_2242 = arith.constant 109 : i32
    %get3A_2243 = arith.index_cast %get3A_2242 : i32 to index
    %get3A_2244 = arith.index_cast %mul3A_2241 : i32 to index
    %get3A_2245 = tpu.vector_load %arg8[%get3A_2243, %get3A_2244] {strides = array<i32>} : memref<128x128xf32, #tpu.memory_space<vmem>>, vector<1x16xf32>,
    %get3A_2246 = vector.shape_cast %get3A_2245 : vector<1x16xf32> to vector<16xf32>
    %and3A_2247 = arith.constant 15 : i32
    %and3A_2248 = arith.andi %squeeze3A_2237, %and3A_2247 : i32
    %broadcast_in_dim3A_2249 = vector.broadcast %and3A_2248 : i32 to vector<16x1xi32>
    %gather3A_2250 = vector.shape_cast %broadcast_in_dim3A_2249 : vector<16x1xi32> to vector<16xi32>
    %gather3A_2251 = tpu.dynamic_gather %get3A_2246[%gather3A_2250] in [0] : vector<16xf32>, vector<16xi32> -> vector<16xf32>
    %eq3A_2252 = arith.constant 13 : i32
    %eq3A_2253 = vector.broadcast %eq3A_2252 : i32 to vector<16xi32>
    %eq3A_2254 = arith.cmpi eq, %iota3A, %eq3A_2253 : vector<16xi32>
    %select_n3A_2255 = arith.select %eq3A_2254, %gather3A_2251, %select_n3A_2235 : vector<16xi1>, vector<16xf32>
    %slice3A_2256 = vector.extract_strided_slice %get3A_1973 {offsets = [14], sizes = [1], strides = [1]} : vector<16xi32> to vector<1xi32>
    %squeeze3A_2257 = vector.extract %slice3A_2256[0] : i32 from vector<1xi32>
    %shift_right_arithmetic3A_2258 = arith.constant 4 : i32
    %shift_right_arithmetic3A_2259 = arith.shrsi %squeeze3A_2257, %shift_right_arithmetic3A_2258 : i32
    %mul3A_2260 = arith.constant 16 : i32
    %mul3A_2261 = arith.muli %shift_right_arithmetic3A_2259, %mul3A_2260 : i32
    %get3A_2262 = arith.constant 110 : i32
    %get3A_2263 = arith.index_cast %get3A_2262 : i32 to index
    %get3A_2264 = arith.index_cast %mul3A_2261 : i32 to index
    %get3A_2265 = tpu.vector_load %arg8[%get3A_2263, %get3A_2264] {strides = array<i32>} : memref<128x128xf32, #tpu.memory_space<vmem>>, vector<1x16xf32>,
    %get3A_2266 = vector.shape_cast %get3A_2265 : vector<1x16xf32> to vector<16xf32>
    %and3A_2267 = arith.constant 15 : i32
    %and3A_2268 = arith.andi %squeeze3A_2257, %and3A_2267 : i32
    %broadcast_in_dim3A_2269 = vector.broadcast %and3A_2268 : i32 to vector<16x1xi32>
    %gather3A_2270 = vector.shape_cast %broadcast_in_dim3A_2269 : vector<16x1xi32> to vector<16xi32>
    %gather3A_2271 = tpu.dynamic_gather %get3A_2266[%gather3A_2270] in [0] : vector<16xf32>, vector<16xi32> -> vector<16xf32>
    %eq3A_2272 = arith.constant 14 : i32
    %eq3A_2273 = vector.broadcast %eq3A_2272 : i32 to vector<16xi32>
    %eq3A_2274 = arith.cmpi eq, %iota3A, %eq3A_2273 : vector<16xi32>
    %select_n3A_2275 = arith.select %eq3A_2274, %gather3A_2271, %select_n3A_2255 : vector<16xi1>, vector<16xf32>
    %slice3A_2276 = vector.extract_strided_slice %get3A_1973 {offsets = [15], sizes = [1], strides = [1]} : vector<16xi32> to vector<1xi32>
    %squeeze3A_2277 = vector.extract %slice3A_2276[0] : i32 from vector<1xi32>
    %shift_right_arithmetic3A_2278 = arith.constant 4 : i32
    %shift_right_arithmetic3A_2279 = arith.shrsi %squeeze3A_2277, %shift_right_arithmetic3A_2278 : i32
    %mul3A_2280 = arith.constant 16 : i32
    %mul3A_2281 = arith.muli %shift_right_arithmetic3A_2279, %mul3A_2280 : i32
    %get3A_2282 = arith.constant 111 : i32
    %get3A_2283 = arith.index_cast %get3A_2282 : i32 to index
    %get3A_2284 = arith.index_cast %mul3A_2281 : i32 to index
    %get3A_2285 = tpu.vector_load %arg8[%get3A_2283, %get3A_2284] {strides = array<i32>} : memref<128x128xf32, #tpu.memory_space<vmem>>, vector<1x16xf32>,
    %get3A_2286 = vector.shape_cast %get3A_2285 : vector<1x16xf32> to vector<16xf32>
    %and3A_2287 = arith.constant 15 : i32
    %and3A_2288 = arith.andi %squeeze3A_2277, %and3A_2287 : i32
    %broadcast_in_dim3A_2289 = vector.broadcast %and3A_2288 : i32 to vector<16x1xi32>
    %gather3A_2290 = vector.shape_cast %broadcast_in_dim3A_2289 : vector<16x1xi32> to vector<16xi32>
    %gather3A_2291 = tpu.dynamic_gather %get3A_2286[%gather3A_2290] in [0] : vector<16xf32>, vector<16xi32> -> vector<16xf32>
    %eq3A_2292 = arith.constant 15 : i32
    %eq3A_2293 = vector.broadcast %eq3A_2292 : i32 to vector<16xi32>
    %eq3A_2294 = arith.cmpi eq, %iota3A, %eq3A_2293 : vector<16xi32>
    %select_n3A_2295 = arith.select %eq3A_2294, %gather3A_2291, %select_n3A_2275 : vector<16xi1>, vector<16xf32>
    %swap3A_2296 = arith.constant 96 : index
    %swap3A_2297 = tpu.vector_load %arg9[%swap3A_2296] {strides = array<i32>} : memref<128xf32, #tpu.memory_space<vmem>>, vector<16xf32>,
    %swap3A_2298 = vector.shape_cast %swap3A_2297 : vector<16xf32> to vector<16xf32>
    %swap3A_2299 = vector.shape_cast %select_n3A_2295 : vector<16xf32> to vector<16xf32>
    tpu.vector_store %arg9[%swap3A_2296], %swap3A_2299 {strides = array<i32>} : memref<128xf32, #tpu.memory_space<vmem>>, vector<16xf32>,
    %get3A_2300 = arith.constant 112 : index
    %get3A_2301 = tpu.vector_load %arg7[%get3A_2300] {strides = array<i32>} : memref<128xi32, #tpu.memory_space<vmem>>, vector<16xi32>,
    %get3A_2302 = vector.shape_cast %get3A_2301 : vector<16xi32> to vector<16xi32>
    %broadcast_in_dim3A_2303 = arith.constant 0.000000e+00 : f32
    %broadcast_in_dim3A_2304 = vector.broadcast %broadcast_in_dim3A_2303 : f32 to vector<16xf32>
    %slice3A_2305 = vector.extract_strided_slice %get3A_2302 {offsets = [0], sizes = [1], strides = [1]} : vector<16xi32> to vector<1xi32>
    %squeeze3A_2306 = vector.extract %slice3A_2305[0] : i32 from vector<1xi32>
    %shift_right_arithmetic3A_2307 = arith.constant 4 : i32
    %shift_right_arithmetic3A_2308 = arith.shrsi %squeeze3A_2306, %shift_right_arithmetic3A_2307 : i32
    %mul3A_2309 = arith.constant 16 : i32
    %mul3A_2310 = arith.muli %shift_right_arithmetic3A_2308, %mul3A_2309 : i32
    %get3A_2311 = arith.constant 112 : i32
    %get3A_2312 = arith.index_cast %get3A_2311 : i32 to index
    %get3A_2313 = arith.index_cast %mul3A_2310 : i32 to index
    %get3A_2314 = tpu.vector_load %arg8[%get3A_2312, %get3A_2313] {strides = array<i32>} : memref<128x128xf32, #tpu.memory_space<vmem>>, vector<1x16xf32>,
    %get3A_2315 = vector.shape_cast %get3A_2314 : vector<1x16xf32> to vector<16xf32>
    %and3A_2316 = arith.constant 15 : i32
    %and3A_2317 = arith.andi %squeeze3A_2306, %and3A_2316 : i32
    %broadcast_in_dim3A_2318 = vector.broadcast %and3A_2317 : i32 to vector<16x1xi32>
    %gather3A_2319 = vector.shape_cast %broadcast_in_dim3A_2318 : vector<16x1xi32> to vector<16xi32>
    %gather3A_2320 = tpu.dynamic_gather %get3A_2315[%gather3A_2319] in [0] : vector<16xf32>, vector<16xi32> -> vector<16xf32>
    %eq3A_2321 = arith.constant 0 : i32
    %eq3A_2322 = vector.broadcast %eq3A_2321 : i32 to vector<16xi32>
    %eq3A_2323 = arith.cmpi eq, %iota3A, %eq3A_2322 : vector<16xi32>
    %select_n3A_2324 = arith.select %eq3A_2323, %gather3A_2320, %broadcast_in_dim3A_2304 : vector<16xi1>, vector<16xf32>
    %slice3A_2325 = vector.extract_strided_slice %get3A_2302 {offsets = [1], sizes = [1], strides = [1]} : vector<16xi32> to vector<1xi32>
    %squeeze3A_2326 = vector.extract %slice3A_2325[0] : i32 from vector<1xi32>
    %shift_right_arithmetic3A_2327 = arith.constant 4 : i32
    %shift_right_arithmetic3A_2328 = arith.shrsi %squeeze3A_2326, %shift_right_arithmetic3A_2327 : i32
    %mul3A_2329 = arith.constant 16 : i32
    %mul3A_2330 = arith.muli %shift_right_arithmetic3A_2328, %mul3A_2329 : i32
    %get3A_2331 = arith.constant 113 : i32
    %get3A_2332 = arith.index_cast %get3A_2331 : i32 to index
    %get3A_2333 = arith.index_cast %mul3A_2330 : i32 to index
    %get3A_2334 = tpu.vector_load %arg8[%get3A_2332, %get3A_2333] {strides = array<i32>} : memref<128x128xf32, #tpu.memory_space<vmem>>, vector<1x16xf32>,
    %get3A_2335 = vector.shape_cast %get3A_2334 : vector<1x16xf32> to vector<16xf32>
    %and3A_2336 = arith.constant 15 : i32
    %and3A_2337 = arith.andi %squeeze3A_2326, %and3A_2336 : i32
    %broadcast_in_dim3A_2338 = vector.broadcast %and3A_2337 : i32 to vector<16x1xi32>
    %gather3A_2339 = vector.shape_cast %broadcast_in_dim3A_2338 : vector<16x1xi32> to vector<16xi32>
    %gather3A_2340 = tpu.dynamic_gather %get3A_2335[%gather3A_2339] in [0] : vector<16xf32>, vector<16xi32> -> vector<16xf32>
    %eq3A_2341 = arith.constant 1 : i32
    %eq3A_2342 = vector.broadcast %eq3A_2341 : i32 to vector<16xi32>
    %eq3A_2343 = arith.cmpi eq, %iota3A, %eq3A_2342 : vector<16xi32>
    %select_n3A_2344 = arith.select %eq3A_2343, %gather3A_2340, %select_n3A_2324 : vector<16xi1>, vector<16xf32>
    %slice3A_2345 = vector.extract_strided_slice %get3A_2302 {offsets = [2], sizes = [1], strides = [1]} : vector<16xi32> to vector<1xi32>
    %squeeze3A_2346 = vector.extract %slice3A_2345[0] : i32 from vector<1xi32>
    %shift_right_arithmetic3A_2347 = arith.constant 4 : i32
    %shift_right_arithmetic3A_2348 = arith.shrsi %squeeze3A_2346, %shift_right_arithmetic3A_2347 : i32
    %mul3A_2349 = arith.constant 16 : i32
    %mul3A_2350 = arith.muli %shift_right_arithmetic3A_2348, %mul3A_2349 : i32
    %get3A_2351 = arith.constant 114 : i32
    %get3A_2352 = arith.index_cast %get3A_2351 : i32 to index
    %get3A_2353 = arith.index_cast %mul3A_2350 : i32 to index
    %get3A_2354 = tpu.vector_load %arg8[%get3A_2352, %get3A_2353] {strides = array<i32>} : memref<128x128xf32, #tpu.memory_space<vmem>>, vector<1x16xf32>,
    %get3A_2355 = vector.shape_cast %get3A_2354 : vector<1x16xf32> to vector<16xf32>
    %and3A_2356 = arith.constant 15 : i32
    %and3A_2357 = arith.andi %squeeze3A_2346, %and3A_2356 : i32
    %broadcast_in_dim3A_2358 = vector.broadcast %and3A_2357 : i32 to vector<16x1xi32>
    %gather3A_2359 = vector.shape_cast %broadcast_in_dim3A_2358 : vector<16x1xi32> to vector<16xi32>
    %gather3A_2360 = tpu.dynamic_gather %get3A_2355[%gather3A_2359] in [0] : vector<16xf32>, vector<16xi32> -> vector<16xf32>
    %eq3A_2361 = arith.constant 2 : i32
    %eq3A_2362 = vector.broadcast %eq3A_2361 : i32 to vector<16xi32>
    %eq3A_2363 = arith.cmpi eq, %iota3A, %eq3A_2362 : vector<16xi32>
    %select_n3A_2364 = arith.select %eq3A_2363, %gather3A_2360, %select_n3A_2344 : vector<16xi1>, vector<16xf32>
    %slice3A_2365 = vector.extract_strided_slice %get3A_2302 {offsets = [3], sizes = [1], strides = [1]} : vector<16xi32> to vector<1xi32>
    %squeeze3A_2366 = vector.extract %slice3A_2365[0] : i32 from vector<1xi32>
    %shift_right_arithmetic3A_2367 = arith.constant 4 : i32
    %shift_right_arithmetic3A_2368 = arith.shrsi %squeeze3A_2366, %shift_right_arithmetic3A_2367 : i32
    %mul3A_2369 = arith.constant 16 : i32
    %mul3A_2370 = arith.muli %shift_right_arithmetic3A_2368, %mul3A_2369 : i32
    %get3A_2371 = arith.constant 115 : i32
    %get3A_2372 = arith.index_cast %get3A_2371 : i32 to index
    %get3A_2373 = arith.index_cast %mul3A_2370 : i32 to index
    %get3A_2374 = tpu.vector_load %arg8[%get3A_2372, %get3A_2373] {strides = array<i32>} : memref<128x128xf32, #tpu.memory_space<vmem>>, vector<1x16xf32>,
    %get3A_2375 = vector.shape_cast %get3A_2374 : vector<1x16xf32> to vector<16xf32>
    %and3A_2376 = arith.constant 15 : i32
    %and3A_2377 = arith.andi %squeeze3A_2366, %and3A_2376 : i32
    %broadcast_in_dim3A_2378 = vector.broadcast %and3A_2377 : i32 to vector<16x1xi32>
    %gather3A_2379 = vector.shape_cast %broadcast_in_dim3A_2378 : vector<16x1xi32> to vector<16xi32>
    %gather3A_2380 = tpu.dynamic_gather %get3A_2375[%gather3A_2379] in [0] : vector<16xf32>, vector<16xi32> -> vector<16xf32>
    %eq3A_2381 = arith.constant 3 : i32
    %eq3A_2382 = vector.broadcast %eq3A_2381 : i32 to vector<16xi32>
    %eq3A_2383 = arith.cmpi eq, %iota3A, %eq3A_2382 : vector<16xi32>
    %select_n3A_2384 = arith.select %eq3A_2383, %gather3A_2380, %select_n3A_2364 : vector<16xi1>, vector<16xf32>
    %slice3A_2385 = vector.extract_strided_slice %get3A_2302 {offsets = [4], sizes = [1], strides = [1]} : vector<16xi32> to vector<1xi32>
    %squeeze3A_2386 = vector.extract %slice3A_2385[0] : i32 from vector<1xi32>
    %shift_right_arithmetic3A_2387 = arith.constant 4 : i32
    %shift_right_arithmetic3A_2388 = arith.shrsi %squeeze3A_2386, %shift_right_arithmetic3A_2387 : i32
    %mul3A_2389 = arith.constant 16 : i32
    %mul3A_2390 = arith.muli %shift_right_arithmetic3A_2388, %mul3A_2389 : i32
    %get3A_2391 = arith.constant 116 : i32
    %get3A_2392 = arith.index_cast %get3A_2391 : i32 to index
    %get3A_2393 = arith.index_cast %mul3A_2390 : i32 to index
    %get3A_2394 = tpu.vector_load %arg8[%get3A_2392, %get3A_2393] {strides = array<i32>} : memref<128x128xf32, #tpu.memory_space<vmem>>, vector<1x16xf32>,
    %get3A_2395 = vector.shape_cast %get3A_2394 : vector<1x16xf32> to vector<16xf32>
    %and3A_2396 = arith.constant 15 : i32
    %and3A_2397 = arith.andi %squeeze3A_2386, %and3A_2396 : i32
    %broadcast_in_dim3A_2398 = vector.broadcast %and3A_2397 : i32 to vector<16x1xi32>
    %gather3A_2399 = vector.shape_cast %broadcast_in_dim3A_2398 : vector<16x1xi32> to vector<16xi32>
    %gather3A_2400 = tpu.dynamic_gather %get3A_2395[%gather3A_2399] in [0] : vector<16xf32>, vector<16xi32> -> vector<16xf32>
    %eq3A_2401 = arith.constant 4 : i32
    %eq3A_2402 = vector.broadcast %eq3A_2401 : i32 to vector<16xi32>
    %eq3A_2403 = arith.cmpi eq, %iota3A, %eq3A_2402 : vector<16xi32>
    %select_n3A_2404 = arith.select %eq3A_2403, %gather3A_2400, %select_n3A_2384 : vector<16xi1>, vector<16xf32>
    %slice3A_2405 = vector.extract_strided_slice %get3A_2302 {offsets = [5], sizes = [1], strides = [1]} : vector<16xi32> to vector<1xi32>
    %squeeze3A_2406 = vector.extract %slice3A_2405[0] : i32 from vector<1xi32>
    %shift_right_arithmetic3A_2407 = arith.constant 4 : i32
    %shift_right_arithmetic3A_2408 = arith.shrsi %squeeze3A_2406, %shift_right_arithmetic3A_2407 : i32
    %mul3A_2409 = arith.constant 16 : i32
    %mul3A_2410 = arith.muli %shift_right_arithmetic3A_2408, %mul3A_2409 : i32
    %get3A_2411 = arith.constant 117 : i32
    %get3A_2412 = arith.index_cast %get3A_2411 : i32 to index
    %get3A_2413 = arith.index_cast %mul3A_2410 : i32 to index
    %get3A_2414 = tpu.vector_load %arg8[%get3A_2412, %get3A_2413] {strides = array<i32>} : memref<128x128xf32, #tpu.memory_space<vmem>>, vector<1x16xf32>,
    %get3A_2415 = vector.shape_cast %get3A_2414 : vector<1x16xf32> to vector<16xf32>
    %and3A_2416 = arith.constant 15 : i32
    %and3A_2417 = arith.andi %squeeze3A_2406, %and3A_2416 : i32
    %broadcast_in_dim3A_2418 = vector.broadcast %and3A_2417 : i32 to vector<16x1xi32>
    %gather3A_2419 = vector.shape_cast %broadcast_in_dim3A_2418 : vector<16x1xi32> to vector<16xi32>
    %gather3A_2420 = tpu.dynamic_gather %get3A_2415[%gather3A_2419] in [0] : vector<16xf32>, vector<16xi32> -> vector<16xf32>
    %eq3A_2421 = arith.constant 5 : i32
    %eq3A_2422 = vector.broadcast %eq3A_2421 : i32 to vector<16xi32>
    %eq3A_2423 = arith.cmpi eq, %iota3A, %eq3A_2422 : vector<16xi32>
    %select_n3A_2424 = arith.select %eq3A_2423, %gather3A_2420, %select_n3A_2404 : vector<16xi1>, vector<16xf32>
    %slice3A_2425 = vector.extract_strided_slice %get3A_2302 {offsets = [6], sizes = [1], strides = [1]} : vector<16xi32> to vector<1xi32>
    %squeeze3A_2426 = vector.extract %slice3A_2425[0] : i32 from vector<1xi32>
    %shift_right_arithmetic3A_2427 = arith.constant 4 : i32
    %shift_right_arithmetic3A_2428 = arith.shrsi %squeeze3A_2426, %shift_right_arithmetic3A_2427 : i32
    %mul3A_2429 = arith.constant 16 : i32
    %mul3A_2430 = arith.muli %shift_right_arithmetic3A_2428, %mul3A_2429 : i32
    %get3A_2431 = arith.constant 118 : i32
    %get3A_2432 = arith.index_cast %get3A_2431 : i32 to index
    %get3A_2433 = arith.index_cast %mul3A_2430 : i32 to index
    %get3A_2434 = tpu.vector_load %arg8[%get3A_2432, %get3A_2433] {strides = array<i32>} : memref<128x128xf32, #tpu.memory_space<vmem>>, vector<1x16xf32>,
    %get3A_2435 = vector.shape_cast %get3A_2434 : vector<1x16xf32> to vector<16xf32>
    %and3A_2436 = arith.constant 15 : i32
    %and3A_2437 = arith.andi %squeeze3A_2426, %and3A_2436 : i32
    %broadcast_in_dim3A_2438 = vector.broadcast %and3A_2437 : i32 to vector<16x1xi32>
    %gather3A_2439 = vector.shape_cast %broadcast_in_dim3A_2438 : vector<16x1xi32> to vector<16xi32>
    %gather3A_2440 = tpu.dynamic_gather %get3A_2435[%gather3A_2439] in [0] : vector<16xf32>, vector<16xi32> -> vector<16xf32>
    %eq3A_2441 = arith.constant 6 : i32
    %eq3A_2442 = vector.broadcast %eq3A_2441 : i32 to vector<16xi32>
    %eq3A_2443 = arith.cmpi eq, %iota3A, %eq3A_2442 : vector<16xi32>
    %select_n3A_2444 = arith.select %eq3A_2443, %gather3A_2440, %select_n3A_2424 : vector<16xi1>, vector<16xf32>
    %slice3A_2445 = vector.extract_strided_slice %get3A_2302 {offsets = [7], sizes = [1], strides = [1]} : vector<16xi32> to vector<1xi32>
    %squeeze3A_2446 = vector.extract %slice3A_2445[0] : i32 from vector<1xi32>
    %shift_right_arithmetic3A_2447 = arith.constant 4 : i32
    %shift_right_arithmetic3A_2448 = arith.shrsi %squeeze3A_2446, %shift_right_arithmetic3A_2447 : i32
    %mul3A_2449 = arith.constant 16 : i32
    %mul3A_2450 = arith.muli %shift_right_arithmetic3A_2448, %mul3A_2449 : i32
    %get3A_2451 = arith.constant 119 : i32
    %get3A_2452 = arith.index_cast %get3A_2451 : i32 to index
    %get3A_2453 = arith.index_cast %mul3A_2450 : i32 to index
    %get3A_2454 = tpu.vector_load %arg8[%get3A_2452, %get3A_2453] {strides = array<i32>} : memref<128x128xf32, #tpu.memory_space<vmem>>, vector<1x16xf32>,
    %get3A_2455 = vector.shape_cast %get3A_2454 : vector<1x16xf32> to vector<16xf32>
    %and3A_2456 = arith.constant 15 : i32
    %and3A_2457 = arith.andi %squeeze3A_2446, %and3A_2456 : i32
    %broadcast_in_dim3A_2458 = vector.broadcast %and3A_2457 : i32 to vector<16x1xi32>
    %gather3A_2459 = vector.shape_cast %broadcast_in_dim3A_2458 : vector<16x1xi32> to vector<16xi32>
    %gather3A_2460 = tpu.dynamic_gather %get3A_2455[%gather3A_2459] in [0] : vector<16xf32>, vector<16xi32> -> vector<16xf32>
    %eq3A_2461 = arith.constant 7 : i32
    %eq3A_2462 = vector.broadcast %eq3A_2461 : i32 to vector<16xi32>
    %eq3A_2463 = arith.cmpi eq, %iota3A, %eq3A_2462 : vector<16xi32>
    %select_n3A_2464 = arith.select %eq3A_2463, %gather3A_2460, %select_n3A_2444 : vector<16xi1>, vector<16xf32>
    %slice3A_2465 = vector.extract_strided_slice %get3A_2302 {offsets = [8], sizes = [1], strides = [1]} : vector<16xi32> to vector<1xi32>
    %squeeze3A_2466 = vector.extract %slice3A_2465[0] : i32 from vector<1xi32>
    %shift_right_arithmetic3A_2467 = arith.constant 4 : i32
    %shift_right_arithmetic3A_2468 = arith.shrsi %squeeze3A_2466, %shift_right_arithmetic3A_2467 : i32
    %mul3A_2469 = arith.constant 16 : i32
    %mul3A_2470 = arith.muli %shift_right_arithmetic3A_2468, %mul3A_2469 : i32
    %get3A_2471 = arith.constant 120 : i32
    %get3A_2472 = arith.index_cast %get3A_2471 : i32 to index
    %get3A_2473 = arith.index_cast %mul3A_2470 : i32 to index
    %get3A_2474 = tpu.vector_load %arg8[%get3A_2472, %get3A_2473] {strides = array<i32>} : memref<128x128xf32, #tpu.memory_space<vmem>>, vector<1x16xf32>,
    %get3A_2475 = vector.shape_cast %get3A_2474 : vector<1x16xf32> to vector<16xf32>
    %and3A_2476 = arith.constant 15 : i32
    %and3A_2477 = arith.andi %squeeze3A_2466, %and3A_2476 : i32
    %broadcast_in_dim3A_2478 = vector.broadcast %and3A_2477 : i32 to vector<16x1xi32>
    %gather3A_2479 = vector.shape_cast %broadcast_in_dim3A_2478 : vector<16x1xi32> to vector<16xi32>
    %gather3A_2480 = tpu.dynamic_gather %get3A_2475[%gather3A_2479] in [0] : vector<16xf32>, vector<16xi32> -> vector<16xf32>
    %eq3A_2481 = arith.constant 8 : i32
    %eq3A_2482 = vector.broadcast %eq3A_2481 : i32 to vector<16xi32>
    %eq3A_2483 = arith.cmpi eq, %iota3A, %eq3A_2482 : vector<16xi32>
    %select_n3A_2484 = arith.select %eq3A_2483, %gather3A_2480, %select_n3A_2464 : vector<16xi1>, vector<16xf32>
    %slice3A_2485 = vector.extract_strided_slice %get3A_2302 {offsets = [9], sizes = [1], strides = [1]} : vector<16xi32> to vector<1xi32>
    %squeeze3A_2486 = vector.extract %slice3A_2485[0] : i32 from vector<1xi32>
    %shift_right_arithmetic3A_2487 = arith.constant 4 : i32
    %shift_right_arithmetic3A_2488 = arith.shrsi %squeeze3A_2486, %shift_right_arithmetic3A_2487 : i32
    %mul3A_2489 = arith.constant 16 : i32
    %mul3A_2490 = arith.muli %shift_right_arithmetic3A_2488, %mul3A_2489 : i32
    %get3A_2491 = arith.constant 121 : i32
    %get3A_2492 = arith.index_cast %get3A_2491 : i32 to index
    %get3A_2493 = arith.index_cast %mul3A_2490 : i32 to index
    %get3A_2494 = tpu.vector_load %arg8[%get3A_2492, %get3A_2493] {strides = array<i32>} : memref<128x128xf32, #tpu.memory_space<vmem>>, vector<1x16xf32>,
    %get3A_2495 = vector.shape_cast %get3A_2494 : vector<1x16xf32> to vector<16xf32>
    %and3A_2496 = arith.constant 15 : i32
    %and3A_2497 = arith.andi %squeeze3A_2486, %and3A_2496 : i32
    %broadcast_in_dim3A_2498 = vector.broadcast %and3A_2497 : i32 to vector<16x1xi32>
    %gather3A_2499 = vector.shape_cast %broadcast_in_dim3A_2498 : vector<16x1xi32> to vector<16xi32>
    %gather3A_2500 = tpu.dynamic_gather %get3A_2495[%gather3A_2499] in [0] : vector<16xf32>, vector<16xi32> -> vector<16xf32>
    %eq3A_2501 = arith.constant 9 : i32
    %eq3A_2502 = vector.broadcast %eq3A_2501 : i32 to vector<16xi32>
    %eq3A_2503 = arith.cmpi eq, %iota3A, %eq3A_2502 : vector<16xi32>
    %select_n3A_2504 = arith.select %eq3A_2503, %gather3A_2500, %select_n3A_2484 : vector<16xi1>, vector<16xf32>
    %slice3A_2505 = vector.extract_strided_slice %get3A_2302 {offsets = [10], sizes = [1], strides = [1]} : vector<16xi32> to vector<1xi32>
    %squeeze3A_2506 = vector.extract %slice3A_2505[0] : i32 from vector<1xi32>
    %shift_right_arithmetic3A_2507 = arith.constant 4 : i32
    %shift_right_arithmetic3A_2508 = arith.shrsi %squeeze3A_2506, %shift_right_arithmetic3A_2507 : i32
    %mul3A_2509 = arith.constant 16 : i32
    %mul3A_2510 = arith.muli %shift_right_arithmetic3A_2508, %mul3A_2509 : i32
    %get3A_2511 = arith.constant 122 : i32
    %get3A_2512 = arith.index_cast %get3A_2511 : i32 to index
    %get3A_2513 = arith.index_cast %mul3A_2510 : i32 to index
    %get3A_2514 = tpu.vector_load %arg8[%get3A_2512, %get3A_2513] {strides = array<i32>} : memref<128x128xf32, #tpu.memory_space<vmem>>, vector<1x16xf32>,
    %get3A_2515 = vector.shape_cast %get3A_2514 : vector<1x16xf32> to vector<16xf32>
    %and3A_2516 = arith.constant 15 : i32
    %and3A_2517 = arith.andi %squeeze3A_2506, %and3A_2516 : i32
    %broadcast_in_dim3A_2518 = vector.broadcast %and3A_2517 : i32 to vector<16x1xi32>
    %gather3A_2519 = vector.shape_cast %broadcast_in_dim3A_2518 : vector<16x1xi32> to vector<16xi32>
    %gather3A_2520 = tpu.dynamic_gather %get3A_2515[%gather3A_2519] in [0] : vector<16xf32>, vector<16xi32> -> vector<16xf32>
    %eq3A_2521 = arith.constant 10 : i32
    %eq3A_2522 = vector.broadcast %eq3A_2521 : i32 to vector<16xi32>
    %eq3A_2523 = arith.cmpi eq, %iota3A, %eq3A_2522 : vector<16xi32>
    %select_n3A_2524 = arith.select %eq3A_2523, %gather3A_2520, %select_n3A_2504 : vector<16xi1>, vector<16xf32>
    %slice3A_2525 = vector.extract_strided_slice %get3A_2302 {offsets = [11], sizes = [1], strides = [1]} : vector<16xi32> to vector<1xi32>
    %squeeze3A_2526 = vector.extract %slice3A_2525[0] : i32 from vector<1xi32>
    %shift_right_arithmetic3A_2527 = arith.constant 4 : i32
    %shift_right_arithmetic3A_2528 = arith.shrsi %squeeze3A_2526, %shift_right_arithmetic3A_2527 : i32
    %mul3A_2529 = arith.constant 16 : i32
    %mul3A_2530 = arith.muli %shift_right_arithmetic3A_2528, %mul3A_2529 : i32
    %get3A_2531 = arith.constant 123 : i32
    %get3A_2532 = arith.index_cast %get3A_2531 : i32 to index
    %get3A_2533 = arith.index_cast %mul3A_2530 : i32 to index
    %get3A_2534 = tpu.vector_load %arg8[%get3A_2532, %get3A_2533] {strides = array<i32>} : memref<128x128xf32, #tpu.memory_space<vmem>>, vector<1x16xf32>,
    %get3A_2535 = vector.shape_cast %get3A_2534 : vector<1x16xf32> to vector<16xf32>
    %and3A_2536 = arith.constant 15 : i32
    %and3A_2537 = arith.andi %squeeze3A_2526, %and3A_2536 : i32
    %broadcast_in_dim3A_2538 = vector.broadcast %and3A_2537 : i32 to vector<16x1xi32>
    %gather3A_2539 = vector.shape_cast %broadcast_in_dim3A_2538 : vector<16x1xi32> to vector<16xi32>
    %gather3A_2540 = tpu.dynamic_gather %get3A_2535[%gather3A_2539] in [0] : vector<16xf32>, vector<16xi32> -> vector<16xf32>
    %eq3A_2541 = arith.constant 11 : i32
    %eq3A_2542 = vector.broadcast %eq3A_2541 : i32 to vector<16xi32>
    %eq3A_2543 = arith.cmpi eq, %iota3A, %eq3A_2542 : vector<16xi32>
    %select_n3A_2544 = arith.select %eq3A_2543, %gather3A_2540, %select_n3A_2524 : vector<16xi1>, vector<16xf32>
    %slice3A_2545 = vector.extract_strided_slice %get3A_2302 {offsets = [12], sizes = [1], strides = [1]} : vector<16xi32> to vector<1xi32>
    %squeeze3A_2546 = vector.extract %slice3A_2545[0] : i32 from vector<1xi32>
    %shift_right_arithmetic3A_2547 = arith.constant 4 : i32
    %shift_right_arithmetic3A_2548 = arith.shrsi %squeeze3A_2546, %shift_right_arithmetic3A_2547 : i32
    %mul3A_2549 = arith.constant 16 : i32
    %mul3A_2550 = arith.muli %shift_right_arithmetic3A_2548, %mul3A_2549 : i32
    %get3A_2551 = arith.constant 124 : i32
    %get3A_2552 = arith.index_cast %get3A_2551 : i32 to index
    %get3A_2553 = arith.index_cast %mul3A_2550 : i32 to index
    %get3A_2554 = tpu.vector_load %arg8[%get3A_2552, %get3A_2553] {strides = array<i32>} : memref<128x128xf32, #tpu.memory_space<vmem>>, vector<1x16xf32>,
    %get3A_2555 = vector.shape_cast %get3A_2554 : vector<1x16xf32> to vector<16xf32>
    %and3A_2556 = arith.constant 15 : i32
    %and3A_2557 = arith.andi %squeeze3A_2546, %and3A_2556 : i32
    %broadcast_in_dim3A_2558 = vector.broadcast %and3A_2557 : i32 to vector<16x1xi32>
    %gather3A_2559 = vector.shape_cast %broadcast_in_dim3A_2558 : vector<16x1xi32> to vector<16xi32>
    %gather3A_2560 = tpu.dynamic_gather %get3A_2555[%gather3A_2559] in [0] : vector<16xf32>, vector<16xi32> -> vector<16xf32>
    %eq3A_2561 = arith.constant 12 : i32
    %eq3A_2562 = vector.broadcast %eq3A_2561 : i32 to vector<16xi32>
    %eq3A_2563 = arith.cmpi eq, %iota3A, %eq3A_2562 : vector<16xi32>
    %select_n3A_2564 = arith.select %eq3A_2563, %gather3A_2560, %select_n3A_2544 : vector<16xi1>, vector<16xf32>
    %slice3A_2565 = vector.extract_strided_slice %get3A_2302 {offsets = [13], sizes = [1], strides = [1]} : vector<16xi32> to vector<1xi32>
    %squeeze3A_2566 = vector.extract %slice3A_2565[0] : i32 from vector<1xi32>
    %shift_right_arithmetic3A_2567 = arith.constant 4 : i32
    %shift_right_arithmetic3A_2568 = arith.shrsi %squeeze3A_2566, %shift_right_arithmetic3A_2567 : i32
    %mul3A_2569 = arith.constant 16 : i32
    %mul3A_2570 = arith.muli %shift_right_arithmetic3A_2568, %mul3A_2569 : i32
    %get3A_2571 = arith.constant 125 : i32
    %get3A_2572 = arith.index_cast %get3A_2571 : i32 to index
    %get3A_2573 = arith.index_cast %mul3A_2570 : i32 to index
    %get3A_2574 = tpu.vector_load %arg8[%get3A_2572, %get3A_2573] {strides = array<i32>} : memref<128x128xf32, #tpu.memory_space<vmem>>, vector<1x16xf32>,
    %get3A_2575 = vector.shape_cast %get3A_2574 : vector<1x16xf32> to vector<16xf32>
    %and3A_2576 = arith.constant 15 : i32
    %and3A_2577 = arith.andi %squeeze3A_2566, %and3A_2576 : i32
    %broadcast_in_dim3A_2578 = vector.broadcast %and3A_2577 : i32 to vector<16x1xi32>
    %gather3A_2579 = vector.shape_cast %broadcast_in_dim3A_2578 : vector<16x1xi32> to vector<16xi32>
    %gather3A_2580 = tpu.dynamic_gather %get3A_2575[%gather3A_2579] in [0] : vector<16xf32>, vector<16xi32> -> vector<16xf32>
    %eq3A_2581 = arith.constant 13 : i32
    %eq3A_2582 = vector.broadcast %eq3A_2581 : i32 to vector<16xi32>
    %eq3A_2583 = arith.cmpi eq, %iota3A, %eq3A_2582 : vector<16xi32>
    %select_n3A_2584 = arith.select %eq3A_2583, %gather3A_2580, %select_n3A_2564 : vector<16xi1>, vector<16xf32>
    %slice3A_2585 = vector.extract_strided_slice %get3A_2302 {offsets = [14], sizes = [1], strides = [1]} : vector<16xi32> to vector<1xi32>
    %squeeze3A_2586 = vector.extract %slice3A_2585[0] : i32 from vector<1xi32>
    %shift_right_arithmetic3A_2587 = arith.constant 4 : i32
    %shift_right_arithmetic3A_2588 = arith.shrsi %squeeze3A_2586, %shift_right_arithmetic3A_2587 : i32
    %mul3A_2589 = arith.constant 16 : i32
    %mul3A_2590 = arith.muli %shift_right_arithmetic3A_2588, %mul3A_2589 : i32
    %get3A_2591 = arith.constant 126 : i32
    %get3A_2592 = arith.index_cast %get3A_2591 : i32 to index
    %get3A_2593 = arith.index_cast %mul3A_2590 : i32 to index
    %get3A_2594 = tpu.vector_load %arg8[%get3A_2592, %get3A_2593] {strides = array<i32>} : memref<128x128xf32, #tpu.memory_space<vmem>>, vector<1x16xf32>,
    %get3A_2595 = vector.shape_cast %get3A_2594 : vector<1x16xf32> to vector<16xf32>
    %and3A_2596 = arith.constant 15 : i32
    %and3A_2597 = arith.andi %squeeze3A_2586, %and3A_2596 : i32
    %broadcast_in_dim3A_2598 = vector.broadcast %and3A_2597 : i32 to vector<16x1xi32>
    %gather3A_2599 = vector.shape_cast %broadcast_in_dim3A_2598 : vector<16x1xi32> to vector<16xi32>
    %gather3A_2600 = tpu.dynamic_gather %get3A_2595[%gather3A_2599] in [0] : vector<16xf32>, vector<16xi32> -> vector<16xf32>
    %eq3A_2601 = arith.constant 14 : i32
    %eq3A_2602 = vector.broadcast %eq3A_2601 : i32 to vector<16xi32>
    %eq3A_2603 = arith.cmpi eq, %iota3A, %eq3A_2602 : vector<16xi32>
    %select_n3A_2604 = arith.select %eq3A_2603, %gather3A_2600, %select_n3A_2584 : vector<16xi1>, vector<16xf32>
    %slice3A_2605 = vector.extract_strided_slice %get3A_2302 {offsets = [15], sizes = [1], strides = [1]} : vector<16xi32> to vector<1xi32>
    %squeeze3A_2606 = vector.extract %slice3A_2605[0] : i32 from vector<1xi32>
    %shift_right_arithmetic3A_2607 = arith.constant 4 : i32
    %shift_right_arithmetic3A_2608 = arith.shrsi %squeeze3A_2606, %shift_right_arithmetic3A_2607 : i32
    %mul3A_2609 = arith.constant 16 : i32
    %mul3A_2610 = arith.muli %shift_right_arithmetic3A_2608, %mul3A_2609 : i32
    %get3A_2611 = arith.constant 127 : i32
    %get3A_2612 = arith.index_cast %get3A_2611 : i32 to index
    %get3A_2613 = arith.index_cast %mul3A_2610 : i32 to index
    %get3A_2614 = tpu.vector_load %arg8[%get3A_2612, %get3A_2613] {strides = array<i32>} : memref<128x128xf32, #tpu.memory_space<vmem>>, vector<1x16xf32>,
    %get3A_2615 = vector.shape_cast %get3A_2614 : vector<1x16xf32> to vector<16xf32>
    %and3A_2616 = arith.constant 15 : i32
    %and3A_2617 = arith.andi %squeeze3A_2606, %and3A_2616 : i32
    %broadcast_in_dim3A_2618 = vector.broadcast %and3A_2617 : i32 to vector<16x1xi32>
    %gather3A_2619 = vector.shape_cast %broadcast_in_dim3A_2618 : vector<16x1xi32> to vector<16xi32>
    %gather3A_2620 = tpu.dynamic_gather %get3A_2615[%gather3A_2619] in [0] : vector<16xf32>, vector<16xi32> -> vector<16xf32>
    %eq3A_2621 = arith.constant 15 : i32
    %eq3A_2622 = vector.broadcast %eq3A_2621 : i32 to vector<16xi32>
    %eq3A_2623 = arith.cmpi eq, %iota3A, %eq3A_2622 : vector<16xi32>
    %select_n3A_2624 = arith.select %eq3A_2623, %gather3A_2620, %select_n3A_2604 : vector<16xi1>, vector<16xf32>
    %swap3A_2625 = arith.constant 112 : index
    %swap3A_2626 = tpu.vector_load %arg9[%swap3A_2625] {strides = array<i32>} : memref<128xf32, #tpu.memory_space<vmem>>, vector<16xf32>,
    %swap3A_2627 = vector.shape_cast %swap3A_2626 : vector<16xf32> to vector<16xf32>
    %swap3A_2628 = vector.shape_cast %select_n3A_2624 : vector<16xf32> to vector<16xf32>
    tpu.vector_store %arg9[%swap3A_2625], %swap3A_2628 {strides = array<i32>} : memref<128xf32, #tpu.memory_space<vmem>>, vector<16xf32>,
    "tpu.region"() ({
      %run_scoped3A = tpu.sem_alloc : memref<!tpu.dma_semaphore, #tpu.memory_space<semaphore_mem>>
      %dma_start3A_2629 = tpu.memref_slice %arg5[%mul3A_2] : memref<4096xf32, #tpu.memory_space<hbm>> -> memref<128xf32, #tpu.memory_space<hbm>>
      %dma_start3A_2630 = tpu.memref_slice %arg5[%mul3A_2] : memref<4096xf32, #tpu.memory_space<hbm>> -> memref<128xf32, #tpu.memory_space<hbm>>
      tpu.enqueue_dma source(%arg9 : memref<128xf32, #tpu.memory_space<vmem>>) target(%dma_start3A_2630 : memref<128xf32, #tpu.memory_space<hbm>>) target_semaphore(%run_scoped3A : memref<!tpu.dma_semaphore, #tpu.memory_space<semaphore_mem>>)
      %dma_wait3A_2631 = tpu.memref_slice %arg5[%mul3A_2] : memref<4096xf32, #tpu.memory_space<hbm>> -> memref<128xf32, #tpu.memory_space<hbm>>
      %dma_wait3A_2632 = tpu.memref_slice %arg5[%mul3A_2] : memref<4096xf32, #tpu.memory_space<hbm>> -> memref<128xf32, #tpu.memory_space<hbm>>
      tpu.wait_dma2 semaphore(%run_scoped3A : memref<!tpu.dma_semaphore, #tpu.memory_space<semaphore_mem>>) src(%arg9 : memref<128xf32, #tpu.memory_space<vmem>>) dst(%dma_wait3A_2632 : memref<128xf32, #tpu.memory_space<hbm>>)
      tpu.yield
    }) : () -> ()
    return
  }
}

module attributes {stable_mosaic.version = 14 : i64} {
  func.func @_tc_stats_body(%arg0: i32, %arg1: memref<512x4096xf32, #tpu.memory_space<vmem>>, %arg2: memref<1x1x512xi32, #tpu.memory_space<vmem>>, %arg3: memref<1x1x512xf32, #tpu.memory_space<vmem>>, %arg4: memref<1x1x512xf32, #tpu.memory_space<vmem>>, %arg5: memref<1x1x512xf32, #tpu.memory_space<vmem>>) attributes {dimension_semantics = [#tpu.dimension_semantics<arbitrary>], iteration_bounds = array<i64: 8>, scalar_prefetch = 0 : i64, scratch_operands = 0 : i64, tpu.core_type = #tpu.core_type<tc>, window_params = [{transform_indices = @transform_0, window_bounds = array<i64: 512, 4096>}, {transform_indices = @transform_1, window_bounds = array<i64: 1, 1, 512>}, {transform_indices = @transform_2, window_bounds = array<i64: 1, 1, 512>}, {transform_indices = @transform_3, window_bounds = array<i64: 1, 1, 512>}, {transform_indices = @transform_4, window_bounds = array<i64: 1, 1, 512>}]} {
    %get3A = arith.constant 0 : index
    %get3A_0 = arith.constant 0 : index
    %get3A_1 = vector.load %arg1[%get3A, %get3A_0] : memref<512x4096xf32, #tpu.memory_space<vmem>>, vector<512x4096xf32>
    %reduce_max3A = arith.constant dense<0xFF800000> : vector<512xf32>
    %reduce_max3A_2 = vector.multi_reduction <maximumf>, %get3A_1, %reduce_max3A [1] : vector<512x4096xf32> to vector<512xf32>
    %broadcast_in_dim3A = vector.shape_cast %reduce_max3A_2 : vector<512xf32> to vector<512x1xf32>
    %sub3A = vector.broadcast %broadcast_in_dim3A : vector<512x1xf32> to vector<512x4096xf32>
    %sub3A_3 = arith.subf %get3A_1, %sub3A : vector<512x4096xf32>
    %exp3A = math.exp %sub3A_3 : vector<512x4096xf32>
    %reduce_sum3A = arith.constant dense<0.000000e+00> : vector<512xf32>
    %reduce_sum3A_4 = vector.multi_reduction <add>, %exp3A, %reduce_sum3A [1] : vector<512x4096xf32> to vector<512xf32>
    %get3A_5 = arith.constant 0 : index
    %get3A_6 = arith.constant 0 : index
    %get3A_7 = arith.constant 0 : index
    %get3A_8 = vector.load %arg2[%get3A_5, %get3A_6, %get3A_7] : memref<1x1x512xi32, #tpu.memory_space<vmem>>, vector<1x1x512xi32>
    %get3A_9 = vector.shape_cast %get3A_8 : vector<1x1x512xi32> to vector<512xi32>
    %iota3A = tpu.iota {dimensions = array<i32: 1>} : vector<512x4096xi32>
    %broadcast_in_dim3A_10 = vector.shape_cast %get3A_9 : vector<512xi32> to vector<512x1xi32>
    %eq3A = vector.broadcast %broadcast_in_dim3A_10 : vector<512x1xi32> to vector<512x4096xi32>
    %eq3A_11 = arith.cmpi eq, %iota3A, %eq3A : vector<512x4096xi32>
    %jit3A = arith.constant 0.000000e+00 : f32
    %broadcast_in_dim3A_12 = vector.broadcast %jit3A : f32 to vector<512x4096xf32>
    %select_n3A = arith.select %eq3A_11, %get3A_1, %broadcast_in_dim3A_12 : vector<512x4096xi1>, vector<512x4096xf32>
    %reduce_sum3A_13 = arith.constant dense<0.000000e+00> : vector<512xf32>
    %reduce_sum3A_14 = vector.multi_reduction <add>, %select_n3A, %reduce_sum3A_13 [1] : vector<512x4096xf32> to vector<512xf32>
    %log3A = math.log %reduce_sum3A_4 : vector<512xf32>
    %add3A = arith.addf %reduce_max3A_2, %log3A : vector<512xf32>
    %swap3A = arith.constant 0 : index
    %swap3A_15 = arith.constant 0 : index
    %swap3A_16 = arith.constant 0 : index
    %swap3A_17 = vector.load %arg3[%swap3A, %swap3A_15, %swap3A_16] : memref<1x1x512xf32, #tpu.memory_space<vmem>>, vector<1x1x512xf32>
    %swap3A_18 = vector.shape_cast %swap3A_17 : vector<1x1x512xf32> to vector<512xf32>
    %swap3A_19 = vector.shape_cast %add3A : vector<512xf32> to vector<1x1x512xf32>
    tpu.vector_store %arg3[%swap3A, %swap3A_15, %swap3A_16], %swap3A_19 {strides = array<i32>} : memref<1x1x512xf32, #tpu.memory_space<vmem>>, vector<1x1x512xf32>,
    %reduce_sum3A_20 = arith.constant dense<0.000000e+00> : vector<512xf32>
    %reduce_sum3A_21 = vector.multi_reduction <add>, %get3A_1, %reduce_sum3A_20 [1] : vector<512x4096xf32> to vector<512xf32>
    %swap3A_22 = arith.constant 0 : index
    %swap3A_23 = arith.constant 0 : index
    %swap3A_24 = arith.constant 0 : index
    %swap3A_25 = vector.load %arg4[%swap3A_22, %swap3A_23, %swap3A_24] : memref<1x1x512xf32, #tpu.memory_space<vmem>>, vector<1x1x512xf32>
    %swap3A_26 = vector.shape_cast %swap3A_25 : vector<1x1x512xf32> to vector<512xf32>
    %swap3A_27 = vector.shape_cast %reduce_sum3A_21 : vector<512xf32> to vector<1x1x512xf32>
    tpu.vector_store %arg4[%swap3A_22, %swap3A_23, %swap3A_24], %swap3A_27 {strides = array<i32>} : memref<1x1x512xf32, #tpu.memory_space<vmem>>, vector<1x1x512xf32>,
    %swap3A_28 = arith.constant 0 : index
    %swap3A_29 = arith.constant 0 : index
    %swap3A_30 = arith.constant 0 : index
    %swap3A_31 = vector.load %arg5[%swap3A_28, %swap3A_29, %swap3A_30] : memref<1x1x512xf32, #tpu.memory_space<vmem>>, vector<1x1x512xf32>
    %swap3A_32 = vector.shape_cast %swap3A_31 : vector<1x1x512xf32> to vector<512xf32>
    %swap3A_33 = vector.shape_cast %reduce_sum3A_14 : vector<512xf32> to vector<1x1x512xf32>
    tpu.vector_store %arg5[%swap3A_28, %swap3A_29, %swap3A_30], %swap3A_33 {strides = array<i32>} : memref<1x1x512xf32, #tpu.memory_space<vmem>>, vector<1x1x512xf32>,
    return
  }
  func.func @transform_0(%arg0: i32) -> (i32, i32) {
    %c0_i32 = arith.constant 0 : i32
    %c0_i32_0 = arith.constant 0 : i32
    return %arg0, %c0_i32 : i32, i32
  }
  func.func @transform_1(%arg0: i32) -> (i32, i32, i32) {
    %c0_i32 = arith.constant 0 : i32
    %c0_i32_0 = arith.constant 0 : i32
    %c0_i32_1 = arith.constant 0 : i32
    return %arg0, %c0_i32, %c0_i32_0 : i32, i32, i32
  }
  func.func @transform_2(%arg0: i32) -> (i32, i32, i32) {
    %c0_i32 = arith.constant 0 : i32
    %c0_i32_0 = arith.constant 0 : i32
    %c0_i32_1 = arith.constant 0 : i32
    return %arg0, %c0_i32, %c0_i32_0 : i32, i32, i32
  }
  func.func @transform_3(%arg0: i32) -> (i32, i32, i32) {
    %c0_i32 = arith.constant 0 : i32
    %c0_i32_0 = arith.constant 0 : i32
    %c0_i32_1 = arith.constant 0 : i32
    return %arg0, %c0_i32, %c0_i32_0 : i32, i32, i32
  }
  func.func @transform_4(%arg0: i32) -> (i32, i32, i32) {
    %c0_i32 = arith.constant 0 : i32
    %c0_i32_0 = arith.constant 0 : i32
    %c0_i32_1 = arith.constant 0 : i32
    return %arg0, %c0_i32, %c0_i32_0 : i32, i32, i32
  }
}

module attributes {stable_mosaic.version = 14 : i64} {
  func.func @_tc_combine_body(%arg0: memref<8x1x512xf32, #tpu.memory_space<vmem>>, %arg1: memref<8x1x512xf32, #tpu.memory_space<vmem>>, %arg2: memref<8x1x512xf32, #tpu.memory_space<vmem>>, %arg3: memref<8x1x512xf32, #tpu.memory_space<vmem>>, %arg4: memref<1x1xf32, #tpu.memory_space<smem>>) attributes {dimension_semantics = [], scalar_prefetch = 0 : i64, scratch_operands = 0 : i64, tpu.core_type = #tpu.core_type<tc>} {
    %get3A = arith.constant 0 : index
    %get3A_0 = arith.constant 0 : index
    %get3A_1 = arith.constant 0 : index
    %get3A_2 = vector.load %arg0[%get3A, %get3A_0, %get3A_1] : memref<8x1x512xf32, #tpu.memory_space<vmem>>, vector<8x1x512xf32>
    %get3A_3 = arith.constant 0 : index
    %get3A_4 = arith.constant 0 : index
    %get3A_5 = arith.constant 0 : index
    %get3A_6 = vector.load %arg1[%get3A_3, %get3A_4, %get3A_5] : memref<8x1x512xf32, #tpu.memory_space<vmem>>, vector<8x1x512xf32>
    %get3A_7 = arith.constant 0 : index
    %get3A_8 = arith.constant 0 : index
    %get3A_9 = arith.constant 0 : index
    %get3A_10 = vector.load %arg2[%get3A_7, %get3A_8, %get3A_9] : memref<8x1x512xf32, #tpu.memory_space<vmem>>, vector<8x1x512xf32>
    %get3A_11 = arith.constant 0 : index
    %get3A_12 = arith.constant 0 : index
    %get3A_13 = arith.constant 0 : index
    %get3A_14 = vector.load %arg3[%get3A_11, %get3A_12, %get3A_13] : memref<8x1x512xf32, #tpu.memory_space<vmem>>, vector<8x1x512xf32>
    %mul3A = arith.constant 1.00483476E-7 : f32
    %mul3A_15 = vector.broadcast %mul3A : f32 to vector<8x1x512xf32>
    %mul3A_16 = arith.mulf %get3A_14, %mul3A_15 : vector<8x1x512xf32>
    %mul3A_17 = arith.constant 4.096000e+03 : f32
    %mul3A_18 = vector.broadcast %mul3A_17 : f32 to vector<8x1x512xf32>
    %mul3A_19 = arith.mulf %mul3A_18, %mul3A_16 : vector<8x1x512xf32>
    %sub3A = arith.constant 1.000000e+00 : f32
    %sub3A_20 = vector.broadcast %sub3A : f32 to vector<8x1x512xf32>
    %sub3A_21 = arith.subf %sub3A_20, %mul3A_19 : vector<8x1x512xf32>
    %sub3A_22 = arith.subf %get3A_10, %get3A_2 : vector<8x1x512xf32>
    %mul3A_23 = arith.constant 4.096000e+03 : f32
    %mul3A_24 = vector.broadcast %mul3A_23 : f32 to vector<8x1x512xf32>
    %mul3A_25 = arith.mulf %mul3A_24, %get3A_2 : vector<8x1x512xf32>
    %sub3A_26 = arith.subf %get3A_6, %mul3A_25 : vector<8x1x512xf32>
    %gt3A = arith.constant 0.000000e+00 : f32
    %gt3A_27 = vector.broadcast %gt3A : f32 to vector<8x1x512xf32>
    %gt3A_28 = arith.cmpf ogt, %mul3A_16, %gt3A_27 : vector<8x1x512xf32>
    %jit3A = arith.constant 1.000000e+00 : f32
    %broadcast_in_dim3A = vector.broadcast %jit3A : f32 to vector<8x1x512xf32>
    %select_n3A = arith.select %gt3A_28, %mul3A_16, %broadcast_in_dim3A : vector<8x1x512xi1>, vector<8x1x512xf32>
    %log3A = math.log %select_n3A : vector<8x1x512xf32>
    %mul3A_29 = arith.mulf %mul3A_16, %log3A : vector<8x1x512xf32>
    %mul3A_30 = arith.constant 4.095000e+03 : f32
    %mul3A_31 = vector.broadcast %mul3A_30 : f32 to vector<8x1x512xf32>
    %mul3A_32 = arith.mulf %mul3A_31, %mul3A_29 : vector<8x1x512xf32>
    %gt3A_33 = arith.constant 0.000000e+00 : f32
    %gt3A_34 = vector.broadcast %gt3A_33 : f32 to vector<8x1x512xf32>
    %gt3A_35 = arith.cmpf ogt, %sub3A_21, %gt3A_34 : vector<8x1x512xf32>
    %jit3A_36 = arith.constant 1.000000e+00 : f32
    %broadcast_in_dim3A_37 = vector.broadcast %jit3A_36 : f32 to vector<8x1x512xf32>
    %select_n3A_38 = arith.select %gt3A_35, %sub3A_21, %broadcast_in_dim3A_37 : vector<8x1x512xi1>, vector<8x1x512xf32>
    %log3A_39 = math.log %select_n3A_38 : vector<8x1x512xf32>
    %mul3A_40 = arith.mulf %sub3A_21, %log3A_39 : vector<8x1x512xf32>
    %add3A = arith.addf %mul3A_32, %mul3A_40 : vector<8x1x512xf32>
    %sub3A_41 = arith.subf %sub3A_26, %sub3A_22 : vector<8x1x512xf32>
    %mul3A_42 = arith.mulf %mul3A_16, %sub3A_41 : vector<8x1x512xf32>
    %mul3A_43 = arith.mulf %sub3A_21, %sub3A_22 : vector<8x1x512xf32>
    %add3A_44 = arith.addf %mul3A_42, %mul3A_43 : vector<8x1x512xf32>
    %sub3A_45 = arith.subf %add3A, %add3A_44 : vector<8x1x512xf32>
    %reduce_sum3A = vector.shape_cast %sub3A_45 : vector<8x1x512xf32> to vector<1x8x1x512xf32>
    %reduce_sum3A_46 = arith.constant dense<0.000000e+00> : vector<1xf32>
    %reduce_sum3A_47 = vector.multi_reduction <add>, %reduce_sum3A, %reduce_sum3A_46 [1, 2, 3] : vector<1x8x1x512xf32> to vector<1xf32>
    %reduce_sum3A_48 = vector.shape_cast %reduce_sum3A_47 : vector<1xf32> to vector<1x1x1x1xf32>
    %reduce_sum3A_49 = vector.extract %reduce_sum3A_48[0, 0, 0, 0] : f32 from vector<1x1x1x1xf32>
    %swap3A = arith.constant 0 : index
    %swap3A_50 = arith.constant 0 : index
    %swap3A_51 = memref.load %arg4[%swap3A, %swap3A_50] : memref<1x1xf32, #tpu.memory_space<smem>>
    memref.store %reduce_sum3A_49, %arg4[%swap3A, %swap3A_50] : memref<1x1xf32, #tpu.memory_space<smem>>
    return
  }
}

</mosaic_0001>

<sc_bundles>
// kernel: kernel.5.cloned.1.call-start
scs
__scs_entry_jumppad:
0x0: {  	(pc) =	sbr.rel $0x88, $3  }
0x1: {  	(tag) =	ssettag $0x0;
	lr =	simm.s32 $0x1  }
0x2: {  	[smem:$0x3F9E] =	sst lr;
	_ =	strace $0xD0000000  }
0x3: {  	_ = 	snop  }
0x4: {  	_ = 	snop  }
0x5: {  	_ = 	snop  }
0x6: {  	_ = 	snop  }
0x7: {  	_ = 	snop  }
__scs_overlays_trampoline_lowered:
0x8: {  	[smem:$0x3FAD] =	sst s0  }
0x9: {  	[smem:$0x3FAE] =	sst s1  }
0xa: {  	[smem:$0x3FAF] =	sst s2  }
0xb: {  	[smem:$0x3FB0] =	sst s3  }
0xc: {  	[smem:$0x3FB1] =	sst s4  }
0xd: {  	[smem:$0x3FB2] =	sst s5  }
0xe: {  	[smem:$0x3FB3] =	sst s6  }
0xf: {  	[smem:$0x3FB4] =	sst s7  }
0x10: {  	[smem:$0x3FB5] =	sst s8  }
0x11: {  	[smem:$0x3FB6] =	sst s9;
	s0 =	simm.s32 @!p0 $0x0  }
0x12: {  	s1 =	sld [smem:$0x3F9C];
	s0 =	simm.s32 @p0 $0x1  }
0x13: {  	[smem:$0x3FB7] =	sst s0;
	s0 =	simm.s32 @!p1 $0x0  }
0x14: {  	s2 =	sld [smem:$0x3F9B];
	s0 =	simm.s32 @p1 $0x1  }
0x15: {  	[smem:$0x3FB8] =	sst s0;
	s0 =	simm.s32 @!p2 $0x0  }
0x16: {  	s3 =	sld [smem:$0x3FDB];
	s0 =	simm.s32 @p2 $0x1  }
0x17: {  	s4 =	simm.s32 $0x1BF5;
	[smem:$0x3FBA] =	sst s0  }
0x18: {  	s0 =	sld [smem:$0x3F9D];
	_ =	swait.ge [sflag:s4], $0x0  }
0x19: {  	s7 =	sld [smem:$0x3F9E]  }
0x1a: {  	s8 =	sadd.s32 $0xFFFFE003, lr  }
0x1b: {  	s9 =	sadd.s32 $0xFFFFFEF7, lr;
	s5 =	simm.s32 $0xFFFFFFFF;
	p2 =	slt.u32 s8, $0xFFFFF086  }
0x1c: {  	p1 =	slt.u32 s9, $0xF7A;
	s5 =	simm.s32 @!p2 $0x0  }
0x1d: {  	s5 =	simm.s32 @p1 $0x1;
	p0 =	seq.s32 s7, s2  }
0x1e: {  	s7 =	smul.u32 @!p0 $0xF7A, s2;
	p2 =	seq.s32 @!p0 s5, $0x0  }
0x1f: {  	s9 =	smul.u32 $0xF7A, s1;
	s8 =	simm.s32 @!p0 $0x1BF5;
	p2 =	por !p2, p0  }
0x20: {  	[sflag:s8] =	ssyncset.s32 @!p0 $0xFFFFF086;
	s6 =	sadd.s32 @!p0 s3, s7;
	s7 =	simm.s32 @!p0 $0x108  }
0x21: {  	s3 =	sadd.s32 s3, s9;
	s6 =	sadd.s32 @!p0 $0x88, s6;
	s7 =	simm.s32 @p2 $0x1082  }
0x22: {  	[simem:s7], [sflag:s8] =	dma.local @!p0 [hbm:s6], $0xF7A  }
0x23: {  	s9 =	sor.u32 $0xD0000000, s2;
	s6 =	simm.s32 $0x108;
	_ =	swait.ge @!p0 [sflag:s8], $0x0  }
0x24: {  	s3 =	sadd.s32 $0x88, s3;
	s6 =	simm.s32 @!p1 $0x1082;
	[sflag:s4] =	ssyncset.s32 $0xFFFFF086  }
0x25: {  	[simem:s6], [sflag:s4] =	dma.local [hbm:s3], $0xF7A  }
0x26: {  	[smem:$0x3F9E] =	sst s1;
	(tag) =	ssettag s2;
	_ =	strace s9  }
0x27: {  	s1 =	sld [smem:$0x3FAE]  }
0x28: {  	s2 =	sld [smem:$0x3FAF]  }
0x29: {  	s4 =	sld [smem:$0x3FB1]  }
0x2a: {  	p0 =	seq.s32 s5, $0x0;
	s5 =	sld [smem:$0x3FB2]  }
0x2b: {  	s6 =	sld [smem:$0x3FB3]  }
0x2c: {  	s7 =	sld [smem:$0x3FB4]  }
0x2d: {  	s3 =	simm.s32 $0x108;
	s8 =	sld [smem:$0x3FB5]  }
0x2e: {  	s3 =	simm.s32 @!p0 $0x1082;
	s9 =	sld [smem:$0x3FB6]  }
0x2f: {  	lr =	sadd.s32 s0, s3;
	s0 =	sld [smem:$0x3FAD]  }
0x30: {  	s3 =	sld [smem:$0x3FB0]  }
0x31: {  	[smem:$0x3FB9] =	sst s10  }
0x32: {  	s10 =	sld [smem:$0x3FB7];
	_ =	sdelay $0x3  }
0x33: {  	p0 =	seq.s32 s10, $0x1;
	s10 =	sld [smem:$0x3FB9];
	_ =	sdelay $0x3  }
0x34: {  	[smem:$0x3FB9] =	sst s10  }
0x35: {  	s10 =	sld [smem:$0x3FB8];
	_ =	sdelay $0x3  }
0x36: {  	p1 =	seq.s32 s10, $0x1;
	s10 =	sld [smem:$0x3FB9];
	_ =	sdelay $0x3  }
0x37: {  	[smem:$0x3FB9] =	sst s10  }
0x38: {  	s10 =	sld [smem:$0x3FBA]  }
0x39: {  	_ = 	snop;
	(pc) =	sbr.ind lr, $3  }
0x3a: {  	_ = 	snop  }
0x3b: {  	_ = 	snop  }
0x3c: {  	p2 =	seq.s32 s10, $0x1;
	s10 =	sld [smem:$0x3FB9]  }
0x3d: {  	_ =	shalt  }
0x3e: {  	_ =	shalt  }
0x3f: {  	_ =	shalt  }
0x40: {  	_ =	shalt  }
0x41: {  	_ =	shalt  }
0x42: {  	_ =	shalt  }
0x43: {  	_ =	shalt  }
0x44: {  	_ =	shalt  }
0x45: {  	_ =	shalt  }
0x46: {  	_ =	shalt  }
0x47: {  	_ =	shalt  }
0x48: {  	_ =	shalt  }
0x49: {  	_ =	shalt  }
0x4a: {  	_ =	shalt  }
0x4b: {  	_ =	shalt  }
0x4c: {  	_ =	shalt  }
0x4d: {  	_ =	shalt  }
0x4e: {  	_ =	shalt  }
0x4f: {  	_ =	shalt  }
0x50: {  	_ =	shalt  }
0x51: {  	_ =	shalt  }
0x52: {  	_ =	shalt  }
0x53: {  	_ =	shalt  }
0x54: {  	_ =	shalt  }
0x55: {  	_ =	shalt  }
0x56: {  	_ =	shalt  }
0x57: {  	_ =	shalt  }
0x58: {  	_ =	shalt  }
0x59: {  	_ =	shalt  }
0x5a: {  	_ =	shalt  }
0x5b: {  	_ =	shalt  }
0x5c: {  	_ =	shalt  }
0x5d: {  	_ =	shalt  }
0x5e: {  	_ =	shalt  }
0x5f: {  	_ =	shalt  }
0x60: {  	_ =	shalt  }
0x61: {  	_ =	shalt  }
0x62: {  	_ =	shalt  }
0x63: {  	_ =	shalt  }
0x64: {  	_ =	shalt  }
0x65: {  	_ =	shalt  }
0x66: {  	_ =	shalt  }
0x67: {  	_ =	shalt  }
0x68: {  	_ =	shalt  }
0x69: {  	_ =	shalt  }
0x6a: {  	_ =	shalt  }
0x6b: {  	_ =	shalt  }
0x6c: {  	_ =	shalt  }
0x6d: {  	_ =	shalt  }
0x6e: {  	_ =	shalt  }
0x6f: {  	_ =	shalt  }
0x70: {  	_ =	shalt  }
0x71: {  	_ =	shalt  }
0x72: {  	_ =	shalt  }
0x73: {  	_ =	shalt  }
0x74: {  	_ =	shalt  }
0x75: {  	_ =	shalt  }
0x76: {  	_ =	shalt  }
0x77: {  	_ =	shalt  }
0x78: {  	_ =	shalt  }
0x79: {  	_ =	shalt  }
0x7a: {  	_ =	shalt  }
0x7b: {  	_ =	shalt  }
0x7c: {  	_ =	shalt  }
0x7d: {  	_ =	shalt  }
0x7e: {  	_ =	shalt  }
0x7f: {  	_ =	shalt  }
0x80: {  	_ =	shalt  }
0x81: {  	_ =	shalt  }
0x82: {  	_ =	shalt  }
0x83: {  	_ =	shalt  }
0x84: {  	_ =	shalt  }
0x85: {  	_ =	shalt  }
0x86: {  	_ =	shalt  }
0x87: {  	_ =	shalt  }
.Lfunc_end0:
.L_simem_size_0:
called_computation_lowered:
.L_overlay_start_0:
0x88: {  	s2 =	sld [smem:$0x3FD9]  }
0x89: {  	s3 =	sld [smem:$0x3FFE];
	_ =	sdelay $0x1  }
0x8a: {  	s1 =	srdreg.scid  }
0x8b: {  	s0 =	sand.u32 $0x1, s1  }
0x8c: {  	s17 =	sshll.u32 s0, $0xA;
	s2 =	sadd.s32 s3, s2  }
0x8d: {  	s2 =	sadd.s32 s2, s17  }
0x8e: {  	[smem:$0x3FC5] =	sst s2  }
0x8f: {  	_ = 	snop  }
0x90: {  	s2 =	sld [smem:$0x3FC7];
	(tm) =	ssettm $0x1  }
0x91: {  	s18 =	sld [smem:$0x3FFB];
	_ =	sdelay $0x3  }
0x92: {  	_ =	strace s18  }
0x93: {  	s3 =	sld [smem:$0x3FFC];
	_ =	sdelay $0x3  }
0x94: {  	_ =	strace s3  }
0x95: {  	s3 =	sld [smem:$0x3FFD];
	_ =	sdelay $0x3  }
0x96: {  	_ =	strace s3  }
0x97: {  	_ =	strace $0x8FFFFFFF  }
0x98: {  	s19 =	sld [smem:$0x3FDB];
	_ =	sdelay $0x1  }
0x99: {  	s4 =	simm.s32 $_scs_section_size  }
0x9a: {  	s5 =	simm.s32 $_size__tile_overlayer_lowered;
	s6 =	simm.s32 $_tile_overlayer_lowered  }
0x9b: {  	s22 =	simm.s32 $0x1BFF;
	s21 =	sshll.u32 s6, $0x1;
	s3 =	sadd.s32 s4, s19  }
0x9c: {  	s7 =	simm.s32 $0x0;
	s20 =	sshll.u32 s5, $0x1;
	s5 =	sadd.s32 s21, s3  }
0x9d: {  	[timem:s7], [sflag:s22] =	dma.local [hbm:s5], s20  }
0x9e: {  	_ =	swait.ge [sflag:s22], s20  }
0x9f: {  	s4 =	ssub.s32 $0x0, s20;
	[sflag:s22] =	ssyncset.done $0x0  }
0xa0: {  	[sflag:s22] =	ssyncadd.s32 s4;
	_ =	sdelay $0x1  }
0xa1: {  	s23 =	simm.s32 $0x1B8B  }
0xa2: {  	_ =	swait.ge [sflag:s23], $0x1  }
0xa3: {  	[sflag:s23] =	ssyncset.done $0x0  }
0xa4: {  	s25 =	simm.s32 $0x1B8E;
	s24 =	sld [smem:$0x3FFE];
	[sflag:s23] =	ssyncadd.s32 $0xFFFFFFFF  }
0xa5: {  	s26 =	simm.s32 $execute0_lowered;
	[smem:$0x3FD2] =	sst s25  }
0xa6: {  	s5 =	sshll.u32 s26, $0x1;
	_ =	strace $0x80000046;
	[dreg:$0x1] =	wrdreg $0xFFFFFFFF  }
0xa7: {  	s28 =	simm.s32 $_size_execute0_lowered;
	s3 =	sadd.s32 s3, s5;
	[dreg:$0x0] =	wrdreg $0x0  }
0xa8: {  	s5 =	sshll.u32 s28, $0x1;
	[dreg:$0x2] =	wrdreg s3  }
0xa9: {  	[dreg:$0x3] =	wrdreg s5  }
0xaa: {  	[dreg:$0x4] =	wrdreg $0xC0  }
0xab: {  	_ =	task [dreg:s7], $0x5FFFF  }
0xac: {  	[dreg:$0x1] =	wrdreg $0xFFFFFFFF  }
0xad: {  	[dreg:$0x0] =	wrdreg $0x60  }
0xae: {  	[dreg:$0x2] =	wrdreg s2  }
0xaf: {  	[dreg:$0x3] =	wrdreg s24  }
0xb0: {  	[dreg:$0x4] =	wrdreg $0x9  }
0xb1: {  	_ =	task.clear_ibuf [dreg:s7], $0x5FFFF;
	_ =	strace $0x90000046  }
0xb2: {  	s29 =	simm.s32 $0x9;
	_ =	strace $0x80000048  }
0xb3: {  	_ =	swait.ge [sflag:s29], $0x1  }
0xb4: {  	[sflag:s29] =	ssyncadd.s32 $0xFFFFFFFF  }
0xb5: {  	_ =	strace $0x90000048  }
0xb6: {  	_ =	sfence  }
0xb7: {  	s30 =	sld [smem:$0x0];
	_ =	sdelay $0x2  }
0xb8: {  	s31 =	sshll.u32 s1, $0xD;
	s1 =	sshrl.u32 s1, $0x2  }
0xb9: {  	s3 =	sand.u32 $0x4000, s31;
	s1 =	sadd.s32 s1, s30  }
0xba: {  	s0 =	sor.u32 s3, s0;
	s1 =	sshll.u32 s1, $0x11  }
0xbb: {  	s0 =	sor.u32 s1, s0  }
0xbc: {  	s0 =	sadd.s32 $0x8F2B, s0  }
0xbd: {  	[sflag:s0] =	ssyncadd.remote.s32 $0x1  }
0xbe: {  	_ =	sfence.sel $0xFFFF  }
0xbf: {  	[dreg:$0x0] =	wrdreg $0xFFFFFFFF;
	(pc) =	sbr.abs _section_cstart, $3  }
0xc0: {  	[dreg:$0x1] =	wrdreg $0xFFFFFFFF  }
0xc1: {  	_ =	task.clear_ibuf [dreg:s7], $0x2FFFF;
	_ =	strace $0x9FFFFFFF  }
0xc2: {  	(tm) =	ssettm $0x7FFFFFFF  }
0xc3: {  	_ =	shalt  }
tec
execute0_lowered:
.L_overlay_start_1:
0x0: {  	(tag) =	ssettag $0x1  }
0x1: {  	s0 =	rddreg [dreg:$0x0]  }
0x2: {  	s1 =	srdreg.scid;
	s4 =	rddreg [dreg:$0x1];
	s2 =	simm.s32 $0x0  }
0x3: {  	s31 =	simm.s32 $0x100;
	s7 =	simm.s32 $0x4100;
	[dreg:$0x6] =	wrdreg s0  }
0x4: {  	s0 =	stileid.u32;
	s3 =	sand.u32 $0x1, s1;
	s1 =	rddreg [dreg:$0x2]  }
0x5: {  	[smem:$0x7FF] =	sst s2;
	s5 =	sshll.u32 s0, $0x5;
	s6 =	sshll.u32 s3, $0x4  }
0x6: {  	_ =	strace $0x80000047;
	[dreg:$0x5] =	wrdreg s31;
	s5 =	sor.u32 s6, s5  }
0x7: {  	vm0 =	vmmov $0x1;
	vm1 =	vmmov $0x3;
	vm2 =	vmmov $0x7;
	s3 =	ssub.s32 $0x2, s3;
	[dreg:$0x8] =	wrdreg s7;
	s4 =	sadd.s32 s5, s4  }
0x8: {  	vm3 =	vmmov $0xf;
	vm4 =	vmmov $0x1f;
	vm5 =	vmmov $0x3f;
	s29 =	sshrl.u32 s3, $0x1;
	s6 =	simm.s32 $0x1;
	s5 =	sadd.s32 $0xE00, s4  }
0x9: {  	vm6 =	vmmov $0x7f;
	vm7 =	vmmov $0xff;
	vm8 =	vmmov $0x1ff;
	s3 =	ssub.s32 s3, s29;
	s30 =	sadd.s32 $0xC00, s4;
	[dreg:$0x3] =	wrdreg s5  }
0xa: {  	vm9 =	vmmov $0x3ff;
	vm10 =	vmmov $0x7ff;
	vm11 =	vmmov $0xfff;
	s4 =	sadd.s32 $0x1000, s4;
	s3 =	smax.u32 s3, $0x1;
	[dreg:$0x4] =	wrdreg s30  }
0xb: {  	vm12 =	vmmov $0x1fff;
	vm13 =	vmmov $0x3fff;
	vm14 =	vmmov $0x7fff;
	[dreg:$0x7] =	wrdreg s4;
	s4 =	simm.s32 $0x2;
	s5 =	simm.s32 $0x80  }
.LBB2_1:
0xc: {  	s7 =	rddreg [dreg:$0x3]  }
0xd: {  	[tilespmem:s2], [sflag:$0x2] =	stream.linear.gather [hbm4b:s7+s2], $0x80, $0x38;
	[tilespmem:$0x4180] =	vst v63  }
0xe: {  	_ =	swait.ge [sflag:s4], $0x80  }
0xf: {  	[sflag:s4] =	ssyncset.done $0x0  }
0x10: {  	s19 =	rddreg [dreg:$0x4];
	[sflag:s4] =	ssyncadd.s32 $0xFFFFFF80  }
0x11: {  	[tilespmem:s5], [sflag:$0x2] =	stream.linear.gather [hbm4b:s19+s2], $0x80, $0x38;
	[tilespmem:$0x4180] =	vst v63  }
0x12: {  	_ =	swait.ge [sflag:s4], $0x80  }
0x13: {  	s20 =	rddreg [dreg:$0x5];
	[sflag:s4] =	ssyncset.done $0x0  }
0x14: {  	s8 =	rddreg [dreg:$0x6];
	[sflag:s4] =	ssyncadd.s32 $0xFFFFFF80  }
0x15: {  	[tilespmem:s20], [sflag:$0x1] =	stream.indirect.gather [hbm4b:s8+s5], $0x80, s2, s5, $0xb8;
	[tilespmem:$0x4180] =	vst v63  }
0x16: {  	_ =	swait.ge [sflag:s6], $0x4000  }
0x17: {  	[sflag:s6] =	ssyncset.done $0x0  }
0x18: {  	[sflag:s6] =	ssyncadd.s32 $0xFFFFC000  }
0x19: {  	v0 =	vld [tilespmem:$0x80];
	_ =	sdelay $0x4  }
0x1a: {  	(v2sf) =	vpush v0, $0x0  }
0x1b: {  	(v2sf) =	vpush v0, $0x1  }
0x1c: {  	(v2sf) =	vpush v0, $0x2  }
0x1d: {  	(v2sf) =	vpush v0, $0x3  }
0x1e: {  	(v2sf) =	vpush v0, $0x4;
	_ =	sdelay $0x4  }
0x1f: {  	(v2sf) =	vpush v0, $0x5  }
0x20: {  	(v2sf) =	vpush v0, $0x6  }
0x21: {  	(v2sf) =	vpush v0, $0x7  }
0x22: {  	(v2sf) =	vpush v0, $0x8  }
0x23: {  	(v2sf) =	vpush v0, $0x9  }
0x24: {  	(v2sf) =	vpush v0, $0xA  }
0x25: {  	(v2sf) =	vpush v0, $0xB;
	s21 =	spop (v2sf)  }
0x26: {  	s7 =	sand.u32 $0xFFFFFFF0, s21;
	s22 =	spop (v2sf);
	(v2sf) =	vpush v0, $0xC  }
0x27: {  	v1 =	vld [tilespmem:s7+$0x100];
	s24 =	spop (v2sf);
	(v2sf) =	vpush v0, $0xD  }
0x28: {  	s26 =	spop (v2sf);
	(v2sf) =	vpush v0, $0xE  }
0x29: {  	s29 =	spop (v2sf);
	(v2sf) =	vpush v0, $0xF  }
0x2a: {  	v5 =	vbroadcast v0, $0x0;
	s23 =	sand.u32 $0xFFFFFFF0, s22  }
0x2b: {  	v2 =	vld [tilespmem:s23+$0x180]  }
0x2c: {  	v7 =	vbroadcast v0, $0x1;
	s25 =	sand.u32 $0xFFFFFFF0, s24;
	v5 =	vperm.xlane v1, v5;
	v1 =	vld [tilespmem:$0x90]  }
0x2d: {  	v9 =	vbroadcast v0, $0x2;
	v38 =	vbroadcast v0, $0x3;
	v3 =	vld [tilespmem:s25+$0x200];
	s28 =	sand.u32 $0xFFFFFFF0, s26  }
0x2e: {  	v39 =	vbroadcast v0, $0x4;
	v40 =	vbroadcast v0, $0x5;
	v4 =	vld [tilespmem:s28+$0x280];
	s30 =	sand.u32 $0xFFFFFFF0, s29;
	s31 =	spop (v2sf)  }
0x2f: {  	v42 =	vbroadcast v0, $0x6;
	v44 =	vbroadcast v0, $0x7;
	v6 =	vld [tilespmem:s30+$0x300];
	s9 =	sand.u32 $0xFFFFFFF0, s31;
	s10 =	spop (v2sf)  }
0x30: {  	v50 =	vbroadcast v0, $0x8;
	v52 =	vbroadcast v0, $0x9;
	v8 =	vld [tilespmem:s9+$0x380];
	s11 =	sand.u32 $0xFFFFFFF0, s10;
	s12 =	spop (v2sf)  }
0x31: {  	v53 =	vbroadcast v0, $0xA;
	v10 =	vld [tilespmem:s11+$0x400];
	v2 =	vperm.xlane v2, v7;
	s7 =	sand.u32 $0xFFFFFFF0, s12;
	s13 =	spop (v2sf);
	(v2sf) =	vpush v1, $0x0  }
0x32: {  	v54 =	vbroadcast v0, $0xB;
	v3 =	vperm.xlane v3, v9;
	v11 =	vld [tilespmem:s7+$0x480];
	s7 =	sand.u32 $0xFFFFFFF0, s13;
	s14 =	spop (v2sf);
	(v2sf) =	vpush v1, $0x1  }
0x33: {  	v2 =	vsel vm0, v5, v2;
	v4 =	vperm.xlane v4, v38;
	v45 =	vld [tilespmem:s7+$0x500];
	s15 =	sand.u32 $0xFFFFFFF0, s14;
	s16 =	spop (v2sf);
	(v2sf) =	vpush v1, $0x2  }
0x34: {  	v2 =	vsel vm1, v2, v3;
	v41 =	vperm.xlane v6, v39;
	v47 =	vld [tilespmem:s15+$0x580];
	s17 =	sand.u32 $0xFFFFFFF0, s16;
	s18 =	spop (v2sf);
	(v2sf) =	vpush v1, $0x3  }
0x35: {  	v60 =	vbroadcast v0, $0xC;
	v2 =	vsel vm2, v2, v4;
	v43 =	vperm.xlane v8, v40;
	v49 =	vld [tilespmem:s17+$0x600];
	s19 =	sand.u32 $0xFFFFFFF0, s18;
	s20 =	spop (v2sf)  }
0x36: {  	v62 =	vbroadcast v0, $0xD;
	v2 =	vsel vm3, v2, v41;
	v46 =	vperm.xlane v10, v42;
	v51 =	vld [tilespmem:s19+$0x680];
	s7 =	sand.u32 $0xFFFFFFF0, s20;
	s21 =	spop (v2sf)  }
0x37: {  	v2 =	vsel vm4, v2, v43;
	v48 =	vperm.xlane v11, v44;
	(v2sf) =	vpush v1, $0x4;
	v55 =	vld [tilespmem:s7+$0x700];
	s22 =	sand.u32 $0xFFFFFFF0, s21;
	s23 =	spop (v2sf)  }
0x38: {  	v63 =	vbroadcast v0, $0xE;
	v2 =	vsel vm5, v2, v46;
	v3 =	vperm.xlane v45, v50;
	v57 =	vld [tilespmem:s22+$0x780];
	s24 =	sand.u32 $0xFFFFFFF0, s23;
	s25 =	spop (v2sf)  }
0x39: {  	v0 =	vbroadcast v0, $0xF;
	v2 =	vsel vm6, v2, v48;
	v4 =	vperm.xlane v47, v52;
	v59 =	vld [tilespmem:s24+$0x800];
	s26 =	sand.u32 $0xFFFFFFF0, s25  }
0x3a: {  	(v2sf) =	vpush v1, $0x5;
	v2 =	vsel vm7, v2, v3;
	v56 =	vperm.xlane v49, v53;
	v61 =	vld [tilespmem:s26+$0x880]  }
0x3b: {  	v2 =	vsel vm8, v2, v4;
	v58 =	vperm.xlane v51, v54;
	(v2sf) =	vpush v1, $0x6  }
0x3c: {  	v2 =	vsel vm9, v2, v56;
	(v2sf) =	vpush v1, $0x7;
	v3 =	vperm.xlane v55, v60  }
0x3d: {  	v2 =	vsel vm10, v2, v58;
	(v2sf) =	vpush v1, $0x8;
	v4 =	vperm.xlane v57, v62  }
0x3e: {  	(v2sf) =	vpush v1, $0x9;
	v2 =	vsel vm11, v2, v3;
	v12 =	vperm.xlane v59, v63  }
0x3f: {  	(v2sf) =	vpush v1, $0xA;
	v2 =	vsel vm12, v2, v4;
	v0 =	vperm.xlane v61, v0  }
0x40: {  	(v2sf) =	vpush v1, $0xB;
	v2 =	vsel vm13, v2, v12;
	s28 =	spop (v2sf)  }
0x41: {  	v0 =	vsel vm14, v2, v0;
	s29 =	spop (v2sf);
	(v2sf) =	vpush v1, $0xC  }
0x42: {  	s7 =	sand.u32 $0xFFFFFFF0, s28;
	[tilespmem:$0x4100] =	vst v0;
	s31 =	spop (v2sf);
	(v2sf) =	vpush v1, $0xD  }
0x43: {  	v0 =	vld [tilespmem:s7+$0x900];
	s10 =	spop (v2sf);
	(v2sf) =	vpush v1, $0xE;
	_ =	sdelay $0x2  }
0x44: {  	v15 =	vbroadcast v1, $0x0;
	s12 =	spop (v2sf);
	(v2sf) =	vpush v1, $0xF;
	_ =	sdelay $0x1  }
0x45: {  	s30 =	sand.u32 $0xFFFFFFF0, s29;
	v4 =	vperm.xlane v0, v15;
	v0 =	vld [tilespmem:$0xA0]  }
0x46: {  	v13 =	vld [tilespmem:s30+$0x980];
	s9 =	sand.u32 $0xFFFFFFF0, s31;
	s14 =	spop (v2sf)  }
0x47: {  	v17 =	vbroadcast v1, $0x1;
	v19 =	vbroadcast v1, $0x2;
	v14 =	vld [tilespmem:s9+$0xA00];
	s11 =	sand.u32 $0xFFFFFFF0, s10;
	s16 =	spop (v2sf)  }
0x48: {  	v21 =	vbroadcast v1, $0x3;
	v22 =	vbroadcast v1, $0x4;
	v16 =	vld [tilespmem:s11+$0xA80];
	s13 =	sand.u32 $0xFFFFFFF0, s12;
	s17 =	spop (v2sf)  }
0x49: {  	v25 =	vbroadcast v1, $0x5;
	v29 =	vbroadcast v1, $0x6;
	v18 =	vld [tilespmem:s13+$0xB00];
	s15 =	sand.u32 $0xFFFFFFF0, s14;
	s19 =	spop (v2sf)  }
0x4a: {  	v31 =	vbroadcast v1, $0x7;
	v34 =	vbroadcast v1, $0x8;
	v20 =	vld [tilespmem:s15+$0xB80];
	s7 =	sand.u32 $0xFFFFFFF0, s16;
	s20 =	spop (v2sf);
	(v2sf) =	vpush v0, $0x0  }
0x4b: {  	v36 =	vbroadcast v1, $0x9;
	v2 =	vperm.xlane v13, v17;
	v23 =	vld [tilespmem:s7+$0xC00];
	s18 =	sand.u32 $0xFFFFFFF0, s17;
	s22 =	spop (v2sf);
	(v2sf) =	vpush v0, $0x1  }
0x4c: {  	v39 =	vbroadcast v1, $0xA;
	v3 =	vperm.xlane v14, v19;
	v26 =	vld [tilespmem:s18+$0xC80];
	s7 =	sand.u32 $0xFFFFFFF0, s19;
	s23 =	spop (v2sf);
	(v2sf) =	vpush v0, $0x2  }
0x4d: {  	v2 =	vsel vm0, v4, v2;
	v24 =	vperm.xlane v16, v21;
	v30 =	vld [tilespmem:s7+$0xD00];
	s21 =	sand.u32 $0xFFFFFFF0, s20;
	s25 =	spop (v2sf);
	(v2sf) =	vpush v0, $0x3  }
0x4e: {  	v2 =	vsel vm1, v2, v3;
	v27 =	vperm.xlane v18, v22;
	v32 =	vld [tilespmem:s21+$0xD80];
	s7 =	sand.u32 $0xFFFFFFF0, s22;
	s26 =	spop (v2sf);
	(v2sf) =	vpush v0, $0x4  }
0x4f: {  	v2 =	vsel vm2, v2, v24;
	v28 =	vperm.xlane v20, v25;
	v35 =	vld [tilespmem:s7+$0xE00];
	s24 =	sand.u32 $0xFFFFFFF0, s23;
	s29 =	spop (v2sf);
	(v2sf) =	vpush v0, $0x5  }
0x50: {  	v41 =	vbroadcast v1, $0xB;
	v2 =	vsel vm3, v2, v27;
	v33 =	vperm.xlane v23, v29;
	v37 =	vld [tilespmem:s24+$0xE80];
	s7 =	sand.u32 $0xFFFFFFF0, s25  }
0x51: {  	v45 =	vbroadcast v1, $0xC;
	v2 =	vsel vm4, v2, v28;
	v3 =	vperm.xlane v26, v31;
	v40 =	vld [tilespmem:s7+$0xF00];
	s28 =	sand.u32 $0xFFFFFFF0, s26  }
0x52: {  	v47 =	vbroadcast v1, $0xD;
	v2 =	vsel vm5, v2, v33;
	v38 =	vperm.xlane v30, v34;
	v42 =	vld [tilespmem:s28+$0xF80];
	s30 =	sand.u32 $0xFFFFFFF0, s29;
	s31 =	spop (v2sf)  }
0x53: {  	v49 =	vbroadcast v1, $0xE;
	v2 =	vsel vm6, v2, v3;
	v4 =	vperm.xlane v32, v36;
	v44 =	vld [tilespmem:s30+$0x1000];
	s9 =	sand.u32 $0xFFFFFFF0, s31  }
0x54: {  	v1 =	vbroadcast v1, $0xF;
	v2 =	vsel vm7, v2, v38;
	v43 =	vperm.xlane v35, v39;
	v46 =	vld [tilespmem:s9+$0x1080]  }
0x55: {  	v2 =	vsel vm8, v2, v4;
	v3 =	vperm.xlane v37, v41;
	(v2sf) =	vpush v0, $0x6  }
0x56: {  	v2 =	vsel vm9, v2, v43;
	(v2sf) =	vpush v0, $0x7;
	v48 =	vperm.xlane v40, v45  }
0x57: {  	v2 =	vsel vm10, v2, v3;
	(v2sf) =	vpush v0, $0x8;
	v4 =	vperm.xlane v42, v47  }
0x58: {  	(v2sf) =	vpush v0, $0x9;
	v2 =	vsel vm11, v2, v48;
	v50 =	vperm.xlane v44, v49  }
0x59: {  	(v2sf) =	vpush v0, $0xA;
	v2 =	vsel vm12, v2, v4;
	v1 =	vperm.xlane v46, v1;
	s10 =	spop (v2sf)  }
0x5a: {  	(v2sf) =	vpush v0, $0xB;
	v2 =	vsel vm13, v2, v50;
	s11 =	spop (v2sf)  }
0x5b: {  	v1 =	vsel vm14, v2, v1;
	s13 =	spop (v2sf);
	(v2sf) =	vpush v0, $0xC  }
0x5c: {  	[tilespmem:$0x4110] =	vst v1;
	s7 =	sand.u32 $0xFFFFFFF0, s10;
	s15 =	spop (v2sf);
	(v2sf) =	vpush v0, $0xD  }
0x5d: {  	v1 =	vld [tilespmem:s7+$0x1100];
	s17 =	spop (v2sf);
	(v2sf) =	vpush v0, $0xE  }
0x5e: {  	s19 =	spop (v2sf);
	(v2sf) =	vpush v0, $0xF  }
0x5f: {  	s12 =	sand.u32 $0xFFFFFFF0, s11  }
0x60: {  	v54 =	vbroadcast v0, $0x0;
	v56 =	vbroadcast v0, $0x1;
	v51 =	vld [tilespmem:s12+$0x1180];
	s14 =	sand.u32 $0xFFFFFFF0, s13  }
0x61: {  	v58 =	vbroadcast v0, $0x2;
	v60 =	vbroadcast v0, $0x3;
	v52 =	vld [tilespmem:s14+$0x1200]  }
0x62: {  	v61 =	vbroadcast v0, $0x4;
	s16 =	sand.u32 $0xFFFFFFF0, s15;
	v5 =	vperm.xlane v1, v54;
	v1 =	vld [tilespmem:$0xB0]  }
0x63: {  	v63 =	vbroadcast v0, $0x5;
	v12 =	vbroadcast v0, $0x6;
	v53 =	vld [tilespmem:s16+$0x1280];
	s18 =	sand.u32 $0xFFFFFFF0, s17  }
0x64: {  	v14 =	vbroadcast v0, $0x7;
	v20 =	vbroadcast v0, $0x8;
	v55 =	vld [tilespmem:s18+$0x1300];
	s20 =	sand.u32 $0xFFFFFFF0, s19;
	s21 =	spop (v2sf)  }
0x65: {  	v22 =	vbroadcast v0, $0x9;
	v23 =	vbroadcast v0, $0xA;
	v57 =	vld [tilespmem:s20+$0x1380];
	s22 =	sand.u32 $0xFFFFFFF0, s21;
	s23 =	spop (v2sf)  }
0x66: {  	v24 =	vbroadcast v0, $0xB;
	v59 =	vld [tilespmem:s22+$0x1400];
	v2 =	vperm.xlane v51, v56;
	s7 =	sand.u32 $0xFFFFFFF0, s23;
	s24 =	spop (v2sf)  }
0x67: {  	v30 =	vbroadcast v0, $0xC;
	v3 =	vperm.xlane v52, v58;
	v62 =	vld [tilespmem:s7+$0x1480];
	s7 =	sand.u32 $0xFFFFFFF0, s24;
	s25 =	spop (v2sf);
	(v2sf) =	vpush v1, $0x0  }
0x68: {  	v33 =	vbroadcast v0, $0xE;
	v2 =	vsel vm0, v5, v2;
	v4 =	vperm.xlane v53, v60;
	v15 =	vld [tilespmem:s7+$0x1500];
	s26 =	sand.u32 $0xFFFFFFF0, s25;
	s28 =	spop (v2sf)  }
0x69: {  	v2 =	vsel vm1, v2, v3;
	v9 =	vperm.xlane v55, v61;
	v17 =	vld [tilespmem:s26+$0x1580];
	s29 =	sand.u32 $0xFFFFFFF0, s28;
	s30 =	spop (v2sf);
	(v2sf) =	vpush v1, $0x1  }
0x6a: {  	v2 =	vsel vm2, v2, v4;
	v13 =	vperm.xlane v57, v63;
	v19 =	vld [tilespmem:s29+$0x1600];
	s31 =	sand.u32 $0xFFFFFFF0, s30;
	(v2sf) =	vpush v1, $0x2;
	s8 =	spop (v2sf)  }
0x6b: {  	v2 =	vsel vm3, v2, v9;
	v16 =	vperm.xlane v59, v12;
	v21 =	vld [tilespmem:s31+$0x1680];
	(v2sf) =	vpush v1, $0x3;
	s7 =	sand.u32 $0xFFFFFFF0, s8;
	s9 =	spop (v2sf)  }
0x6c: {  	v2 =	vsel vm4, v2, v13;
	v18 =	vperm.xlane v62, v14;
	(v2sf) =	vpush v1, $0x4;
	v25 =	vld [tilespmem:s7+$0x1700];
	s10 =	sand.u32 $0xFFFFFFF0, s9;
	s11 =	spop (v2sf)  }
0x6d: {  	v32 =	vbroadcast v0, $0xD;
	v2 =	vsel vm5, v2, v16;
	v3 =	vperm.xlane v15, v20;
	v27 =	vld [tilespmem:s10+$0x1780];
	s12 =	sand.u32 $0xFFFFFFF0, s11;
	s13 =	spop (v2sf)  }
0x6e: {  	v0 =	vbroadcast v0, $0xF;
	v2 =	vsel vm6, v2, v18;
	v4 =	vperm.xlane v17, v22;
	v29 =	vld [tilespmem:s12+$0x1800];
	s14 =	sand.u32 $0xFFFFFFF0, s13  }
0x6f: {  	v2 =	vsel vm7, v2, v3;
	v26 =	vperm.xlane v19, v23;
	(v2sf) =	vpush v1, $0x5;
	v31 =	vld [tilespmem:s14+$0x1880]  }
0x70: {  	v2 =	vsel vm8, v2, v4;
	v28 =	vperm.xlane v21, v24;
	(v2sf) =	vpush v1, $0x6  }
0x71: {  	v2 =	vsel vm9, v2, v26;
	(v2sf) =	vpush v1, $0x7;
	v3 =	vperm.xlane v25, v30  }
0x72: {  	v2 =	vsel vm10, v2, v28;
	(v2sf) =	vpush v1, $0x8;
	v4 =	vperm.xlane v27, v32  }
0x73: {  	(v2sf) =	vpush v1, $0x9;
	v2 =	vsel vm11, v2, v3;
	v34 =	vperm.xlane v29, v33  }
0x74: {  	(v2sf) =	vpush v1, $0xA;
	v2 =	vsel vm12, v2, v4;
	v0 =	vperm.xlane v31, v0  }
0x75: {  	(v2sf) =	vpush v1, $0xB;
	v2 =	vsel vm13, v2, v34  }
0x76: {  	s15 =	spop (v2sf);
	v0 =	vsel vm14, v2, v0  }
0x77: {  	(v2sf) =	vpush v1, $0xC;
	s7 =	sand.u32 $0xFFFFFFF0, s15;
	[tilespmem:$0x4120] =	vst v0  }
0x78: {  	s16 =	spop (v2sf);
	v0 =	vld [tilespmem:s7+$0x1900]  }
0x79: {  	(v2sf) =	vpush v1, $0xD;
	s18 =	spop (v2sf)  }
0x7a: {  	s20 =	spop (v2sf);
	(v2sf) =	vpush v1, $0xE  }
0x7b: {  	v37 =	vbroadcast v1, $0x0;
	s22 =	spop (v2sf);
	(v2sf) =	vpush v1, $0xF;
	_ =	sdelay $0x1  }
0x7c: {  	s17 =	sand.u32 $0xFFFFFFF0, s16;
	v4 =	vperm.xlane v0, v37;
	v0 =	vld [tilespmem:$0xC0]  }
0x7d: {  	s19 =	sand.u32 $0xFFFFFFF0, s18;
	v35 =	vld [tilespmem:s17+$0x1980];
	s24 =	spop (v2sf)  }
0x7e: {  	v39 =	vbroadcast v1, $0x1;
	v41 =	vbroadcast v1, $0x2;
	v36 =	vld [tilespmem:s19+$0x1A00];
	s21 =	sand.u32 $0xFFFFFFF0, s20;
	s26 =	spop (v2sf)  }
0x7f: {  	v43 =	vbroadcast v1, $0x3;
	v44 =	vbroadcast v1, $0x4;
	v38 =	vld [tilespmem:s21+$0x1A80];
	s23 =	sand.u32 $0xFFFFFFF0, s22;
	s28 =	spop (v2sf)  }
0x80: {  	v47 =	vbroadcast v1, $0x5;
	v51 =	vbroadcast v1, $0x6;
	v40 =	vld [tilespmem:s23+$0x1B00];
	s25 =	sand.u32 $0xFFFFFFF0, s24;
	s30 =	spop (v2sf)  }
0x81: {  	v53 =	vbroadcast v1, $0x7;
	v56 =	vbroadcast v1, $0x8;
	v42 =	vld [tilespmem:s25+$0x1B80];
	s7 =	sand.u32 $0xFFFFFFF0, s26;
	s31 =	spop (v2sf);
	(v2sf) =	vpush v0, $0x0  }
0x82: {  	v58 =	vbroadcast v1, $0x9;
	v2 =	vperm.xlane v35, v39;
	v45 =	vld [tilespmem:s7+$0x1C00];
	s29 =	sand.u32 $0xFFFFFFF0, s28;
	s9 =	spop (v2sf);
	(v2sf) =	vpush v0, $0x1  }
0x83: {  	v61 =	vbroadcast v1, $0xA;
	v3 =	vperm.xlane v36, v41;
	v48 =	vld [tilespmem:s29+$0x1C80];
	s7 =	sand.u32 $0xFFFFFFF0, s30;
	s10 =	spop (v2sf);
	(v2sf) =	vpush v0, $0x2  }
0x84: {  	v63 =	vbroadcast v1, $0xB;
	v2 =	vsel vm0, v4, v2;
	v46 =	vperm.xlane v38, v43;
	v52 =	vld [tilespmem:s7+$0x1D00];
	s8 =	sand.u32 $0xFFFFFFF0, s31  }
0x85: {  	v2 =	vsel vm1, v2, v3;
	v49 =	vperm.xlane v40, v44;
	v54 =	vld [tilespmem:s8+$0x1D80];
	s7 =	sand.u32 $0xFFFFFFF0, s9;
	s12 =	spop (v2sf);
	(v2sf) =	vpush v0, $0x3  }
0x86: {  	v15 =	vbroadcast v1, $0xC;
	v2 =	vsel vm2, v2, v46;
	v50 =	vperm.xlane v42, v47;
	v57 =	vld [tilespmem:s7+$0x1E00];
	s11 =	sand.u32 $0xFFFFFFF0, s10  }
0x87: {  	v2 =	vsel vm3, v2, v49;
	v55 =	vperm.xlane v45, v51;
	v59 =	vld [tilespmem:s11+$0x1E80];
	s7 =	sand.u32 $0xFFFFFFF0, s12;
	s13 =	spop (v2sf);
	(v2sf) =	vpush v0, $0x4  }
0x88: {  	v17 =	vbroadcast v1, $0xD;
	v2 =	vsel vm4, v2, v50;
	v3 =	vperm.xlane v48, v53;
	v62 =	vld [tilespmem:s7+$0x1F00];
	s14 =	sand.u32 $0xFFFFFFF0, s13;
	s15 =	spop (v2sf)  }
0x89: {  	v19 =	vbroadcast v1, $0xE;
	v2 =	vsel vm5, v2, v55;
	v60 =	vperm.xlane v52, v56;
	v12 =	vld [tilespmem:s14+$0x1F80];
	s16 =	sand.u32 $0xFFFFFFF0, s15;
	s17 =	spop (v2sf)  }
0x8a: {  	v1 =	vbroadcast v1, $0xF;
	v2 =	vsel vm6, v2, v3;
	v4 =	vperm.xlane v54, v58;
	v14 =	vld [tilespmem:s16+$0x2000];
	s18 =	sand.u32 $0xFFFFFFF0, s17  }
0x8b: {  	(v2sf) =	vpush v0, $0x5;
	v2 =	vsel vm7, v2, v60;
	v13 =	vperm.xlane v57, v61;
	v16 =	vld [tilespmem:s18+$0x2080]  }
0x8c: {  	(v2sf) =	vpush v0, $0x6;
	v2 =	vsel vm8, v2, v4;
	v3 =	vperm.xlane v59, v63  }
0x8d: {  	(v2sf) =	vpush v0, $0x7;
	v2 =	vsel vm9, v2, v13;
	v18 =	vperm.xlane v62, v15  }
0x8e: {  	v2 =	vsel vm10, v2, v3;
	(v2sf) =	vpush v0, $0x8;
	v4 =	vperm.xlane v12, v17  }
0x8f: {  	(v2sf) =	vpush v0, $0x9;
	v2 =	vsel vm11, v2, v18;
	v20 =	vperm.xlane v14, v19  }
0x90: {  	(v2sf) =	vpush v0, $0xA;
	v2 =	vsel vm12, v2, v4;
	v1 =	vperm.xlane v16, v1;
	s19 =	spop (v2sf)  }
0x91: {  	(v2sf) =	vpush v0, $0xB;
	v2 =	vsel vm13, v2, v20;
	s20 =	spop (v2sf)  }
0x92: {  	v1 =	vsel vm14, v2, v1;
	s22 =	spop (v2sf);
	(v2sf) =	vpush v0, $0xC  }
0x93: {  	s7 =	sand.u32 $0xFFFFFFF0, s19;
	[tilespmem:$0x4130] =	vst v1  }
0x94: {  	v1 =	vld [tilespmem:s7+$0x2100];
	s24 =	spop (v2sf);
	(v2sf) =	vpush v0, $0xD  }
0x95: {  	(v2sf) =	vpush v0, $0xE  }
0x96: {  	s26 =	spop (v2sf);
	(v2sf) =	vpush v0, $0xF  }
0x97: {  	v24 =	vbroadcast v0, $0x0;
	s21 =	sand.u32 $0xFFFFFFF0, s20  }
0x98: {  	v21 =	vld [tilespmem:s21+$0x2180]  }
0x99: {  	v26 =	vbroadcast v0, $0x1;
	s23 =	sand.u32 $0xFFFFFFF0, s22;
	v5 =	vperm.xlane v1, v24;
	v1 =	vld [tilespmem:$0xD0]  }
0x9a: {  	v28 =	vbroadcast v0, $0x2;
	v30 =	vbroadcast v0, $0x3;
	v22 =	vld [tilespmem:s23+$0x2200];
	s25 =	sand.u32 $0xFFFFFFF0, s24;
	s29 =	spop (v2sf)  }
0x9b: {  	v31 =	vbroadcast v0, $0x4;
	v33 =	vbroadcast v0, $0x5;
	v23 =	vld [tilespmem:s25+$0x2280];
	s28 =	sand.u32 $0xFFFFFFF0, s26;
	s31 =	spop (v2sf)  }
0x9c: {  	v35 =	vbroadcast v0, $0x6;
	v37 =	vbroadcast v0, $0x7;
	v25 =	vld [tilespmem:s28+$0x2300];
	s30 =	sand.u32 $0xFFFFFFF0, s29;
	s10 =	spop (v2sf)  }
0x9d: {  	v43 =	vbroadcast v0, $0x8;
	v46 =	vbroadcast v0, $0xA;
	v27 =	vld [tilespmem:s30+$0x2380];
	s9 =	sand.u32 $0xFFFFFFF0, s31;
	s11 =	spop (v2sf)  }
0x9e: {  	v47 =	vbroadcast v0, $0xB;
	v29 =	vld [tilespmem:s9+$0x2400];
	v2 =	vperm.xlane v21, v26;
	s7 =	sand.u32 $0xFFFFFFF0, s10;
	s12 =	spop (v2sf);
	(v2sf) =	vpush v1, $0x0  }
0x9f: {  	v45 =	vbroadcast v0, $0x9;
	v3 =	vperm.xlane v22, v28;
	v32 =	vld [tilespmem:s7+$0x2480];
	s7 =	sand.u32 $0xFFFFFFF0, s11;
	s14 =	spop (v2sf);
	(v2sf) =	vpush v1, $0x1  }
0xa0: {  	v2 =	vsel vm0, v5, v2;
	v4 =	vperm.xlane v23, v30;
	v38 =	vld [tilespmem:s7+$0x2500];
	s13 =	sand.u32 $0xFFFFFFF0, s12;
	s16 =	spop (v2sf);
	(v2sf) =	vpush v1, $0x2  }
0xa1: {  	v2 =	vsel vm1, v2, v3;
	v34 =	vperm.xlane v25, v31;
	v40 =	vld [tilespmem:s13+$0x2580];
	s15 =	sand.u32 $0xFFFFFFF0, s14;
	s18 =	spop (v2sf);
	(v2sf) =	vpush v1, $0x3  }
0xa2: {  	v53 =	vbroadcast v0, $0xC;
	v2 =	vsel vm2, v2, v4;
	v36 =	vperm.xlane v27, v33;
	v42 =	vld [tilespmem:s15+$0x2600];
	s17 =	sand.u32 $0xFFFFFFF0, s16  }
0xa3: {  	v55 =	vbroadcast v0, $0xD;
	v2 =	vsel vm3, v2, v34;
	v39 =	vperm.xlane v29, v35;
	v44 =	vld [tilespmem:s17+$0x2680];
	s7 =	sand.u32 $0xFFFFFFF0, s18;
	s19 =	spop (v2sf)  }
0xa4: {  	v2 =	vsel vm4, v2, v36;
	v41 =	vperm.xlane v32, v37;
	(v2sf) =	vpush v1, $0x4;
	v48 =	vld [tilespmem:s7+$0x2700];
	s20 =	sand.u32 $0xFFFFFFF0, s19;
	s21 =	spop (v2sf)  }
0xa5: {  	v56 =	vbroadcast v0, $0xE;
	v2 =	vsel vm5, v2, v39;
	v3 =	vperm.xlane v38, v43;
	v50 =	vld [tilespmem:s20+$0x2780];
	s22 =	sand.u32 $0xFFFFFFF0, s21;
	s23 =	spop (v2sf)  }
0xa6: {  	v0 =	vbroadcast v0, $0xF;
	v2 =	vsel vm6, v2, v41;
	v4 =	vperm.xlane v40, v45;
	v52 =	vld [tilespmem:s22+$0x2800];
	s24 =	sand.u32 $0xFFFFFFF0, s23  }
0xa7: {  	v2 =	vsel vm7, v2, v3;
	v49 =	vperm.xlane v42, v46;
	(v2sf) =	vpush v1, $0x5;
	v54 =	vld [tilespmem:s24+$0x2880]  }
0xa8: {  	v2 =	vsel vm8, v2, v4;
	v51 =	vperm.xlane v44, v47;
	(v2sf) =	vpush v1, $0x6  }
0xa9: {  	v2 =	vsel vm9, v2, v49;
	(v2sf) =	vpush v1, $0x7;
	v3 =	vperm.xlane v48, v53  }
0xaa: {  	v2 =	vsel vm10, v2, v51;
	(v2sf) =	vpush v1, $0x8;
	v4 =	vperm.xlane v50, v55  }
0xab: {  	(v2sf) =	vpush v1, $0x9;
	v2 =	vsel vm11, v2, v3;
	v57 =	vperm.xlane v52, v56  }
0xac: {  	(v2sf) =	vpush v1, $0xA;
	v2 =	vsel vm12, v2, v4;
	v0 =	vperm.xlane v54, v0  }
0xad: {  	(v2sf) =	vpush v1, $0xB;
	v2 =	vsel vm13, v2, v57;
	s25 =	spop (v2sf)  }
0xae: {  	v0 =	vsel vm14, v2, v0;
	s26 =	spop (v2sf);
	(v2sf) =	vpush v1, $0xC  }
0xaf: {  	s7 =	sand.u32 $0xFFFFFFF0, s25;
	[tilespmem:$0x4140] =	vst v0;
	s29 =	spop (v2sf);
	(v2sf) =	vpush v1, $0xD  }
0xb0: {  	v0 =	vld [tilespmem:s7+$0x2900];
	s31 =	spop (v2sf);
	(v2sf) =	vpush v1, $0xE;
	_ =	sdelay $0x2  }
0xb1: {  	v60 =	vbroadcast v1, $0x0;
	s9 =	spop (v2sf);
	(v2sf) =	vpush v1, $0xF;
	_ =	sdelay $0x1  }
0xb2: {  	s28 =	sand.u32 $0xFFFFFFF0, s26;
	v4 =	vperm.xlane v0, v60;
	v0 =	vld [tilespmem:$0xE0]  }
0xb3: {  	v58 =	vld [tilespmem:s28+$0x2980];
	s30 =	sand.u32 $0xFFFFFFF0, s29;
	s11 =	spop (v2sf)  }
0xb4: {  	v62 =	vbroadcast v1, $0x1;
	v12 =	vbroadcast v1, $0x2;
	v59 =	vld [tilespmem:s30+$0x2A00];
	s8 =	sand.u32 $0xFFFFFFF0, s31;
	s13 =	spop (v2sf)  }
0xb5: {  	v14 =	vbroadcast v1, $0x3;
	v15 =	vbroadcast v1, $0x4;
	v61 =	vld [tilespmem:s8+$0x2A80];
	s10 =	sand.u32 $0xFFFFFFF0, s9;
	s14 =	spop (v2sf)  }
0xb6: {  	v18 =	vbroadcast v1, $0x5;
	v22 =	vbroadcast v1, $0x6;
	v63 =	vld [tilespmem:s10+$0x2B00];
	s12 =	sand.u32 $0xFFFFFFF0, s11;
	s16 =	spop (v2sf)  }
0xb7: {  	v24 =	vbroadcast v1, $0x7;
	v27 =	vbroadcast v1, $0x8;
	v13 =	vld [tilespmem:s12+$0x2B80];
	s7 =	sand.u32 $0xFFFFFFF0, s13;
	s17 =	spop (v2sf);
	(v2sf) =	vpush v0, $0x0  }
0xb8: {  	v29 =	vbroadcast v1, $0x9;
	v2 =	vperm.xlane v58, v62;
	v16 =	vld [tilespmem:s7+$0x2C00];
	s15 =	sand.u32 $0xFFFFFFF0, s14;
	s19 =	spop (v2sf);
	(v2sf) =	vpush v0, $0x1  }
0xb9: {  	v34 =	vbroadcast v1, $0xB;
	v3 =	vperm.xlane v59, v12;
	v19 =	vld [tilespmem:s15+$0x2C80];
	s7 =	sand.u32 $0xFFFFFFF0, s16;
	s20 =	spop (v2sf);
	(v2sf) =	vpush v0, $0x2  }
0xba: {  	v2 =	vsel vm0, v4, v2;
	v17 =	vperm.xlane v61, v14;
	v23 =	vld [tilespmem:s7+$0x2D00];
	s18 =	sand.u32 $0xFFFFFFF0, s17;
	s22 =	spop (v2sf);
	(v2sf) =	vpush v0, $0x3  }
0xbb: {  	v2 =	vsel vm1, v2, v3;
	v20 =	vperm.xlane v63, v15;
	v25 =	vld [tilespmem:s18+$0x2D80];
	s7 =	sand.u32 $0xFFFFFFF0, s19;
	s23 =	spop (v2sf);
	(v2sf) =	vpush v0, $0x4  }
0xbc: {  	v2 =	vsel vm2, v2, v17;
	v21 =	vperm.xlane v13, v18;
	v28 =	vld [tilespmem:s7+$0x2E00];
	s21 =	sand.u32 $0xFFFFFFF0, s20;
	s25 =	spop (v2sf);
	(v2sf) =	vpush v0, $0x5  }
0xbd: {  	v32 =	vbroadcast v1, $0xA;
	v2 =	vsel vm3, v2, v20;
	v26 =	vperm.xlane v16, v22;
	v30 =	vld [tilespmem:s21+$0x2E80];
	s7 =	sand.u32 $0xFFFFFFF0, s22  }
0xbe: {  	v38 =	vbroadcast v1, $0xC;
	v2 =	vsel vm4, v2, v21;
	v3 =	vperm.xlane v19, v24;
	v33 =	vld [tilespmem:s7+$0x2F00];
	s24 =	sand.u32 $0xFFFFFFF0, s23  }
0xbf: {  	v40 =	vbroadcast v1, $0xD;
	v2 =	vsel vm5, v2, v26;
	v31 =	vperm.xlane v23, v27;
	v35 =	vld [tilespmem:s24+$0x2F80];
	s26 =	sand.u32 $0xFFFFFFF0, s25;
	s28 =	spop (v2sf)  }
0xc0: {  	v42 =	vbroadcast v1, $0xE;
	v2 =	vsel vm6, v2, v3;
	v4 =	vperm.xlane v25, v29;
	v37 =	vld [tilespmem:s26+$0x3000];
	s29 =	sand.u32 $0xFFFFFFF0, s28  }
0xc1: {  	v1 =	vbroadcast v1, $0xF;
	v2 =	vsel vm7, v2, v31;
	v36 =	vperm.xlane v28, v32;
	v39 =	vld [tilespmem:s29+$0x3080]  }
0xc2: {  	v2 =	vsel vm8, v2, v4;
	v3 =	vperm.xlane v30, v34;
	(v2sf) =	vpush v0, $0x6  }
0xc3: {  	v2 =	vsel vm9, v2, v36;
	(v2sf) =	vpush v0, $0x7;
	v41 =	vperm.xlane v33, v38  }
0xc4: {  	v2 =	vsel vm10, v2, v3;
	(v2sf) =	vpush v0, $0x8;
	v4 =	vperm.xlane v35, v40  }
0xc5: {  	(v2sf) =	vpush v0, $0x9;
	v2 =	vsel vm11, v2, v41;
	v43 =	vperm.xlane v37, v42  }
0xc6: {  	(v2sf) =	vpush v0, $0xA;
	v2 =	vsel vm12, v2, v4;
	v1 =	vperm.xlane v39, v1;
	s30 =	spop (v2sf)  }
0xc7: {  	(v2sf) =	vpush v0, $0xB;
	v2 =	vsel vm13, v2, v43;
	s31 =	spop (v2sf)  }
0xc8: {  	v1 =	vsel vm14, v2, v1;
	(v2sf) =	vpush v0, $0xC;
	s9 =	spop (v2sf)  }
0xc9: {  	s7 =	sand.u32 $0xFFFFFFF0, s30;
	[tilespmem:$0x4150] =	vst v1;
	s11 =	spop (v2sf);
	(v2sf) =	vpush v0, $0xD  }
0xca: {  	v1 =	vld [tilespmem:s7+$0x3100];
	s13 =	spop (v2sf);
	(v2sf) =	vpush v0, $0xE  }
0xcb: {  	v47 =	vbroadcast v0, $0x0;
	s15 =	spop (v2sf);
	(v2sf) =	vpush v0, $0xF  }
0xcc: {  	v49 =	vbroadcast v0, $0x1;
	v51 =	vbroadcast v0, $0x2;
	s8 =	sand.u32 $0xFFFFFFF0, s31  }
0xcd: {  	v53 =	vbroadcast v0, $0x3;
	v54 =	vbroadcast v0, $0x4;
	v44 =	vld [tilespmem:s8+$0x3180];
	s10 =	sand.u32 $0xFFFFFFF0, s9  }
0xce: {  	v56 =	vbroadcast v0, $0x5;
	v58 =	vbroadcast v0, $0x6;
	v45 =	vld [tilespmem:s10+$0x3200]  }
0xcf: {  	v60 =	vbroadcast v0, $0x7;
	s12 =	sand.u32 $0xFFFFFFF0, s11;
	v5 =	vperm.xlane v1, v47;
	v1 =	vld [tilespmem:$0xF0]  }
0xd0: {  	v14 =	vbroadcast v0, $0x8;
	v17 =	vbroadcast v0, $0xA;
	v46 =	vld [tilespmem:s12+$0x3280];
	s14 =	sand.u32 $0xFFFFFFF0, s13  }
0xd1: {  	v18 =	vbroadcast v0, $0xB;
	v16 =	vbroadcast v0, $0x9;
	v48 =	vld [tilespmem:s14+$0x3300];
	s16 =	sand.u32 $0xFFFFFFF0, s15;
	s17 =	spop (v2sf)  }
0xd2: {  	v24 =	vbroadcast v0, $0xC;
	v26 =	vbroadcast v0, $0xD;
	v50 =	vld [tilespmem:s16+$0x3380];
	s18 =	sand.u32 $0xFFFFFFF0, s17;
	s19 =	spop (v2sf)  }
0xd3: {  	v27 =	vbroadcast v0, $0xE;
	v2 =	vperm.xlane v44, v49;
	v52 =	vld [tilespmem:s18+$0x3400];
	s7 =	sand.u32 $0xFFFFFFF0, s19;
	s20 =	spop (v2sf)  }
0xd4: {  	v0 =	vbroadcast v0, $0xF;
	v3 =	vperm.xlane v45, v51;
	v55 =	vld [tilespmem:s7+$0x3480];
	s7 =	sand.u32 $0xFFFFFFF0, s20;
	s21 =	spop (v2sf);
	(v2sf) =	vpush v1, $0x0  }
0xd5: {  	v2 =	vsel vm0, v5, v2;
	v4 =	vperm.xlane v46, v53;
	v61 =	vld [tilespmem:s7+$0x3500];
	s22 =	sand.u32 $0xFFFFFFF0, s21;
	s23 =	spop (v2sf);
	(v2sf) =	vpush v1, $0x1  }
0xd6: {  	v2 =	vsel vm1, v2, v3;
	v57 =	vperm.xlane v48, v54;
	v63 =	vld [tilespmem:s22+$0x3580];
	s24 =	sand.u32 $0xFFFFFFF0, s23;
	s25 =	spop (v2sf);
	(v2sf) =	vpush v1, $0x2  }
0xd7: {  	v2 =	vsel vm2, v2, v4;
	v59 =	vperm.xlane v50, v56;
	v13 =	vld [tilespmem:s24+$0x3600];
	s26 =	sand.u32 $0xFFFFFFF0, s25;
	s28 =	spop (v2sf);
	(v2sf) =	vpush v1, $0x3  }
0xd8: {  	v2 =	vsel vm3, v2, v57;
	v62 =	vperm.xlane v52, v58;
	v15 =	vld [tilespmem:s26+$0x3680];
	s7 =	sand.u32 $0xFFFFFFF0, s28;
	(v2sf) =	vpush v1, $0x4;
	s29 =	spop (v2sf)  }
0xd9: {  	v2 =	vsel vm4, v2, v59;
	v12 =	vperm.xlane v55, v60;
	v19 =	vld [tilespmem:s7+$0x3700];
	(v2sf) =	vpush v1, $0x5;
	s30 =	sand.u32 $0xFFFFFFF0, s29;
	s31 =	spop (v2sf)  }
0xda: {  	v2 =	vsel vm5, v2, v62;
	v3 =	vperm.xlane v61, v14;
	(v2sf) =	vpush v1, $0x6;
	v21 =	vld [tilespmem:s30+$0x3780];
	s9 =	sand.u32 $0xFFFFFFF0, s31;
	s10 =	spop (v2sf)  }
0xdb: {  	v2 =	vsel vm6, v2, v12;
	v4 =	vperm.xlane v63, v16;
	(v2sf) =	vpush v1, $0x7;
	v23 =	vld [tilespmem:s9+$0x3800];
	s11 =	sand.u32 $0xFFFFFFF0, s10  }
0xdc: {  	v2 =	vsel vm7, v2, v3;
	v20 =	vperm.xlane v13, v17;
	(v2sf) =	vpush v1, $0x8;
	v25 =	vld [tilespmem:s11+$0x3880]  }
0xdd: {  	v2 =	vsel vm8, v2, v4;
	v22 =	vperm.xlane v15, v18;
	(v2sf) =	vpush v1, $0x9  }
0xde: {  	v2 =	vsel vm9, v2, v20;
	v3 =	vperm.xlane v19, v24;
	(v2sf) =	vpush v1, $0xA  }
0xdf: {  	v2 =	vsel vm10, v2, v22;
	(v2sf) =	vpush v1, $0xB;
	v4 =	vperm.xlane v21, v26  }
0xe0: {  	v2 =	vsel vm11, v2, v3;
	(v2sf) =	vpush v1, $0xC;
	v28 =	vperm.xlane v23, v27  }
0xe1: {  	(v2sf) =	vpush v1, $0xD;
	v2 =	vsel vm12, v2, v4;
	v0 =	vperm.xlane v25, v0  }
0xe2: {  	(v2sf) =	vpush v1, $0xE;
	v2 =	vsel vm13, v2, v28  }
0xe3: {  	s12 =	spop (v2sf);
	(v2sf) =	vpush v1, $0xF;
	v0 =	vsel vm14, v2, v0  }
0xe4: {  	s13 =	spop (v2sf);
	s7 =	sand.u32 $0xFFFFFFF0, s12;
	[tilespmem:$0x4160] =	vst v0  }
0xe5: {  	s14 =	spop (v2sf);
	s8 =	sand.u32 $0xFFFFFFF0, s13;
	v0 =	vld [tilespmem:s7+$0x3900]  }
0xe6: {  	s15 =	spop (v2sf);
	v29 =	vld [tilespmem:s8+$0x3980];
	s7 =	sand.u32 $0xFFFFFFF0, s14  }
0xe7: {  	s16 =	spop (v2sf);
	s8 =	sand.u32 $0xFFFFFFF0, s15;
	v30 =	vld [tilespmem:s7+$0x3A00]  }
0xe8: {  	v31 =	vld [tilespmem:s8+$0x3A80];
	s17 =	spop (v2sf);
	s7 =	sand.u32 $0xFFFFFFF0, s16  }
0xe9: {  	v32 =	vbroadcast v1, $0x0;
	v34 =	vbroadcast v1, $0x1;
	v33 =	vld [tilespmem:s7+$0x3B00];
	s18 =	spop (v2sf);
	s8 =	sand.u32 $0xFFFFFFF0, s17  }
0xea: {  	v36 =	vbroadcast v1, $0x2;
	v38 =	vbroadcast v1, $0x3;
	v35 =	vld [tilespmem:s8+$0x3B80];
	s19 =	spop (v2sf);
	s7 =	sand.u32 $0xFFFFFFF0, s18  }
0xeb: {  	v37 =	vld [tilespmem:s7+$0x3C00];
	s20 =	spop (v2sf);
	s8 =	sand.u32 $0xFFFFFFF0, s19;
	v0 =	vperm.xlane v0, v32;
	v2 =	vperm.xlane v29, v34  }
0xec: {  	v40 =	vbroadcast v1, $0x4;
	v39 =	vld [tilespmem:s8+$0x3C80];
	s21 =	spop (v2sf);
	s7 =	sand.u32 $0xFFFFFFF0, s20;
	v3 =	vperm.xlane v30, v36  }
0xed: {  	v42 =	vbroadcast v1, $0x5;
	v41 =	vld [tilespmem:s7+$0x3D00];
	s22 =	spop (v2sf);
	v4 =	vperm.xlane v31, v38;
	s8 =	sand.u32 $0xFFFFFFF0, s21;
	v0 =	vsel vm0, v0, v2  }
0xee: {  	v44 =	vbroadcast v1, $0x6;
	v43 =	vld [tilespmem:s8+$0x3D80];
	s23 =	spop (v2sf);
	v5 =	vperm.xlane v33, v40;
	s7 =	sand.u32 $0xFFFFFFF0, s22;
	v0 =	vsel vm1, v0, v3  }
0xef: {  	v46 =	vbroadcast v1, $0x7;
	v45 =	vld [tilespmem:s7+$0x3E00];
	s24 =	spop (v2sf);
	v7 =	vperm.xlane v35, v42;
	s8 =	sand.u32 $0xFFFFFFF0, s23;
	v0 =	vsel vm2, v0, v4  }
0xf0: {  	v48 =	vbroadcast v1, $0x8;
	v47 =	vld [tilespmem:s8+$0x3E80];
	s25 =	spop (v2sf);
	v6 =	vperm.xlane v37, v44;
	s7 =	sand.u32 $0xFFFFFFF0, s24;
	v0 =	vsel vm3, v0, v5  }
0xf1: {  	v50 =	vbroadcast v1, $0x9;
	v49 =	vld [tilespmem:s7+$0x3F00];
	s26 =	spop (v2sf);
	v8 =	vperm.xlane v39, v46;
	s8 =	sand.u32 $0xFFFFFFF0, s25;
	v0 =	vsel vm4, v0, v7  }
0xf2: {  	v51 =	vbroadcast v1, $0xA;
	v2 =	vperm.xlane v41, v48;
	v52 =	vld [tilespmem:s8+$0x3F80];
	s7 =	sand.u32 $0xFFFFFFF0, s26;
	s28 =	spop (v2sf);
	v0 =	vsel vm5, v0, v6  }
0xf3: {  	v53 =	vbroadcast v1, $0xB;
	v3 =	vperm.xlane v43, v50;
	v54 =	vld [tilespmem:s7+$0x4000];
	s29 =	sand.u32 $0xFFFFFFF0, s28;
	v0 =	vsel vm6, v0, v8  }
0xf4: {  	v56 =	vbroadcast v1, $0xC;
	v55 =	vperm.xlane v45, v51;
	v57 =	vld [tilespmem:s29+$0x4080];
	v0 =	vsel vm7, v0, v2  }
0xf5: {  	v59 =	vbroadcast v1, $0xD;
	v58 =	vperm.xlane v47, v53;
	v0 =	vsel vm8, v0, v3  }
0xf6: {  	v61 =	vbroadcast v1, $0xE;
	v60 =	vperm.xlane v49, v56;
	v0 =	vsel vm9, v0, v55  }
0xf7: {  	v1 =	vbroadcast v1, $0xF;
	v62 =	vperm.xlane v52, v59;
	v0 =	vsel vm10, v0, v58  }
0xf8: {  	v63 =	vperm.xlane v54, v61;
	v0 =	vsel vm11, v0, v60  }
0xf9: {  	v1 =	vperm.xlane v57, v1;
	v0 =	vsel vm12, v0, v62  }
0xfa: {  	v0 =	vsel vm13, v0, v63  }
0xfb: {  	p0 =	sne.s32 s3, $0x1;
	s30 =	rddreg [dreg:$0x7];
	v0 =	vsel vm14, v0, v1  }
.Ltmp0:
0xfc: {  	s31 =	rddreg [dreg:$0x8];
	[tilespmem:$0x4170] =	vst v0;
	(pc) =	sbr.rel @p0 .LBB2_1-.Ltmp0, $4  }
0xfd: {  	[hbm4b:s30+s2] =	stream.linear.scatter [tilespmem:s31], [sflag:$0x2], $0x80, $0x38;
	[tilespmem:$0x4180] =	vst v63  }
0xfe: {  	_ =	swait.ge [sflag:s4], $0x80  }
0xff: {  	[sflag:s4] =	ssyncset.done $0x0  }
0x100: {  	s3 =	sadd.s32 $0xFFFFFFFF, s3;
	[sflag:s4] =	ssyncadd.s32 $0xFFFFFF80  }
0x101: {  	_ =	sfence.sel $0x180000  }
0x102: {  	[bflag:$0x0] =	sbarrier.arrive $0xFFFF  }
0x103: {  	p0 =	sne.s32 s0, $0x0;
	_ =	strace $0x90000047  }
0x104: {  	s0 =	sadd.s32 @!p0 $0x100000, s1;
	[bflag:$0x2] =	sbarrier.arrive $0xFFFF  }
0x105: {  	[sflag:s0] =	ssyncadd.tile.s32 @!p0 $0x1;
	_ =	shalt  }
.Lfunc_end2:
_tile_overlayer_lowered:
.L_overlay_start_2:
0x106: {  	(tag) =	ssettag $0x2  }
0x107: {  	s0 =	rddreg [dreg:$0x0];
	s2 =	stileid.u32  }
0x108: {  	s1 =	rddreg [dreg:$0x1];
	p0 =	sne.s32 s2, $0x0  }
0x109: {  	s3 =	rddreg [dreg:$0x2];
	[bflag:$0x3] =	sbarrier.arrive $0xFFFF;
	s2 =	simm.s32 @!p0 $0x1C02  }
0x10a: {  	[timem:s3], [sflag:s2] =	dma.local @!p0 [hbm:s0], s1  }
0x10b: {  	s0 =	simm.s32 @!p0 $0x2  }
0x10c: {  	_ =	swait.ge @!p0 [sflag:s0], s1  }
0x10d: {  	s1 =	ssub.s32 @!p0 $0x0, s1;
	[sflag:s0] =	ssyncset.done @!p0 $0x0  }
0x10e: {  	[sflag:s0] =	ssyncadd.s32 @!p0 s1  }
0x10f: {  	[bflag:$0x3] =	sbarrier.arrive $0xFFFF  }
0x110: {  	_ =	shalt  }

</sc_bundles>
